<compile_context>
chip_gen: v7x
topology: tpu7x:2x2x1
jax: 0.10.2.dev20260603
libtpu: 0.0.44.dev20260713+nightly
codegen_flags: <defaults>
</compile_context>

<pallas_src>
import functools

import jax
import jax.numpy as jnp
from jax import lax
from jax.experimental import pallas as pl
from jax.experimental.pallas import tpu as pltpu
from jax.experimental.pallas import tpu_sc as plsc

_B = 4096
_D = 512
_NC = 2
_NS = 16
_NW = _NC * _NS
_BPW = _B // _NW
_CH = 32
_NCHUNK = _BPW // _CH
_LANES = 16
_SCALE = 0.5 / _B

_mesh = plsc.VectorSubcoreMesh(core_axis_name="c", subcore_axis_name="s")


_NBUF = 3


@functools.partial(
    pl.kernel,
    out_type=jax.ShapeDtypeStruct((_NW, _LANES), jnp.float32),
    mesh=_mesh,
    scratch_types=[
        pltpu.VMEM((_BPW,), jnp.int32),
        pltpu.VMEM((_NBUF, _CH, _D), jnp.float32),
        pltpu.VMEM((_NBUF, _CH, _D), jnp.float32),
        pltpu.VMEM((_LANES,), jnp.float32),
        pltpu.SemaphoreType.DMA,
        pltpu.SemaphoreType.DMA,
        pltpu.SemaphoreType.DMA,
        pltpu.SemaphoreType.DMA,
        pltpu.SemaphoreType.DMA,
        pltpu.SemaphoreType.DMA,
    ],
)
def _center_loss_partial(feat_hbm, centers_hbm, label_hbm, out_hbm,
                         idx_v, cbuf, fbuf, accbuf,
                         csem0, csem1, csem2, fsem0, fsem1, fsem2):
    wid = lax.axis_index("s") * _NC + lax.axis_index("c")
    base = wid * _BPW

    pltpu.sync_copy(label_hbm.at[pl.ds(base, _BPW)], idx_v)

    csems = (csem0, csem1, csem2)
    fsems = (fsem0, fsem1, fsem2)

    def start(j):
        b = j % _NBUF
        cc = pltpu.async_copy(centers_hbm.at[idx_v.at[pl.ds(j * _CH, _CH)]],
                              cbuf.at[b], csems[b])
        fc = pltpu.async_copy(feat_hbm.at[pl.ds(base + j * _CH, _CH)],
                              fbuf.at[b], fsems[b])
        return cc, fc

    zero = jnp.zeros((_LANES,), jnp.float32)
    accs = (zero, zero, zero, zero)

    pending = [start(j) for j in range(_NBUF - 1)]
    for j in range(_NCHUNK):
        if j + _NBUF - 1 < _NCHUNK:
            pending.append(start(j + _NBUF - 1))
        cc, fc = pending.pop(0)
        cc.wait()
        fc.wait()
        b = j % _NBUF

        @plsc.parallel_loop(0, _CH, step=1, unroll=2, carry=accs)
        def accs(i, acc4, _b=b):
            a = list(acc4)
            for k in range(_D // _LANES):
                d = (fbuf[_b, i, pl.ds(k * _LANES, _LANES)]
                     - cbuf[_b, i, pl.ds(k * _LANES, _LANES)])
                a[k % 4] = a[k % 4] + d * d
            return tuple(a)

    total = ((accs[0] + accs[1]) + (accs[2] + accs[3])) * _SCALE
    accbuf[...] = total
    pltpu.sync_copy(accbuf, out_hbm.at[wid])


def kernel(feat, centers, label):
    partials = _center_loss_partial(feat, centers, label)
    return jnp.sum(partials)

# --- scband reference (transcript-rebuilt; emitter-appended) ---
"""Pipeline reference for scband-center-loss-86973087744280 (READ-ONLY COPY).

The authoritative reference and input builder live on the scoring server;
editing this copy changes nothing except your own understanding.
"""

import jax, jax.numpy as jnp
import numpy as np

NUM_CLASSES = 10000
FEAT_DIM = 512
BATCH = 4096


def setup_inputs(seed: int = 0) -> dict:
    key = jax.random.key(seed)
    k1, k2, k3 = jax.random.split(key, 3)
    feat = jax.random.normal(k1, (BATCH, FEAT_DIM), dtype=jnp.float32)
    label = jax.random.randint(k2, (BATCH,), 0, NUM_CLASSES, dtype=jnp.int32)
    # learned parameter: class centers (R == 0 -> standard randn init)
    centers = jax.random.normal(k3, (NUM_CLASSES, FEAT_DIM), dtype=jnp.float32)
    return {"feat": feat, "centers": centers, "label": label}


def reference(feat, centers, label):
    # CenterLoss.forward with metric_mode='pairwise', size_average=True
    batch_size = feat.shape[0]
    feat = feat.reshape(batch_size, -1)
    # CenterlossFunc.forward: gather centers for each label, squared L2 / 2 / B
    centers_batch = jnp.take(centers, label, axis=0)
    loss = jnp.sum((feat - centers_batch) ** 2) / 2.0 / batch_size
    return loss

if __name__ == "__main__":
    import jax
    _d = setup_inputs()
    print(jax.jit(kernel)(*tuple(_d.values())))

</pallas_src>

<mosaic_0001>
#map = affine_map<(d0, d1) -> (0, 0)>
#map1 = affine_map<(d0, d1) -> (0)>
module attributes {stable_mosaic.version = 14 : i64} {
  func.func @_center_loss_partial(%arg0: i32, %arg1: i32, %arg2: memref<4096x512xf32, #tpu.memory_space<hbm>>, %arg3: memref<10000x512xf32, #tpu.memory_space<hbm>>, %arg4: memref<4096xi32, #tpu.memory_space<hbm>>, %arg5: memref<32x16xf32, #tpu.memory_space<hbm>>, %arg6: memref<128xi32, #tpu.memory_space<vmem>>, %arg7: memref<3x32x512xf32, #tpu.memory_space<vmem>>, %arg8: memref<3x32x512xf32, #tpu.memory_space<vmem>>, %arg9: memref<16xf32, #tpu.memory_space<vmem>>, %arg10: memref<!tpu.dma_semaphore, #tpu.memory_space<semaphore_mem>>, %arg11: memref<!tpu.dma_semaphore, #tpu.memory_space<semaphore_mem>>, %arg12: memref<!tpu.dma_semaphore, #tpu.memory_space<semaphore_mem>>, %arg13: memref<!tpu.dma_semaphore, #tpu.memory_space<semaphore_mem>>, %arg14: memref<!tpu.dma_semaphore, #tpu.memory_space<semaphore_mem>>, %arg15: memref<!tpu.dma_semaphore, #tpu.memory_space<semaphore_mem>>) attributes {dimension_semantics = [#tpu.dimension_semantics<core_parallel>, #tpu.dimension_semantics<subcore_parallel>], iteration_bounds = array<i64: 2, 16>, scalar_prefetch = 0 : i64, scratch_operands = 10 : i64, tpu.core_type = #tpu.core_type<sc_vector_subcore>, window_params = [{transform_indices = #map}, {transform_indices = #map}, {transform_indices = #map1}, {transform_indices = #map}]} {
    %mul3A = arith.constant 2 : i32
    %mul3A_0 = arith.muli %arg1, %mul3A : i32
    %add3A = arith.addi %mul3A_0, %arg0 : i32
    %mul3A_1 = arith.constant 128 : i32
    %mul3A_2 = arith.muli %add3A, %mul3A_1 : i32
    "tpu.region"() ({
      %run_scoped3A = tpu.sem_alloc : memref<!tpu.dma_semaphore, #tpu.memory_space<semaphore_mem>>
      %dma_start3A_218 = tpu.memref_slice %arg4[%mul3A_2] : memref<4096xi32, #tpu.memory_space<hbm>> -> memref<128xi32, #tpu.memory_space<hbm>>
      %dma_start3A_219 = tpu.memref_slice %arg4[%mul3A_2] : memref<4096xi32, #tpu.memory_space<hbm>> -> memref<128xi32, #tpu.memory_space<hbm>>
      tpu.enqueue_dma source(%dma_start3A_219 : memref<128xi32, #tpu.memory_space<hbm>>) target(%arg6 : memref<128xi32, #tpu.memory_space<vmem>>) target_semaphore(%run_scoped3A : memref<!tpu.dma_semaphore, #tpu.memory_space<semaphore_mem>>)
      %dma_wait3A_220 = tpu.memref_slice %arg4[%mul3A_2] : memref<4096xi32, #tpu.memory_space<hbm>> -> memref<128xi32, #tpu.memory_space<hbm>>
      %dma_wait3A_221 = tpu.memref_slice %arg4[%mul3A_2] : memref<4096xi32, #tpu.memory_space<hbm>> -> memref<128xi32, #tpu.memory_space<hbm>>
      tpu.wait_dma2 semaphore(%run_scoped3A : memref<!tpu.dma_semaphore, #tpu.memory_space<semaphore_mem>>) src(%dma_wait3A_221 : memref<128xi32, #tpu.memory_space<hbm>>) dst(%arg6 : memref<128xi32, #tpu.memory_space<vmem>>)
      tpu.yield
    }) : () -> ()
    %broadcast_in_dim3A = arith.constant 0.000000e+00 : f32
    %broadcast_in_dim3A_3 = vector.broadcast %broadcast_in_dim3A : f32 to vector<16xf32>
    %dma_start3A = arith.constant 0 : i32
    %dma_start3A_4 = arith.constant 0 : i32
    %dma_start3A_5 = arith.constant 0 : i32
    %dma_start3A_6 = tpu.memref_slice %arg7[%dma_start3A, %dma_start3A_4, %dma_start3A_5] : memref<3x32x512xf32, #tpu.memory_space<vmem>> -> memref<1x32x512xf32, #tpu.memory_space<vmem>>
    %dma_start3A_7 = tpu.memref_squeeze %dma_start3A_6 : memref<1x32x512xf32, #tpu.memory_space<vmem>> -> memref<32x512xf32, #tpu.memory_space<vmem>>
    %dma_start3A_8 = arith.constant 0 : i32
    %dma_start3A_9 = tpu.memref_slice %arg6[%dma_start3A_8] : memref<128xi32, #tpu.memory_space<vmem>> -> memref<32xi32, #tpu.memory_space<vmem>>
    %dma_start3A_10 = arith.constant 0 : i32
    %dma_start3A_11 = arith.constant 0 : i32
    %dma_start3A_12 = tpu.memref_slice %arg3[%dma_start3A_10, %dma_start3A_11] : memref<10000x512xf32, #tpu.memory_space<hbm>> -> memref<10000x512xf32, #tpu.memory_space<hbm>>
    tpu.enqueue_indirect_dma source(%dma_start3A_12 : memref<10000x512xf32, #tpu.memory_space<hbm>>) target(%dma_start3A_7 : memref<32x512xf32, #tpu.memory_space<vmem>>) offsets(%dma_start3A_9 : memref<32xi32, #tpu.memory_space<vmem>>) semaphore(%arg10 : memref<!tpu.dma_semaphore, #tpu.memory_space<semaphore_mem>>)
    %add3A_13 = arith.constant 0 : i32
    %add3A_14 = arith.addi %mul3A_2, %add3A_13 : i32
    %dma_start3A_15 = arith.constant 0 : i32
    %dma_start3A_16 = arith.constant 0 : i32
    %dma_start3A_17 = arith.constant 0 : i32
    %dma_start3A_18 = tpu.memref_slice %arg8[%dma_start3A_15, %dma_start3A_16, %dma_start3A_17] : memref<3x32x512xf32, #tpu.memory_space<vmem>> -> memref<1x32x512xf32, #tpu.memory_space<vmem>>
    %dma_start3A_19 = tpu.memref_squeeze %dma_start3A_18 : memref<1x32x512xf32, #tpu.memory_space<vmem>> -> memref<32x512xf32, #tpu.memory_space<vmem>>
    %dma_start3A_20 = arith.constant 0 : i32
    %dma_start3A_21 = tpu.memref_slice %arg2[%add3A_14, %dma_start3A_20] : memref<4096x512xf32, #tpu.memory_space<hbm>> -> memref<32x512xf32, #tpu.memory_space<hbm>>
    %dma_start3A_22 = arith.constant 0 : i32
    %dma_start3A_23 = arith.constant 0 : i32
    %dma_start3A_24 = tpu.memref_slice %arg8[%dma_start3A_15, %dma_start3A_22, %dma_start3A_23] : memref<3x32x512xf32, #tpu.memory_space<vmem>> -> memref<1x32x512xf32, #tpu.memory_space<vmem>>
    %dma_start3A_25 = tpu.memref_squeeze %dma_start3A_24 : memref<1x32x512xf32, #tpu.memory_space<vmem>> -> memref<32x512xf32, #tpu.memory_space<vmem>>
    %dma_start3A_26 = arith.constant 0 : i32
    %dma_start3A_27 = tpu.memref_slice %arg2[%add3A_14, %dma_start3A_26] : memref<4096x512xf32, #tpu.memory_space<hbm>> -> memref<32x512xf32, #tpu.memory_space<hbm>>
    tpu.enqueue_dma source(%dma_start3A_27 : memref<32x512xf32, #tpu.memory_space<hbm>>) target(%dma_start3A_25 : memref<32x512xf32, #tpu.memory_space<vmem>>) target_semaphore(%arg13 : memref<!tpu.dma_semaphore, #tpu.memory_space<semaphore_mem>>)
    %dma_start3A_28 = arith.constant 1 : i32
    %dma_start3A_29 = arith.constant 0 : i32
    %dma_start3A_30 = arith.constant 0 : i32
    %dma_start3A_31 = tpu.memref_slice %arg7[%dma_start3A_28, %dma_start3A_29, %dma_start3A_30] : memref<3x32x512xf32, #tpu.memory_space<vmem>> -> memref<1x32x512xf32, #tpu.memory_space<vmem>>
    %dma_start3A_32 = tpu.memref_squeeze %dma_start3A_31 : memref<1x32x512xf32, #tpu.memory_space<vmem>> -> memref<32x512xf32, #tpu.memory_space<vmem>>
    %dma_start3A_33 = arith.constant 32 : i32
    %dma_start3A_34 = tpu.memref_slice %arg6[%dma_start3A_33] : memref<128xi32, #tpu.memory_space<vmem>> -> memref<32xi32, #tpu.memory_space<vmem>>
    %dma_start3A_35 = arith.constant 0 : i32
    %dma_start3A_36 = arith.constant 0 : i32
    %dma_start3A_37 = tpu.memref_slice %arg3[%dma_start3A_35, %dma_start3A_36] : memref<10000x512xf32, #tpu.memory_space<hbm>> -> memref<10000x512xf32, #tpu.memory_space<hbm>>
    tpu.enqueue_indirect_dma source(%dma_start3A_37 : memref<10000x512xf32, #tpu.memory_space<hbm>>) target(%dma_start3A_32 : memref<32x512xf32, #tpu.memory_space<vmem>>) offsets(%dma_start3A_34 : memref<32xi32, #tpu.memory_space<vmem>>) semaphore(%arg11 : memref<!tpu.dma_semaphore, #tpu.memory_space<semaphore_mem>>)
    %add3A_38 = arith.constant 32 : i32
    %add3A_39 = arith.addi %mul3A_2, %add3A_38 : i32
    %dma_start3A_40 = arith.constant 1 : i32
    %dma_start3A_41 = arith.constant 0 : i32
    %dma_start3A_42 = arith.constant 0 : i32
    %dma_start3A_43 = tpu.memref_slice %arg8[%dma_start3A_40, %dma_start3A_41, %dma_start3A_42] : memref<3x32x512xf32, #tpu.memory_space<vmem>> -> memref<1x32x512xf32, #tpu.memory_space<vmem>>
    %dma_start3A_44 = tpu.memref_squeeze %dma_start3A_43 : memref<1x32x512xf32, #tpu.memory_space<vmem>> -> memref<32x512xf32, #tpu.memory_space<vmem>>
    %dma_start3A_45 = arith.constant 0 : i32
    %dma_start3A_46 = tpu.memref_slice %arg2[%add3A_39, %dma_start3A_45] : memref<4096x512xf32, #tpu.memory_space<hbm>> -> memref<32x512xf32, #tpu.memory_space<hbm>>
    %dma_start3A_47 = arith.constant 0 : i32
    %dma_start3A_48 = arith.constant 0 : i32
    %dma_start3A_49 = tpu.memref_slice %arg8[%dma_start3A_40, %dma_start3A_47, %dma_start3A_48] : memref<3x32x512xf32, #tpu.memory_space<vmem>> -> memref<1x32x512xf32, #tpu.memory_space<vmem>>
    %dma_start3A_50 = tpu.memref_squeeze %dma_start3A_49 : memref<1x32x512xf32, #tpu.memory_space<vmem>> -> memref<32x512xf32, #tpu.memory_space<vmem>>
    %dma_start3A_51 = arith.constant 0 : i32
    %dma_start3A_52 = tpu.memref_slice %arg2[%add3A_39, %dma_start3A_51] : memref<4096x512xf32, #tpu.memory_space<hbm>> -> memref<32x512xf32, #tpu.memory_space<hbm>>
    tpu.enqueue_dma source(%dma_start3A_52 : memref<32x512xf32, #tpu.memory_space<hbm>>) target(%dma_start3A_50 : memref<32x512xf32, #tpu.memory_space<vmem>>) target_semaphore(%arg14 : memref<!tpu.dma_semaphore, #tpu.memory_space<semaphore_mem>>)
    %dma_start3A_53 = arith.constant 2 : i32
    %dma_start3A_54 = arith.constant 0 : i32
    %dma_start3A_55 = arith.constant 0 : i32
    %dma_start3A_56 = tpu.memref_slice %arg7[%dma_start3A_53, %dma_start3A_54, %dma_start3A_55] : memref<3x32x512xf32, #tpu.memory_space<vmem>> -> memref<1x32x512xf32, #tpu.memory_space<vmem>>
    %dma_start3A_57 = tpu.memref_squeeze %dma_start3A_56 : memref<1x32x512xf32, #tpu.memory_space<vmem>> -> memref<32x512xf32, #tpu.memory_space<vmem>>
    %dma_start3A_58 = arith.constant 64 : i32
    %dma_start3A_59 = tpu.memref_slice %arg6[%dma_start3A_58] : memref<128xi32, #tpu.memory_space<vmem>> -> memref<32xi32, #tpu.memory_space<vmem>>
    %dma_start3A_60 = arith.constant 0 : i32
    %dma_start3A_61 = arith.constant 0 : i32
    %dma_start3A_62 = tpu.memref_slice %arg3[%dma_start3A_60, %dma_start3A_61] : memref<10000x512xf32, #tpu.memory_space<hbm>> -> memref<10000x512xf32, #tpu.memory_space<hbm>>
    tpu.enqueue_indirect_dma source(%dma_start3A_62 : memref<10000x512xf32, #tpu.memory_space<hbm>>) target(%dma_start3A_57 : memref<32x512xf32, #tpu.memory_space<vmem>>) offsets(%dma_start3A_59 : memref<32xi32, #tpu.memory_space<vmem>>) semaphore(%arg12 : memref<!tpu.dma_semaphore, #tpu.memory_space<semaphore_mem>>)
    %add3A_63 = arith.constant 64 : i32
    %add3A_64 = arith.addi %mul3A_2, %add3A_63 : i32
    %dma_start3A_65 = arith.constant 2 : i32
    %dma_start3A_66 = arith.constant 0 : i32
    %dma_start3A_67 = arith.constant 0 : i32
    %dma_start3A_68 = tpu.memref_slice %arg8[%dma_start3A_65, %dma_start3A_66, %dma_start3A_67] : memref<3x32x512xf32, #tpu.memory_space<vmem>> -> memref<1x32x512xf32, #tpu.memory_space<vmem>>
    %dma_start3A_69 = tpu.memref_squeeze %dma_start3A_68 : memref<1x32x512xf32, #tpu.memory_space<vmem>> -> memref<32x512xf32, #tpu.memory_space<vmem>>
    %dma_start3A_70 = arith.constant 0 : i32
    %dma_start3A_71 = tpu.memref_slice %arg2[%add3A_64, %dma_start3A_70] : memref<4096x512xf32, #tpu.memory_space<hbm>> -> memref<32x512xf32, #tpu.memory_space<hbm>>
    %dma_start3A_72 = arith.constant 0 : i32
    %dma_start3A_73 = arith.constant 0 : i32
    %dma_start3A_74 = tpu.memref_slice %arg8[%dma_start3A_65, %dma_start3A_72, %dma_start3A_73] : memref<3x32x512xf32, #tpu.memory_space<vmem>> -> memref<1x32x512xf32, #tpu.memory_space<vmem>>
    %dma_start3A_75 = tpu.memref_squeeze %dma_start3A_74 : memref<1x32x512xf32, #tpu.memory_space<vmem>> -> memref<32x512xf32, #tpu.memory_space<vmem>>
    %dma_start3A_76 = arith.constant 0 : i32
    %dma_start3A_77 = tpu.memref_slice %arg2[%add3A_64, %dma_start3A_76] : memref<4096x512xf32, #tpu.memory_space<hbm>> -> memref<32x512xf32, #tpu.memory_space<hbm>>
    tpu.enqueue_dma source(%dma_start3A_77 : memref<32x512xf32, #tpu.memory_space<hbm>>) target(%dma_start3A_75 : memref<32x512xf32, #tpu.memory_space<vmem>>) target_semaphore(%arg15 : memref<!tpu.dma_semaphore, #tpu.memory_space<semaphore_mem>>)
    %dma_wait3A = arith.constant 0 : i32
    %dma_wait3A_78 = arith.constant 0 : i32
    %dma_wait3A_79 = arith.constant 0 : i32
    %dma_wait3A_80 = tpu.memref_slice %arg7[%dma_wait3A, %dma_wait3A_78, %dma_wait3A_79] : memref<3x32x512xf32, #tpu.memory_space<vmem>> -> memref<1x32x512xf32, #tpu.memory_space<vmem>>
    %dma_wait3A_81 = tpu.memref_squeeze %dma_wait3A_80 : memref<1x32x512xf32, #tpu.memory_space<vmem>> -> memref<32x512xf32, #tpu.memory_space<vmem>>
    %dma_wait3A_82 = arith.constant 0 : i32
    %dma_wait3A_83 = tpu.memref_slice %arg6[%dma_wait3A_82] : memref<128xi32, #tpu.memory_space<vmem>> -> memref<32xi32, #tpu.memory_space<vmem>>
    %dma_wait3A_84 = arith.constant 0 : i32
    %dma_wait3A_85 = arith.constant 0 : i32
    %dma_wait3A_86 = tpu.memref_slice %arg3[%dma_wait3A_84, %dma_wait3A_85] : memref<10000x512xf32, #tpu.memory_space<hbm>> -> memref<10000x512xf32, #tpu.memory_space<hbm>>
    tpu.wait_indirect_dma semaphore(%arg10 : memref<!tpu.dma_semaphore, #tpu.memory_space<semaphore_mem>>) src(%dma_wait3A_86 : memref<10000x512xf32, #tpu.memory_space<hbm>>) dst(%dma_wait3A_81 : memref<32x512xf32, #tpu.memory_space<vmem>>)
    %dma_wait3A_87 = arith.constant 0 : i32
    %dma_wait3A_88 = arith.constant 0 : i32
    %dma_wait3A_89 = arith.constant 0 : i32
    %dma_wait3A_90 = tpu.memref_slice %arg8[%dma_wait3A_87, %dma_wait3A_88, %dma_wait3A_89] : memref<3x32x512xf32, #tpu.memory_space<vmem>> -> memref<1x32x512xf32, #tpu.memory_space<vmem>>
    %dma_wait3A_91 = tpu.memref_squeeze %dma_wait3A_90 : memref<1x32x512xf32, #tpu.memory_space<vmem>> -> memref<32x512xf32, #tpu.memory_space<vmem>>
    %dma_wait3A_92 = arith.constant 0 : i32
    %dma_wait3A_93 = tpu.memref_slice %arg2[%add3A_14, %dma_wait3A_92] : memref<4096x512xf32, #tpu.memory_space<hbm>> -> memref<32x512xf32, #tpu.memory_space<hbm>>
    %dma_wait3A_94 = arith.constant 0 : i32
    %dma_wait3A_95 = arith.constant 0 : i32
    %dma_wait3A_96 = tpu.memref_slice %arg8[%dma_wait3A_87, %dma_wait3A_94, %dma_wait3A_95] : memref<3x32x512xf32, #tpu.memory_space<vmem>> -> memref<1x32x512xf32, #tpu.memory_space<vmem>>
    %dma_wait3A_97 = tpu.memref_squeeze %dma_wait3A_96 : memref<1x32x512xf32, #tpu.memory_space<vmem>> -> memref<32x512xf32, #tpu.memory_space<vmem>>
    %dma_wait3A_98 = arith.constant 0 : i32
    %dma_wait3A_99 = tpu.memref_slice %arg2[%add3A_14, %dma_wait3A_98] : memref<4096x512xf32, #tpu.memory_space<hbm>> -> memref<32x512xf32, #tpu.memory_space<hbm>>
    tpu.wait_dma2 semaphore(%arg13 : memref<!tpu.dma_semaphore, #tpu.memory_space<semaphore_mem>>) src(%dma_wait3A_99 : memref<32x512xf32, #tpu.memory_space<hbm>>) dst(%dma_wait3A_97 : memref<32x512xf32, #tpu.memory_space<vmem>>)
    %parallel_loop3A = arith.constant 0 : i32
    %parallel_loop3A_100 = arith.constant 32 : i32
    %parallel_loop3A_101 = arith.constant 1 : i32
    %parallel_loop3A_102:4 = scf.for %parallel_loop3A_218 = %parallel_loop3A to %parallel_loop3A_100 step %parallel_loop3A_101 iter_args(%parallel_loop3A_219 = %broadcast_in_dim3A_3, %parallel_loop3A_220 = %broadcast_in_dim3A_3, %parallel_loop3A_221 = %broadcast_in_dim3A_3, %parallel_loop3A_222 = %broadcast_in_dim3A_3) -> (vector<16xf32>, vector<16xf32>, vector<16xf32>, vector<16xf32>)  : i32 {
      %parallel_loop3A_223 = arith.constant 0 : i32
      %parallel_loop3A_224 = arith.index_cast %parallel_loop3A_223 : i32 to index
      %parallel_loop3A_225 = arith.index_cast %parallel_loop3A_218 : i32 to index
      %parallel_loop3A_226 = arith.constant 0 : index
      %parallel_loop3A_227 = tpu.vector_load %arg8[%parallel_loop3A_224, %parallel_loop3A_225, %parallel_loop3A_226] {strides = array<i32>} : memref<3x32x512xf32, #tpu.memory_space<vmem>>, vector<1x1x16xf32>,
      %parallel_loop3A_228 = vector.shape_cast %parallel_loop3A_227 : vector<1x1x16xf32> to vector<16xf32>
      %parallel_loop3A_229 = arith.constant 0 : i32
      %parallel_loop3A_230 = arith.index_cast %parallel_loop3A_229 : i32 to index
      %parallel_loop3A_231 = arith.index_cast %parallel_loop3A_218 : i32 to index
      %parallel_loop3A_232 = arith.constant 0 : index
      %parallel_loop3A_233 = tpu.vector_load %arg7[%parallel_loop3A_230, %parallel_loop3A_231, %parallel_loop3A_232] {strides = array<i32>} : memref<3x32x512xf32, #tpu.memory_space<vmem>>, vector<1x1x16xf32>,
      %parallel_loop3A_234 = vector.shape_cast %parallel_loop3A_233 : vector<1x1x16xf32> to vector<16xf32>
      %parallel_loop3A_235 = arith.subf %parallel_loop3A_228, %parallel_loop3A_234 : vector<16xf32>
      %parallel_loop3A_236 = arith.mulf %parallel_loop3A_235, %parallel_loop3A_235 : vector<16xf32>
      %parallel_loop3A_237 = arith.addf %parallel_loop3A_219, %parallel_loop3A_236 : vector<16xf32>
      %parallel_loop3A_238 = arith.constant 0 : i32
      %parallel_loop3A_239 = arith.index_cast %parallel_loop3A_238 : i32 to index
      %parallel_loop3A_240 = arith.index_cast %parallel_loop3A_218 : i32 to index
      %parallel_loop3A_241 = arith.constant 16 : index
      %parallel_loop3A_242 = tpu.vector_load %arg8[%parallel_loop3A_239, %parallel_loop3A_240, %parallel_loop3A_241] {strides = array<i32>} : memref<3x32x512xf32, #tpu.memory_space<vmem>>, vector<1x1x16xf32>,
      %parallel_loop3A_243 = vector.shape_cast %parallel_loop3A_242 : vector<1x1x16xf32> to vector<16xf32>
      %parallel_loop3A_244 = arith.constant 0 : i32
      %parallel_loop3A_245 = arith.index_cast %parallel_loop3A_244 : i32 to index
      %parallel_loop3A_246 = arith.index_cast %parallel_loop3A_218 : i32 to index
      %parallel_loop3A_247 = arith.constant 16 : index
      %parallel_loop3A_248 = tpu.vector_load %arg7[%parallel_loop3A_245, %parallel_loop3A_246, %parallel_loop3A_247] {strides = array<i32>} : memref<3x32x512xf32, #tpu.memory_space<vmem>>, vector<1x1x16xf32>,
      %parallel_loop3A_249 = vector.shape_cast %parallel_loop3A_248 : vector<1x1x16xf32> to vector<16xf32>
      %parallel_loop3A_250 = arith.subf %parallel_loop3A_243, %parallel_loop3A_249 : vector<16xf32>
      %parallel_loop3A_251 = arith.mulf %parallel_loop3A_250, %parallel_loop3A_250 : vector<16xf32>
      %parallel_loop3A_252 = arith.addf %parallel_loop3A_220, %parallel_loop3A_251 : vector<16xf32>
      %parallel_loop3A_253 = arith.constant 0 : i32
      %parallel_loop3A_254 = arith.index_cast %parallel_loop3A_253 : i32 to index
      %parallel_loop3A_255 = arith.index_cast %parallel_loop3A_218 : i32 to index
      %parallel_loop3A_256 = arith.constant 32 : index
      %parallel_loop3A_257 = tpu.vector_load %arg8[%parallel_loop3A_254, %parallel_loop3A_255, %parallel_loop3A_256] {strides = array<i32>} : memref<3x32x512xf32, #tpu.memory_space<vmem>>, vector<1x1x16xf32>,
      %parallel_loop3A_258 = vector.shape_cast %parallel_loop3A_257 : vector<1x1x16xf32> to vector<16xf32>
      %parallel_loop3A_259 = arith.constant 0 : i32
      %parallel_loop3A_260 = arith.index_cast %parallel_loop3A_259 : i32 to index
      %parallel_loop3A_261 = arith.index_cast %parallel_loop3A_218 : i32 to index
      %parallel_loop3A_262 = arith.constant 32 : index
      %parallel_loop3A_263 = tpu.vector_load %arg7[%parallel_loop3A_260, %parallel_loop3A_261, %parallel_loop3A_262] {strides = array<i32>} : memref<3x32x512xf32, #tpu.memory_space<vmem>>, vector<1x1x16xf32>,
      %parallel_loop3A_264 = vector.shape_cast %parallel_loop3A_263 : vector<1x1x16xf32> to vector<16xf32>
      %parallel_loop3A_265 = arith.subf %parallel_loop3A_258, %parallel_loop3A_264 : vector<16xf32>
      %parallel_loop3A_266 = arith.mulf %parallel_loop3A_265, %parallel_loop3A_265 : vector<16xf32>
      %parallel_loop3A_267 = arith.addf %parallel_loop3A_221, %parallel_loop3A_266 : vector<16xf32>
      %parallel_loop3A_268 = arith.constant 0 : i32
      %parallel_loop3A_269 = arith.index_cast %parallel_loop3A_268 : i32 to index
      %parallel_loop3A_270 = arith.index_cast %parallel_loop3A_218 : i32 to index
      %parallel_loop3A_271 = arith.constant 48 : index
      %parallel_loop3A_272 = tpu.vector_load %arg8[%parallel_loop3A_269, %parallel_loop3A_270, %parallel_loop3A_271] {strides = array<i32>} : memref<3x32x512xf32, #tpu.memory_space<vmem>>, vector<1x1x16xf32>,
      %parallel_loop3A_273 = vector.shape_cast %parallel_loop3A_272 : vector<1x1x16xf32> to vector<16xf32>
      %parallel_loop3A_274 = arith.constant 0 : i32
      %parallel_loop3A_275 = arith.index_cast %parallel_loop3A_274 : i32 to index
      %parallel_loop3A_276 = arith.index_cast %parallel_loop3A_218 : i32 to index
      %parallel_loop3A_277 = arith.constant 48 : index
      %parallel_loop3A_278 = tpu.vector_load %arg7[%parallel_loop3A_275, %parallel_loop3A_276, %parallel_loop3A_277] {strides = array<i32>} : memref<3x32x512xf32, #tpu.memory_space<vmem>>, vector<1x1x16xf32>,
      %parallel_loop3A_279 = vector.shape_cast %parallel_loop3A_278 : vector<1x1x16xf32> to vector<16xf32>
      %parallel_loop3A_280 = arith.subf %parallel_loop3A_273, %parallel_loop3A_279 : vector<16xf32>
      %parallel_loop3A_281 = arith.mulf %parallel_loop3A_280, %parallel_loop3A_280 : vector<16xf32>
      %parallel_loop3A_282 = arith.addf %parallel_loop3A_222, %parallel_loop3A_281 : vector<16xf32>
      %parallel_loop3A_283 = arith.constant 0 : i32
      %parallel_loop3A_284 = arith.index_cast %parallel_loop3A_283 : i32 to index
      %parallel_loop3A_285 = arith.index_cast %parallel_loop3A_218 : i32 to index
      %parallel_loop3A_286 = arith.constant 64 : index
      %parallel_loop3A_287 = tpu.vector_load %arg8[%parallel_loop3A_284, %parallel_loop3A_285, %parallel_loop3A_286] {strides = array<i32>} : memref<3x32x512xf32, #tpu.memory_space<vmem>>, vector<1x1x16xf32>,
      %parallel_loop3A_288 = vector.shape_cast %parallel_loop3A_287 : vector<1x1x16xf32> to vector<16xf32>
      %parallel_loop3A_289 = arith.constant 0 : i32
      %parallel_loop3A_290 = arith.index_cast %parallel_loop3A_289 : i32 to index
      %parallel_loop3A_291 = arith.index_cast %parallel_loop3A_218 : i32 to index
      %parallel_loop3A_292 = arith.constant 64 : index
      %parallel_loop3A_293 = tpu.vector_load %arg7[%parallel_loop3A_290, %parallel_loop3A_291, %parallel_loop3A_292] {strides = array<i32>} : memref<3x32x512xf32, #tpu.memory_space<vmem>>, vector<1x1x16xf32>,
      %parallel_loop3A_294 = vector.shape_cast %parallel_loop3A_293 : vector<1x1x16xf32> to vector<16xf32>
      %parallel_loop3A_295 = arith.subf %parallel_loop3A_288, %parallel_loop3A_294 : vector<16xf32>
      %parallel_loop3A_296 = arith.mulf %parallel_loop3A_295, %parallel_loop3A_295 : vector<16xf32>
      %parallel_loop3A_297 = arith.addf %parallel_loop3A_237, %parallel_loop3A_296 : vector<16xf32>
      %parallel_loop3A_298 = arith.constant 0 : i32
      %parallel_loop3A_299 = arith.index_cast %parallel_loop3A_298 : i32 to index
      %parallel_loop3A_300 = arith.index_cast %parallel_loop3A_218 : i32 to index
      %parallel_loop3A_301 = arith.constant 80 : index
      %parallel_loop3A_302 = tpu.vector_load %arg8[%parallel_loop3A_299, %parallel_loop3A_300, %parallel_loop3A_301] {strides = array<i32>} : memref<3x32x512xf32, #tpu.memory_space<vmem>>, vector<1x1x16xf32>,
      %parallel_loop3A_303 = vector.shape_cast %parallel_loop3A_302 : vector<1x1x16xf32> to vector<16xf32>
      %parallel_loop3A_304 = arith.constant 0 : i32
      %parallel_loop3A_305 = arith.index_cast %parallel_loop3A_304 : i32 to index
      %parallel_loop3A_306 = arith.index_cast %parallel_loop3A_218 : i32 to index
      %parallel_loop3A_307 = arith.constant 80 : index
      %parallel_loop3A_308 = tpu.vector_load %arg7[%parallel_loop3A_305, %parallel_loop3A_306, %parallel_loop3A_307] {strides = array<i32>} : memref<3x32x512xf32, #tpu.memory_space<vmem>>, vector<1x1x16xf32>,
      %parallel_loop3A_309 = vector.shape_cast %parallel_loop3A_308 : vector<1x1x16xf32> to vector<16xf32>
      %parallel_loop3A_310 = arith.subf %parallel_loop3A_303, %parallel_loop3A_309 : vector<16xf32>
      %parallel_loop3A_311 = arith.mulf %parallel_loop3A_310, %parallel_loop3A_310 : vector<16xf32>
      %parallel_loop3A_312 = arith.addf %parallel_loop3A_252, %parallel_loop3A_311 : vector<16xf32>
      %parallel_loop3A_313 = arith.constant 0 : i32
      %parallel_loop3A_314 = arith.index_cast %parallel_loop3A_313 : i32 to index
      %parallel_loop3A_315 = arith.index_cast %parallel_loop3A_218 : i32 to index
      %parallel_loop3A_316 = arith.constant 96 : index
      %parallel_loop3A_317 = tpu.vector_load %arg8[%parallel_loop3A_314, %parallel_loop3A_315, %parallel_loop3A_316] {strides = array<i32>} : memref<3x32x512xf32, #tpu.memory_space<vmem>>, vector<1x1x16xf32>,
      %parallel_loop3A_318 = vector.shape_cast %parallel_loop3A_317 : vector<1x1x16xf32> to vector<16xf32>
      %parallel_loop3A_319 = arith.constant 0 : i32
      %parallel_loop3A_320 = arith.index_cast %parallel_loop3A_319 : i32 to index
      %parallel_loop3A_321 = arith.index_cast %parallel_loop3A_218 : i32 to index
      %parallel_loop3A_322 = arith.constant 96 : index
      %parallel_loop3A_323 = tpu.vector_load %arg7[%parallel_loop3A_320, %parallel_loop3A_321, %parallel_loop3A_322] {strides = array<i32>} : memref<3x32x512xf32, #tpu.memory_space<vmem>>, vector<1x1x16xf32>,
      %parallel_loop3A_324 = vector.shape_cast %parallel_loop3A_323 : vector<1x1x16xf32> to vector<16xf32>
      %parallel_loop3A_325 = arith.subf %parallel_loop3A_318, %parallel_loop3A_324 : vector<16xf32>
      %parallel_loop3A_326 = arith.mulf %parallel_loop3A_325, %parallel_loop3A_325 : vector<16xf32>
      %parallel_loop3A_327 = arith.addf %parallel_loop3A_267, %parallel_loop3A_326 : vector<16xf32>
      %parallel_loop3A_328 = arith.constant 0 : i32
      %parallel_loop3A_329 = arith.index_cast %parallel_loop3A_328 : i32 to index
      %parallel_loop3A_330 = arith.index_cast %parallel_loop3A_218 : i32 to index
      %parallel_loop3A_331 = arith.constant 112 : index
      %parallel_loop3A_332 = tpu.vector_load %arg8[%parallel_loop3A_329, %parallel_loop3A_330, %parallel_loop3A_331] {strides = array<i32>} : memref<3x32x512xf32, #tpu.memory_space<vmem>>, vector<1x1x16xf32>,
      %parallel_loop3A_333 = vector.shape_cast %parallel_loop3A_332 : vector<1x1x16xf32> to vector<16xf32>
      %parallel_loop3A_334 = arith.constant 0 : i32
      %parallel_loop3A_335 = arith.index_cast %parallel_loop3A_334 : i32 to index
      %parallel_loop3A_336 = arith.index_cast %parallel_loop3A_218 : i32 to index
      %parallel_loop3A_337 = arith.constant 112 : index
      %parallel_loop3A_338 = tpu.vector_load %arg7[%parallel_loop3A_335, %parallel_loop3A_336, %parallel_loop3A_337] {strides = array<i32>} : memref<3x32x512xf32, #tpu.memory_space<vmem>>, vector<1x1x16xf32>,
      %parallel_loop3A_339 = vector.shape_cast %parallel_loop3A_338 : vector<1x1x16xf32> to vector<16xf32>
      %parallel_loop3A_340 = arith.subf %parallel_loop3A_333, %parallel_loop3A_339 : vector<16xf32>
      %parallel_loop3A_341 = arith.mulf %parallel_loop3A_340, %parallel_loop3A_340 : vector<16xf32>
      %parallel_loop3A_342 = arith.addf %parallel_loop3A_282, %parallel_loop3A_341 : vector<16xf32>
      %parallel_loop3A_343 = arith.constant 0 : i32
      %parallel_loop3A_344 = arith.index_cast %parallel_loop3A_343 : i32 to index
      %parallel_loop3A_345 = arith.index_cast %parallel_loop3A_218 : i32 to index
      %parallel_loop3A_346 = arith.constant 128 : index
      %parallel_loop3A_347 = tpu.vector_load %arg8[%parallel_loop3A_344, %parallel_loop3A_345, %parallel_loop3A_346] {strides = array<i32>} : memref<3x32x512xf32, #tpu.memory_space<vmem>>, vector<1x1x16xf32>,
      %parallel_loop3A_348 = vector.shape_cast %parallel_loop3A_347 : vector<1x1x16xf32> to vector<16xf32>
      %parallel_loop3A_349 = arith.constant 0 : i32
      %parallel_loop3A_350 = arith.index_cast %parallel_loop3A_349 : i32 to index
      %parallel_loop3A_351 = arith.index_cast %parallel_loop3A_218 : i32 to index
      %parallel_loop3A_352 = arith.constant 128 : index
      %parallel_loop3A_353 = tpu.vector_load %arg7[%parallel_loop3A_350, %parallel_loop3A_351, %parallel_loop3A_352] {strides = array<i32>} : memref<3x32x512xf32, #tpu.memory_space<vmem>>, vector<1x1x16xf32>,
      %parallel_loop3A_354 = vector.shape_cast %parallel_loop3A_353 : vector<1x1x16xf32> to vector<16xf32>
      %parallel_loop3A_355 = arith.subf %parallel_loop3A_348, %parallel_loop3A_354 : vector<16xf32>
      %parallel_loop3A_356 = arith.mulf %parallel_loop3A_355, %parallel_loop3A_355 : vector<16xf32>
      %parallel_loop3A_357 = arith.addf %parallel_loop3A_297, %parallel_loop3A_356 : vector<16xf32>
      %parallel_loop3A_358 = arith.constant 0 : i32
      %parallel_loop3A_359 = arith.index_cast %parallel_loop3A_358 : i32 to index
      %parallel_loop3A_360 = arith.index_cast %parallel_loop3A_218 : i32 to index
      %parallel_loop3A_361 = arith.constant 144 : index
      %parallel_loop3A_362 = tpu.vector_load %arg8[%parallel_loop3A_359, %parallel_loop3A_360, %parallel_loop3A_361] {strides = array<i32>} : memref<3x32x512xf32, #tpu.memory_space<vmem>>, vector<1x1x16xf32>,
      %parallel_loop3A_363 = vector.shape_cast %parallel_loop3A_362 : vector<1x1x16xf32> to vector<16xf32>
      %parallel_loop3A_364 = arith.constant 0 : i32
      %parallel_loop3A_365 = arith.index_cast %parallel_loop3A_364 : i32 to index
      %parallel_loop3A_366 = arith.index_cast %parallel_loop3A_218 : i32 to index
      %parallel_loop3A_367 = arith.constant 144 : index
      %parallel_loop3A_368 = tpu.vector_load %arg7[%parallel_loop3A_365, %parallel_loop3A_366, %parallel_loop3A_367] {strides = array<i32>} : memref<3x32x512xf32, #tpu.memory_space<vmem>>, vector<1x1x16xf32>,
      %parallel_loop3A_369 = vector.shape_cast %parallel_loop3A_368 : vector<1x1x16xf32> to vector<16xf32>
      %parallel_loop3A_370 = arith.subf %parallel_loop3A_363, %parallel_loop3A_369 : vector<16xf32>
      %parallel_loop3A_371 = arith.mulf %parallel_loop3A_370, %parallel_loop3A_370 : vector<16xf32>
      %parallel_loop3A_372 = arith.addf %parallel_loop3A_312, %parallel_loop3A_371 : vector<16xf32>
      %parallel_loop3A_373 = arith.constant 0 : i32
      %parallel_loop3A_374 = arith.index_cast %parallel_loop3A_373 : i32 to index
      %parallel_loop3A_375 = arith.index_cast %parallel_loop3A_218 : i32 to index
      %parallel_loop3A_376 = arith.constant 160 : index
      %parallel_loop3A_377 = tpu.vector_load %arg8[%parallel_loop3A_374, %parallel_loop3A_375, %parallel_loop3A_376] {strides = array<i32>} : memref<3x32x512xf32, #tpu.memory_space<vmem>>, vector<1x1x16xf32>,
      %parallel_loop3A_378 = vector.shape_cast %parallel_loop3A_377 : vector<1x1x16xf32> to vector<16xf32>
      %parallel_loop3A_379 = arith.constant 0 : i32
      %parallel_loop3A_380 = arith.index_cast %parallel_loop3A_379 : i32 to index
      %parallel_loop3A_381 = arith.index_cast %parallel_loop3A_218 : i32 to index
      %parallel_loop3A_382 = arith.constant 160 : index
      %parallel_loop3A_383 = tpu.vector_load %arg7[%parallel_loop3A_380, %parallel_loop3A_381, %parallel_loop3A_382] {strides = array<i32>} : memref<3x32x512xf32, #tpu.memory_space<vmem>>, vector<1x1x16xf32>,
      %parallel_loop3A_384 = vector.shape_cast %parallel_loop3A_383 : vector<1x1x16xf32> to vector<16xf32>
      %parallel_loop3A_385 = arith.subf %parallel_loop3A_378, %parallel_loop3A_384 : vector<16xf32>
      %parallel_loop3A_386 = arith.mulf %parallel_loop3A_385, %parallel_loop3A_385 : vector<16xf32>
      %parallel_loop3A_387 = arith.addf %parallel_loop3A_327, %parallel_loop3A_386 : vector<16xf32>
      %parallel_loop3A_388 = arith.constant 0 : i32
      %parallel_loop3A_389 = arith.index_cast %parallel_loop3A_388 : i32 to index
      %parallel_loop3A_390 = arith.index_cast %parallel_loop3A_218 : i32 to index
      %parallel_loop3A_391 = arith.constant 176 : index
      %parallel_loop3A_392 = tpu.vector_load %arg8[%parallel_loop3A_389, %parallel_loop3A_390, %parallel_loop3A_391] {strides = array<i32>} : memref<3x32x512xf32, #tpu.memory_space<vmem>>, vector<1x1x16xf32>,
      %parallel_loop3A_393 = vector.shape_cast %parallel_loop3A_392 : vector<1x1x16xf32> to vector<16xf32>
      %parallel_loop3A_394 = arith.constant 0 : i32
      %parallel_loop3A_395 = arith.index_cast %parallel_loop3A_394 : i32 to index
      %parallel_loop3A_396 = arith.index_cast %parallel_loop3A_218 : i32 to index
      %parallel_loop3A_397 = arith.constant 176 : index
      %parallel_loop3A_398 = tpu.vector_load %arg7[%parallel_loop3A_395, %parallel_loop3A_396, %parallel_loop3A_397] {strides = array<i32>} : memref<3x32x512xf32, #tpu.memory_space<vmem>>, vector<1x1x16xf32>,
      %parallel_loop3A_399 = vector.shape_cast %parallel_loop3A_398 : vector<1x1x16xf32> to vector<16xf32>
      %parallel_loop3A_400 = arith.subf %parallel_loop3A_393, %parallel_loop3A_399 : vector<16xf32>
      %parallel_loop3A_401 = arith.mulf %parallel_loop3A_400, %parallel_loop3A_400 : vector<16xf32>
      %parallel_loop3A_402 = arith.addf %parallel_loop3A_342, %parallel_loop3A_401 : vector<16xf32>
      %parallel_loop3A_403 = arith.constant 0 : i32
      %parallel_loop3A_404 = arith.index_cast %parallel_loop3A_403 : i32 to index
      %parallel_loop3A_405 = arith.index_cast %parallel_loop3A_218 : i32 to index
      %parallel_loop3A_406 = arith.constant 192 : index
      %parallel_loop3A_407 = tpu.vector_load %arg8[%parallel_loop3A_404, %parallel_loop3A_405, %parallel_loop3A_406] {strides = array<i32>} : memref<3x32x512xf32, #tpu.memory_space<vmem>>, vector<1x1x16xf32>,
      %parallel_loop3A_408 = vector.shape_cast %parallel_loop3A_407 : vector<1x1x16xf32> to vector<16xf32>
      %parallel_loop3A_409 = arith.constant 0 : i32
      %parallel_loop3A_410 = arith.index_cast %parallel_loop3A_409 : i32 to index
      %parallel_loop3A_411 = arith.index_cast %parallel_loop3A_218 : i32 to index
      %parallel_loop3A_412 = arith.constant 192 : index
      %parallel_loop3A_413 = tpu.vector_load %arg7[%parallel_loop3A_410, %parallel_loop3A_411, %parallel_loop3A_412] {strides = array<i32>} : memref<3x32x512xf32, #tpu.memory_space<vmem>>, vector<1x1x16xf32>,
      %parallel_loop3A_414 = vector.shape_cast %parallel_loop3A_413 : vector<1x1x16xf32> to vector<16xf32>
      %parallel_loop3A_415 = arith.subf %parallel_loop3A_408, %parallel_loop3A_414 : vector<16xf32>
      %parallel_loop3A_416 = arith.mulf %parallel_loop3A_415, %parallel_loop3A_415 : vector<16xf32>
      %parallel_loop3A_417 = arith.addf %parallel_loop3A_357, %parallel_loop3A_416 : vector<16xf32>
      %parallel_loop3A_418 = arith.constant 0 : i32
      %parallel_loop3A_419 = arith.index_cast %parallel_loop3A_418 : i32 to index
      %parallel_loop3A_420 = arith.index_cast %parallel_loop3A_218 : i32 to index
      %parallel_loop3A_421 = arith.constant 208 : index
      %parallel_loop3A_422 = tpu.vector_load %arg8[%parallel_loop3A_419, %parallel_loop3A_420, %parallel_loop3A_421] {strides = array<i32>} : memref<3x32x512xf32, #tpu.memory_space<vmem>>, vector<1x1x16xf32>,
      %parallel_loop3A_423 = vector.shape_cast %parallel_loop3A_422 : vector<1x1x16xf32> to vector<16xf32>
      %parallel_loop3A_424 = arith.constant 0 : i32
      %parallel_loop3A_425 = arith.index_cast %parallel_loop3A_424 : i32 to index
      %parallel_loop3A_426 = arith.index_cast %parallel_loop3A_218 : i32 to index
      %parallel_loop3A_427 = arith.constant 208 : index
      %parallel_loop3A_428 = tpu.vector_load %arg7[%parallel_loop3A_425, %parallel_loop3A_426, %parallel_loop3A_427] {strides = array<i32>} : memref<3x32x512xf32, #tpu.memory_space<vmem>>, vector<1x1x16xf32>,
      %parallel_loop3A_429 = vector.shape_cast %parallel_loop3A_428 : vector<1x1x16xf32> to vector<16xf32>
      %parallel_loop3A_430 = arith.subf %parallel_loop3A_423, %parallel_loop3A_429 : vector<16xf32>
      %parallel_loop3A_431 = arith.mulf %parallel_loop3A_430, %parallel_loop3A_430 : vector<16xf32>
      %parallel_loop3A_432 = arith.addf %parallel_loop3A_372, %parallel_loop3A_431 : vector<16xf32>
      %parallel_loop3A_433 = arith.constant 0 : i32
      %parallel_loop3A_434 = arith.index_cast %parallel_loop3A_433 : i32 to index
      %parallel_loop3A_435 = arith.index_cast %parallel_loop3A_218 : i32 to index
      %parallel_loop3A_436 = arith.constant 224 : index
      %parallel_loop3A_437 = tpu.vector_load %arg8[%parallel_loop3A_434, %parallel_loop3A_435, %parallel_loop3A_436] {strides = array<i32>} : memref<3x32x512xf32, #tpu.memory_space<vmem>>, vector<1x1x16xf32>,
      %parallel_loop3A_438 = vector.shape_cast %parallel_loop3A_437 : vector<1x1x16xf32> to vector<16xf32>
      %parallel_loop3A_439 = arith.constant 0 : i32
      %parallel_loop3A_440 = arith.index_cast %parallel_loop3A_439 : i32 to index
      %parallel_loop3A_441 = arith.index_cast %parallel_loop3A_218 : i32 to index
      %parallel_loop3A_442 = arith.constant 224 : index
      %parallel_loop3A_443 = tpu.vector_load %arg7[%parallel_loop3A_440, %parallel_loop3A_441, %parallel_loop3A_442] {strides = array<i32>} : memref<3x32x512xf32, #tpu.memory_space<vmem>>, vector<1x1x16xf32>,
      %parallel_loop3A_444 = vector.shape_cast %parallel_loop3A_443 : vector<1x1x16xf32> to vector<16xf32>
      %parallel_loop3A_445 = arith.subf %parallel_loop3A_438, %parallel_loop3A_444 : vector<16xf32>
      %parallel_loop3A_446 = arith.mulf %parallel_loop3A_445, %parallel_loop3A_445 : vector<16xf32>
      %parallel_loop3A_447 = arith.addf %parallel_loop3A_387, %parallel_loop3A_446 : vector<16xf32>
      %parallel_loop3A_448 = arith.constant 0 : i32
      %parallel_loop3A_449 = arith.index_cast %parallel_loop3A_448 : i32 to index
      %parallel_loop3A_450 = arith.index_cast %parallel_loop3A_218 : i32 to index
      %parallel_loop3A_451 = arith.constant 240 : index
      %parallel_loop3A_452 = tpu.vector_load %arg8[%parallel_loop3A_449, %parallel_loop3A_450, %parallel_loop3A_451] {strides = array<i32>} : memref<3x32x512xf32, #tpu.memory_space<vmem>>, vector<1x1x16xf32>,
      %parallel_loop3A_453 = vector.shape_cast %parallel_loop3A_452 : vector<1x1x16xf32> to vector<16xf32>
      %parallel_loop3A_454 = arith.constant 0 : i32
      %parallel_loop3A_455 = arith.index_cast %parallel_loop3A_454 : i32 to index
      %parallel_loop3A_456 = arith.index_cast %parallel_loop3A_218 : i32 to index
      %parallel_loop3A_457 = arith.constant 240 : index
      %parallel_loop3A_458 = tpu.vector_load %arg7[%parallel_loop3A_455, %parallel_loop3A_456, %parallel_loop3A_457] {strides = array<i32>} : memref<3x32x512xf32, #tpu.memory_space<vmem>>, vector<1x1x16xf32>,
      %parallel_loop3A_459 = vector.shape_cast %parallel_loop3A_458 : vector<1x1x16xf32> to vector<16xf32>
      %parallel_loop3A_460 = arith.subf %parallel_loop3A_453, %parallel_loop3A_459 : vector<16xf32>
      %parallel_loop3A_461 = arith.mulf %parallel_loop3A_460, %parallel_loop3A_460 : vector<16xf32>
      %parallel_loop3A_462 = arith.addf %parallel_loop3A_402, %parallel_loop3A_461 : vector<16xf32>
      %parallel_loop3A_463 = arith.constant 0 : i32
      %parallel_loop3A_464 = arith.index_cast %parallel_loop3A_463 : i32 to index
      %parallel_loop3A_465 = arith.index_cast %parallel_loop3A_218 : i32 to index
      %parallel_loop3A_466 = arith.constant 256 : index
      %parallel_loop3A_467 = tpu.vector_load %arg8[%parallel_loop3A_464, %parallel_loop3A_465, %parallel_loop3A_466] {strides = array<i32>} : memref<3x32x512xf32, #tpu.memory_space<vmem>>, vector<1x1x16xf32>,
      %parallel_loop3A_468 = vector.shape_cast %parallel_loop3A_467 : vector<1x1x16xf32> to vector<16xf32>
      %parallel_loop3A_469 = arith.constant 0 : i32
      %parallel_loop3A_470 = arith.index_cast %parallel_loop3A_469 : i32 to index
      %parallel_loop3A_471 = arith.index_cast %parallel_loop3A_218 : i32 to index
      %parallel_loop3A_472 = arith.constant 256 : index
      %parallel_loop3A_473 = tpu.vector_load %arg7[%parallel_loop3A_470, %parallel_loop3A_471, %parallel_loop3A_472] {strides = array<i32>} : memref<3x32x512xf32, #tpu.memory_space<vmem>>, vector<1x1x16xf32>,
      %parallel_loop3A_474 = vector.shape_cast %parallel_loop3A_473 : vector<1x1x16xf32> to vector<16xf32>
      %parallel_loop3A_475 = arith.subf %parallel_loop3A_468, %parallel_loop3A_474 : vector<16xf32>
      %parallel_loop3A_476 = arith.mulf %parallel_loop3A_475, %parallel_loop3A_475 : vector<16xf32>
      %parallel_loop3A_477 = arith.addf %parallel_loop3A_417, %parallel_loop3A_476 : vector<16xf32>
      %parallel_loop3A_478 = arith.constant 0 : i32
      %parallel_loop3A_479 = arith.index_cast %parallel_loop3A_478 : i32 to index
      %parallel_loop3A_480 = arith.index_cast %parallel_loop3A_218 : i32 to index
      %parallel_loop3A_481 = arith.constant 272 : index
      %parallel_loop3A_482 = tpu.vector_load %arg8[%parallel_loop3A_479, %parallel_loop3A_480, %parallel_loop3A_481] {strides = array<i32>} : memref<3x32x512xf32, #tpu.memory_space<vmem>>, vector<1x1x16xf32>,
      %parallel_loop3A_483 = vector.shape_cast %parallel_loop3A_482 : vector<1x1x16xf32> to vector<16xf32>
      %parallel_loop3A_484 = arith.constant 0 : i32
      %parallel_loop3A_485 = arith.index_cast %parallel_loop3A_484 : i32 to index
      %parallel_loop3A_486 = arith.index_cast %parallel_loop3A_218 : i32 to index
      %parallel_loop3A_487 = arith.constant 272 : index
      %parallel_loop3A_488 = tpu.vector_load %arg7[%parallel_loop3A_485, %parallel_loop3A_486, %parallel_loop3A_487] {strides = array<i32>} : memref<3x32x512xf32, #tpu.memory_space<vmem>>, vector<1x1x16xf32>,
      %parallel_loop3A_489 = vector.shape_cast %parallel_loop3A_488 : vector<1x1x16xf32> to vector<16xf32>
      %parallel_loop3A_490 = arith.subf %parallel_loop3A_483, %parallel_loop3A_489 : vector<16xf32>
      %parallel_loop3A_491 = arith.mulf %parallel_loop3A_490, %parallel_loop3A_490 : vector<16xf32>
      %parallel_loop3A_492 = arith.addf %parallel_loop3A_432, %parallel_loop3A_491 : vector<16xf32>
      %parallel_loop3A_493 = arith.constant 0 : i32
      %parallel_loop3A_494 = arith.index_cast %parallel_loop3A_493 : i32 to index
      %parallel_loop3A_495 = arith.index_cast %parallel_loop3A_218 : i32 to index
      %parallel_loop3A_496 = arith.constant 288 : index
      %parallel_loop3A_497 = tpu.vector_load %arg8[%parallel_loop3A_494, %parallel_loop3A_495, %parallel_loop3A_496] {strides = array<i32>} : memref<3x32x512xf32, #tpu.memory_space<vmem>>, vector<1x1x16xf32>,
      %parallel_loop3A_498 = vector.shape_cast %parallel_loop3A_497 : vector<1x1x16xf32> to vector<16xf32>
      %parallel_loop3A_499 = arith.constant 0 : i32
      %parallel_loop3A_500 = arith.index_cast %parallel_loop3A_499 : i32 to index
      %parallel_loop3A_501 = arith.index_cast %parallel_loop3A_218 : i32 to index
      %parallel_loop3A_502 = arith.constant 288 : index
      %parallel_loop3A_503 = tpu.vector_load %arg7[%parallel_loop3A_500, %parallel_loop3A_501, %parallel_loop3A_502] {strides = array<i32>} : memref<3x32x512xf32, #tpu.memory_space<vmem>>, vector<1x1x16xf32>,
      %parallel_loop3A_504 = vector.shape_cast %parallel_loop3A_503 : vector<1x1x16xf32> to vector<16xf32>
      %parallel_loop3A_505 = arith.subf %parallel_loop3A_498, %parallel_loop3A_504 : vector<16xf32>
      %parallel_loop3A_506 = arith.mulf %parallel_loop3A_505, %parallel_loop3A_505 : vector<16xf32>
      %parallel_loop3A_507 = arith.addf %parallel_loop3A_447, %parallel_loop3A_506 : vector<16xf32>
      %parallel_loop3A_508 = arith.constant 0 : i32
      %parallel_loop3A_509 = arith.index_cast %parallel_loop3A_508 : i32 to index
      %parallel_loop3A_510 = arith.index_cast %parallel_loop3A_218 : i32 to index
      %parallel_loop3A_511 = arith.constant 304 : index
      %parallel_loop3A_512 = tpu.vector_load %arg8[%parallel_loop3A_509, %parallel_loop3A_510, %parallel_loop3A_511] {strides = array<i32>} : memref<3x32x512xf32, #tpu.memory_space<vmem>>, vector<1x1x16xf32>,
      %parallel_loop3A_513 = vector.shape_cast %parallel_loop3A_512 : vector<1x1x16xf32> to vector<16xf32>
      %parallel_loop3A_514 = arith.constant 0 : i32
      %parallel_loop3A_515 = arith.index_cast %parallel_loop3A_514 : i32 to index
      %parallel_loop3A_516 = arith.index_cast %parallel_loop3A_218 : i32 to index
      %parallel_loop3A_517 = arith.constant 304 : index
      %parallel_loop3A_518 = tpu.vector_load %arg7[%parallel_loop3A_515, %parallel_loop3A_516, %parallel_loop3A_517] {strides = array<i32>} : memref<3x32x512xf32, #tpu.memory_space<vmem>>, vector<1x1x16xf32>,
      %parallel_loop3A_519 = vector.shape_cast %parallel_loop3A_518 : vector<1x1x16xf32> to vector<16xf32>
      %parallel_loop3A_520 = arith.subf %parallel_loop3A_513, %parallel_loop3A_519 : vector<16xf32>
      %parallel_loop3A_521 = arith.mulf %parallel_loop3A_520, %parallel_loop3A_520 : vector<16xf32>
      %parallel_loop3A_522 = arith.addf %parallel_loop3A_462, %parallel_loop3A_521 : vector<16xf32>
      %parallel_loop3A_523 = arith.constant 0 : i32
      %parallel_loop3A_524 = arith.index_cast %parallel_loop3A_523 : i32 to index
      %parallel_loop3A_525 = arith.index_cast %parallel_loop3A_218 : i32 to index
      %parallel_loop3A_526 = arith.constant 320 : index
      %parallel_loop3A_527 = tpu.vector_load %arg8[%parallel_loop3A_524, %parallel_loop3A_525, %parallel_loop3A_526] {strides = array<i32>} : memref<3x32x512xf32, #tpu.memory_space<vmem>>, vector<1x1x16xf32>,
      %parallel_loop3A_528 = vector.shape_cast %parallel_loop3A_527 : vector<1x1x16xf32> to vector<16xf32>
      %parallel_loop3A_529 = arith.constant 0 : i32
      %parallel_loop3A_530 = arith.index_cast %parallel_loop3A_529 : i32 to index
      %parallel_loop3A_531 = arith.index_cast %parallel_loop3A_218 : i32 to index
      %parallel_loop3A_532 = arith.constant 320 : index
      %parallel_loop3A_533 = tpu.vector_load %arg7[%parallel_loop3A_530, %parallel_loop3A_531, %parallel_loop3A_532] {strides = array<i32>} : memref<3x32x512xf32, #tpu.memory_space<vmem>>, vector<1x1x16xf32>,
      %parallel_loop3A_534 = vector.shape_cast %parallel_loop3A_533 : vector<1x1x16xf32> to vector<16xf32>
      %parallel_loop3A_535 = arith.subf %parallel_loop3A_528, %parallel_loop3A_534 : vector<16xf32>
      %parallel_loop3A_536 = arith.mulf %parallel_loop3A_535, %parallel_loop3A_535 : vector<16xf32>
      %parallel_loop3A_537 = arith.addf %parallel_loop3A_477, %parallel_loop3A_536 : vector<16xf32>
      %parallel_loop3A_538 = arith.constant 0 : i32
      %parallel_loop3A_539 = arith.index_cast %parallel_loop3A_538 : i32 to index
      %parallel_loop3A_540 = arith.index_cast %parallel_loop3A_218 : i32 to index
      %parallel_loop3A_541 = arith.constant 336 : index
      %parallel_loop3A_542 = tpu.vector_load %arg8[%parallel_loop3A_539, %parallel_loop3A_540, %parallel_loop3A_541] {strides = array<i32>} : memref<3x32x512xf32, #tpu.memory_space<vmem>>, vector<1x1x16xf32>,
      %parallel_loop3A_543 = vector.shape_cast %parallel_loop3A_542 : vector<1x1x16xf32> to vector<16xf32>
      %parallel_loop3A_544 = arith.constant 0 : i32
      %parallel_loop3A_545 = arith.index_cast %parallel_loop3A_544 : i32 to index
      %parallel_loop3A_546 = arith.index_cast %parallel_loop3A_218 : i32 to index
      %parallel_loop3A_547 = arith.constant 336 : index
      %parallel_loop3A_548 = tpu.vector_load %arg7[%parallel_loop3A_545, %parallel_loop3A_546, %parallel_loop3A_547] {strides = array<i32>} : memref<3x32x512xf32, #tpu.memory_space<vmem>>, vector<1x1x16xf32>,
      %parallel_loop3A_549 = vector.shape_cast %parallel_loop3A_548 : vector<1x1x16xf32> to vector<16xf32>
      %parallel_loop3A_550 = arith.subf %parallel_loop3A_543, %parallel_loop3A_549 : vector<16xf32>
      %parallel_loop3A_551 = arith.mulf %parallel_loop3A_550, %parallel_loop3A_550 : vector<16xf32>
      %parallel_loop3A_552 = arith.addf %parallel_loop3A_492, %parallel_loop3A_551 : vector<16xf32>
      %parallel_loop3A_553 = arith.constant 0 : i32
      %parallel_loop3A_554 = arith.index_cast %parallel_loop3A_553 : i32 to index
      %parallel_loop3A_555 = arith.index_cast %parallel_loop3A_218 : i32 to index
      %parallel_loop3A_556 = arith.constant 352 : index
      %parallel_loop3A_557 = tpu.vector_load %arg8[%parallel_loop3A_554, %parallel_loop3A_555, %parallel_loop3A_556] {strides = array<i32>} : memref<3x32x512xf32, #tpu.memory_space<vmem>>, vector<1x1x16xf32>,
      %parallel_loop3A_558 = vector.shape_cast %parallel_loop3A_557 : vector<1x1x16xf32> to vector<16xf32>
      %parallel_loop3A_559 = arith.constant 0 : i32
      %parallel_loop3A_560 = arith.index_cast %parallel_loop3A_559 : i32 to index
      %parallel_loop3A_561 = arith.index_cast %parallel_loop3A_218 : i32 to index
      %parallel_loop3A_562 = arith.constant 352 : index
      %parallel_loop3A_563 = tpu.vector_load %arg7[%parallel_loop3A_560, %parallel_loop3A_561, %parallel_loop3A_562] {strides = array<i32>} : memref<3x32x512xf32, #tpu.memory_space<vmem>>, vector<1x1x16xf32>,
      %parallel_loop3A_564 = vector.shape_cast %parallel_loop3A_563 : vector<1x1x16xf32> to vector<16xf32>
      %parallel_loop3A_565 = arith.subf %parallel_loop3A_558, %parallel_loop3A_564 : vector<16xf32>
      %parallel_loop3A_566 = arith.mulf %parallel_loop3A_565, %parallel_loop3A_565 : vector<16xf32>
      %parallel_loop3A_567 = arith.addf %parallel_loop3A_507, %parallel_loop3A_566 : vector<16xf32>
      %parallel_loop3A_568 = arith.constant 0 : i32
      %parallel_loop3A_569 = arith.index_cast %parallel_loop3A_568 : i32 to index
      %parallel_loop3A_570 = arith.index_cast %parallel_loop3A_218 : i32 to index
      %parallel_loop3A_571 = arith.constant 368 : index
      %parallel_loop3A_572 = tpu.vector_load %arg8[%parallel_loop3A_569, %parallel_loop3A_570, %parallel_loop3A_571] {strides = array<i32>} : memref<3x32x512xf32, #tpu.memory_space<vmem>>, vector<1x1x16xf32>,
      %parallel_loop3A_573 = vector.shape_cast %parallel_loop3A_572 : vector<1x1x16xf32> to vector<16xf32>
      %parallel_loop3A_574 = arith.constant 0 : i32
      %parallel_loop3A_575 = arith.index_cast %parallel_loop3A_574 : i32 to index
      %parallel_loop3A_576 = arith.index_cast %parallel_loop3A_218 : i32 to index
      %parallel_loop3A_577 = arith.constant 368 : index
      %parallel_loop3A_578 = tpu.vector_load %arg7[%parallel_loop3A_575, %parallel_loop3A_576, %parallel_loop3A_577] {strides = array<i32>} : memref<3x32x512xf32, #tpu.memory_space<vmem>>, vector<1x1x16xf32>,
      %parallel_loop3A_579 = vector.shape_cast %parallel_loop3A_578 : vector<1x1x16xf32> to vector<16xf32>
      %parallel_loop3A_580 = arith.subf %parallel_loop3A_573, %parallel_loop3A_579 : vector<16xf32>
      %parallel_loop3A_581 = arith.mulf %parallel_loop3A_580, %parallel_loop3A_580 : vector<16xf32>
      %parallel_loop3A_582 = arith.addf %parallel_loop3A_522, %parallel_loop3A_581 : vector<16xf32>
      %parallel_loop3A_583 = arith.constant 0 : i32
      %parallel_loop3A_584 = arith.index_cast %parallel_loop3A_583 : i32 to index
      %parallel_loop3A_585 = arith.index_cast %parallel_loop3A_218 : i32 to index
      %parallel_loop3A_586 = arith.constant 384 : index
      %parallel_loop3A_587 = tpu.vector_load %arg8[%parallel_loop3A_584, %parallel_loop3A_585, %parallel_loop3A_586] {strides = array<i32>} : memref<3x32x512xf32, #tpu.memory_space<vmem>>, vector<1x1x16xf32>,
      %parallel_loop3A_588 = vector.shape_cast %parallel_loop3A_587 : vector<1x1x16xf32> to vector<16xf32>
      %parallel_loop3A_589 = arith.constant 0 : i32
      %parallel_loop3A_590 = arith.index_cast %parallel_loop3A_589 : i32 to index
      %parallel_loop3A_591 = arith.index_cast %parallel_loop3A_218 : i32 to index
      %parallel_loop3A_592 = arith.constant 384 : index
      %parallel_loop3A_593 = tpu.vector_load %arg7[%parallel_loop3A_590, %parallel_loop3A_591, %parallel_loop3A_592] {strides = array<i32>} : memref<3x32x512xf32, #tpu.memory_space<vmem>>, vector<1x1x16xf32>,
      %parallel_loop3A_594 = vector.shape_cast %parallel_loop3A_593 : vector<1x1x16xf32> to vector<16xf32>
      %parallel_loop3A_595 = arith.subf %parallel_loop3A_588, %parallel_loop3A_594 : vector<16xf32>
      %parallel_loop3A_596 = arith.mulf %parallel_loop3A_595, %parallel_loop3A_595 : vector<16xf32>
      %parallel_loop3A_597 = arith.addf %parallel_loop3A_537, %parallel_loop3A_596 : vector<16xf32>
      %parallel_loop3A_598 = arith.constant 0 : i32
      %parallel_loop3A_599 = arith.index_cast %parallel_loop3A_598 : i32 to index
      %parallel_loop3A_600 = arith.index_cast %parallel_loop3A_218 : i32 to index
      %parallel_loop3A_601 = arith.constant 400 : index
      %parallel_loop3A_602 = tpu.vector_load %arg8[%parallel_loop3A_599, %parallel_loop3A_600, %parallel_loop3A_601] {strides = array<i32>} : memref<3x32x512xf32, #tpu.memory_space<vmem>>, vector<1x1x16xf32>,
      %parallel_loop3A_603 = vector.shape_cast %parallel_loop3A_602 : vector<1x1x16xf32> to vector<16xf32>
      %parallel_loop3A_604 = arith.constant 0 : i32
      %parallel_loop3A_605 = arith.index_cast %parallel_loop3A_604 : i32 to index
      %parallel_loop3A_606 = arith.index_cast %parallel_loop3A_218 : i32 to index
      %parallel_loop3A_607 = arith.constant 400 : index
      %parallel_loop3A_608 = tpu.vector_load %arg7[%parallel_loop3A_605, %parallel_loop3A_606, %parallel_loop3A_607] {strides = array<i32>} : memref<3x32x512xf32, #tpu.memory_space<vmem>>, vector<1x1x16xf32>,
      %parallel_loop3A_609 = vector.shape_cast %parallel_loop3A_608 : vector<1x1x16xf32> to vector<16xf32>
      %parallel_loop3A_610 = arith.subf %parallel_loop3A_603, %parallel_loop3A_609 : vector<16xf32>
      %parallel_loop3A_611 = arith.mulf %parallel_loop3A_610, %parallel_loop3A_610 : vector<16xf32>
      %parallel_loop3A_612 = arith.addf %parallel_loop3A_552, %parallel_loop3A_611 : vector<16xf32>
      %parallel_loop3A_613 = arith.constant 0 : i32
      %parallel_loop3A_614 = arith.index_cast %parallel_loop3A_613 : i32 to index
      %parallel_loop3A_615 = arith.index_cast %parallel_loop3A_218 : i32 to index
      %parallel_loop3A_616 = arith.constant 416 : index
      %parallel_loop3A_617 = tpu.vector_load %arg8[%parallel_loop3A_614, %parallel_loop3A_615, %parallel_loop3A_616] {strides = array<i32>} : memref<3x32x512xf32, #tpu.memory_space<vmem>>, vector<1x1x16xf32>,
      %parallel_loop3A_618 = vector.shape_cast %parallel_loop3A_617 : vector<1x1x16xf32> to vector<16xf32>
      %parallel_loop3A_619 = arith.constant 0 : i32
      %parallel_loop3A_620 = arith.index_cast %parallel_loop3A_619 : i32 to index
      %parallel_loop3A_621 = arith.index_cast %parallel_loop3A_218 : i32 to index
      %parallel_loop3A_622 = arith.constant 416 : index
      %parallel_loop3A_623 = tpu.vector_load %arg7[%parallel_loop3A_620, %parallel_loop3A_621, %parallel_loop3A_622] {strides = array<i32>} : memref<3x32x512xf32, #tpu.memory_space<vmem>>, vector<1x1x16xf32>,
      %parallel_loop3A_624 = vector.shape_cast %parallel_loop3A_623 : vector<1x1x16xf32> to vector<16xf32>
      %parallel_loop3A_625 = arith.subf %parallel_loop3A_618, %parallel_loop3A_624 : vector<16xf32>
      %parallel_loop3A_626 = arith.mulf %parallel_loop3A_625, %parallel_loop3A_625 : vector<16xf32>
      %parallel_loop3A_627 = arith.addf %parallel_loop3A_567, %parallel_loop3A_626 : vector<16xf32>
      %parallel_loop3A_628 = arith.constant 0 : i32
      %parallel_loop3A_629 = arith.index_cast %parallel_loop3A_628 : i32 to index
      %parallel_loop3A_630 = arith.index_cast %parallel_loop3A_218 : i32 to index
      %parallel_loop3A_631 = arith.constant 432 : index
      %parallel_loop3A_632 = tpu.vector_load %arg8[%parallel_loop3A_629, %parallel_loop3A_630, %parallel_loop3A_631] {strides = array<i32>} : memref<3x32x512xf32, #tpu.memory_space<vmem>>, vector<1x1x16xf32>,
      %parallel_loop3A_633 = vector.shape_cast %parallel_loop3A_632 : vector<1x1x16xf32> to vector<16xf32>
      %parallel_loop3A_634 = arith.constant 0 : i32
      %parallel_loop3A_635 = arith.index_cast %parallel_loop3A_634 : i32 to index
      %parallel_loop3A_636 = arith.index_cast %parallel_loop3A_218 : i32 to index
      %parallel_loop3A_637 = arith.constant 432 : index
      %parallel_loop3A_638 = tpu.vector_load %arg7[%parallel_loop3A_635, %parallel_loop3A_636, %parallel_loop3A_637] {strides = array<i32>} : memref<3x32x512xf32, #tpu.memory_space<vmem>>, vector<1x1x16xf32>,
      %parallel_loop3A_639 = vector.shape_cast %parallel_loop3A_638 : vector<1x1x16xf32> to vector<16xf32>
      %parallel_loop3A_640 = arith.subf %parallel_loop3A_633, %parallel_loop3A_639 : vector<16xf32>
      %parallel_loop3A_641 = arith.mulf %parallel_loop3A_640, %parallel_loop3A_640 : vector<16xf32>
      %parallel_loop3A_642 = arith.addf %parallel_loop3A_582, %parallel_loop3A_641 : vector<16xf32>
      %parallel_loop3A_643 = arith.constant 0 : i32
      %parallel_loop3A_644 = arith.index_cast %parallel_loop3A_643 : i32 to index
      %parallel_loop3A_645 = arith.index_cast %parallel_loop3A_218 : i32 to index
      %parallel_loop3A_646 = arith.constant 448 : index
      %parallel_loop3A_647 = tpu.vector_load %arg8[%parallel_loop3A_644, %parallel_loop3A_645, %parallel_loop3A_646] {strides = array<i32>} : memref<3x32x512xf32, #tpu.memory_space<vmem>>, vector<1x1x16xf32>,
      %parallel_loop3A_648 = vector.shape_cast %parallel_loop3A_647 : vector<1x1x16xf32> to vector<16xf32>
      %parallel_loop3A_649 = arith.constant 0 : i32
      %parallel_loop3A_650 = arith.index_cast %parallel_loop3A_649 : i32 to index
      %parallel_loop3A_651 = arith.index_cast %parallel_loop3A_218 : i32 to index
      %parallel_loop3A_652 = arith.constant 448 : index
      %parallel_loop3A_653 = tpu.vector_load %arg7[%parallel_loop3A_650, %parallel_loop3A_651, %parallel_loop3A_652] {strides = array<i32>} : memref<3x32x512xf32, #tpu.memory_space<vmem>>, vector<1x1x16xf32>,
      %parallel_loop3A_654 = vector.shape_cast %parallel_loop3A_653 : vector<1x1x16xf32> to vector<16xf32>
      %parallel_loop3A_655 = arith.subf %parallel_loop3A_648, %parallel_loop3A_654 : vector<16xf32>
      %parallel_loop3A_656 = arith.mulf %parallel_loop3A_655, %parallel_loop3A_655 : vector<16xf32>
      %parallel_loop3A_657 = arith.addf %parallel_loop3A_597, %parallel_loop3A_656 : vector<16xf32>
      %parallel_loop3A_658 = arith.constant 0 : i32
      %parallel_loop3A_659 = arith.index_cast %parallel_loop3A_658 : i32 to index
      %parallel_loop3A_660 = arith.index_cast %parallel_loop3A_218 : i32 to index
      %parallel_loop3A_661 = arith.constant 464 : index
      %parallel_loop3A_662 = tpu.vector_load %arg8[%parallel_loop3A_659, %parallel_loop3A_660, %parallel_loop3A_661] {strides = array<i32>} : memref<3x32x512xf32, #tpu.memory_space<vmem>>, vector<1x1x16xf32>,
      %parallel_loop3A_663 = vector.shape_cast %parallel_loop3A_662 : vector<1x1x16xf32> to vector<16xf32>
      %parallel_loop3A_664 = arith.constant 0 : i32
      %parallel_loop3A_665 = arith.index_cast %parallel_loop3A_664 : i32 to index
      %parallel_loop3A_666 = arith.index_cast %parallel_loop3A_218 : i32 to index
      %parallel_loop3A_667 = arith.constant 464 : index
      %parallel_loop3A_668 = tpu.vector_load %arg7[%parallel_loop3A_665, %parallel_loop3A_666, %parallel_loop3A_667] {strides = array<i32>} : memref<3x32x512xf32, #tpu.memory_space<vmem>>, vector<1x1x16xf32>,
      %parallel_loop3A_669 = vector.shape_cast %parallel_loop3A_668 : vector<1x1x16xf32> to vector<16xf32>
      %parallel_loop3A_670 = arith.subf %parallel_loop3A_663, %parallel_loop3A_669 : vector<16xf32>
      %parallel_loop3A_671 = arith.mulf %parallel_loop3A_670, %parallel_loop3A_670 : vector<16xf32>
      %parallel_loop3A_672 = arith.addf %parallel_loop3A_612, %parallel_loop3A_671 : vector<16xf32>
      %parallel_loop3A_673 = arith.constant 0 : i32
      %parallel_loop3A_674 = arith.index_cast %parallel_loop3A_673 : i32 to index
      %parallel_loop3A_675 = arith.index_cast %parallel_loop3A_218 : i32 to index
      %parallel_loop3A_676 = arith.constant 480 : index
      %parallel_loop3A_677 = tpu.vector_load %arg8[%parallel_loop3A_674, %parallel_loop3A_675, %parallel_loop3A_676] {strides = array<i32>} : memref<3x32x512xf32, #tpu.memory_space<vmem>>, vector<1x1x16xf32>,
      %parallel_loop3A_678 = vector.shape_cast %parallel_loop3A_677 : vector<1x1x16xf32> to vector<16xf32>
      %parallel_loop3A_679 = arith.constant 0 : i32
      %parallel_loop3A_680 = arith.index_cast %parallel_loop3A_679 : i32 to index
      %parallel_loop3A_681 = arith.index_cast %parallel_loop3A_218 : i32 to index
      %parallel_loop3A_682 = arith.constant 480 : index
      %parallel_loop3A_683 = tpu.vector_load %arg7[%parallel_loop3A_680, %parallel_loop3A_681, %parallel_loop3A_682] {strides = array<i32>} : memref<3x32x512xf32, #tpu.memory_space<vmem>>, vector<1x1x16xf32>,
      %parallel_loop3A_684 = vector.shape_cast %parallel_loop3A_683 : vector<1x1x16xf32> to vector<16xf32>
      %parallel_loop3A_685 = arith.subf %parallel_loop3A_678, %parallel_loop3A_684 : vector<16xf32>
      %parallel_loop3A_686 = arith.mulf %parallel_loop3A_685, %parallel_loop3A_685 : vector<16xf32>
      %parallel_loop3A_687 = arith.addf %parallel_loop3A_627, %parallel_loop3A_686 : vector<16xf32>
      %parallel_loop3A_688 = arith.constant 0 : i32
      %parallel_loop3A_689 = arith.index_cast %parallel_loop3A_688 : i32 to index
      %parallel_loop3A_690 = arith.index_cast %parallel_loop3A_218 : i32 to index
      %parallel_loop3A_691 = arith.constant 496 : index
      %parallel_loop3A_692 = tpu.vector_load %arg8[%parallel_loop3A_689, %parallel_loop3A_690, %parallel_loop3A_691] {strides = array<i32>} : memref<3x32x512xf32, #tpu.memory_space<vmem>>, vector<1x1x16xf32>,
      %parallel_loop3A_693 = vector.shape_cast %parallel_loop3A_692 : vector<1x1x16xf32> to vector<16xf32>
      %parallel_loop3A_694 = arith.constant 0 : i32
      %parallel_loop3A_695 = arith.index_cast %parallel_loop3A_694 : i32 to index
      %parallel_loop3A_696 = arith.index_cast %parallel_loop3A_218 : i32 to index
      %parallel_loop3A_697 = arith.constant 496 : index
      %parallel_loop3A_698 = tpu.vector_load %arg7[%parallel_loop3A_695, %parallel_loop3A_696, %parallel_loop3A_697] {strides = array<i32>} : memref<3x32x512xf32, #tpu.memory_space<vmem>>, vector<1x1x16xf32>,
      %parallel_loop3A_699 = vector.shape_cast %parallel_loop3A_698 : vector<1x1x16xf32> to vector<16xf32>
      %parallel_loop3A_700 = arith.subf %parallel_loop3A_693, %parallel_loop3A_699 : vector<16xf32>
      %parallel_loop3A_701 = arith.mulf %parallel_loop3A_700, %parallel_loop3A_700 : vector<16xf32>
      %parallel_loop3A_702 = arith.addf %parallel_loop3A_642, %parallel_loop3A_701 : vector<16xf32>
      scf.yield %parallel_loop3A_657, %parallel_loop3A_672, %parallel_loop3A_687, %parallel_loop3A_702 : vector<16xf32>, vector<16xf32>, vector<16xf32>, vector<16xf32>
    } {sc.loop_unroll_factor = 2 : i64, sc.parallel_access}
    %dma_start3A_103 = arith.constant 0 : i32
    %dma_start3A_104 = arith.constant 0 : i32
    %dma_start3A_105 = arith.constant 0 : i32
    %dma_start3A_106 = tpu.memref_slice %arg7[%dma_start3A_103, %dma_start3A_104, %dma_start3A_105] : memref<3x32x512xf32, #tpu.memory_space<vmem>> -> memref<1x32x512xf32, #tpu.memory_space<vmem>>
    %dma_start3A_107 = tpu.memref_squeeze %dma_start3A_106 : memref<1x32x512xf32, #tpu.memory_space<vmem>> -> memref<32x512xf32, #tpu.memory_space<vmem>>
    %dma_start3A_108 = arith.constant 96 : i32
    %dma_start3A_109 = tpu.memref_slice %arg6[%dma_start3A_108] : memref<128xi32, #tpu.memory_space<vmem>> -> memref<32xi32, #tpu.memory_space<vmem>>
    %dma_start3A_110 = arith.constant 0 : i32
    %dma_start3A_111 = arith.constant 0 : i32
    %dma_start3A_112 = tpu.memref_slice %arg3[%dma_start3A_110, %dma_start3A_111] : memref<10000x512xf32, #tpu.memory_space<hbm>> -> memref<10000x512xf32, #tpu.memory_space<hbm>>
    tpu.enqueue_indirect_dma source(%dma_start3A_112 : memref<10000x512xf32, #tpu.memory_space<hbm>>) target(%dma_start3A_107 : memref<32x512xf32, #tpu.memory_space<vmem>>) offsets(%dma_start3A_109 : memref<32xi32, #tpu.memory_space<vmem>>) semaphore(%arg10 : memref<!tpu.dma_semaphore, #tpu.memory_space<semaphore_mem>>)
    %add3A_113 = arith.constant 96 : i32
    %add3A_114 = arith.addi %mul3A_2, %add3A_113 : i32
    %dma_start3A_115 = arith.constant 0 : i32
    %dma_start3A_116 = arith.constant 0 : i32
    %dma_start3A_117 = arith.constant 0 : i32
    %dma_start3A_118 = tpu.memref_slice %arg8[%dma_start3A_115, %dma_start3A_116, %dma_start3A_117] : memref<3x32x512xf32, #tpu.memory_space<vmem>> -> memref<1x32x512xf32, #tpu.memory_space<vmem>>
    %dma_start3A_119 = tpu.memref_squeeze %dma_start3A_118 : memref<1x32x512xf32, #tpu.memory_space<vmem>> -> memref<32x512xf32, #tpu.memory_space<vmem>>
    %dma_start3A_120 = arith.constant 0 : i32
    %dma_start3A_121 = tpu.memref_slice %arg2[%add3A_114, %dma_start3A_120] : memref<4096x512xf32, #tpu.memory_space<hbm>> -> memref<32x512xf32, #tpu.memory_space<hbm>>
    %dma_start3A_122 = arith.constant 0 : i32
    %dma_start3A_123 = arith.constant 0 : i32
    %dma_start3A_124 = tpu.memref_slice %arg8[%dma_start3A_115, %dma_start3A_122, %dma_start3A_123] : memref<3x32x512xf32, #tpu.memory_space<vmem>> -> memref<1x32x512xf32, #tpu.memory_space<vmem>>
    %dma_start3A_125 = tpu.memref_squeeze %dma_start3A_124 : memref<1x32x512xf32, #tpu.memory_space<vmem>> -> memref<32x512xf32, #tpu.memory_space<vmem>>
    %dma_start3A_126 = arith.constant 0 : i32
    %dma_start3A_127 = tpu.memref_slice %arg2[%add3A_114, %dma_start3A_126] : memref<4096x512xf32, #tpu.memory_space<hbm>> -> memref<32x512xf32, #tpu.memory_space<hbm>>
    tpu.enqueue_dma source(%dma_start3A_127 : memref<32x512xf32, #tpu.memory_space<hbm>>) target(%dma_start3A_125 : memref<32x512xf32, #tpu.memory_space<vmem>>) target_semaphore(%arg13 : memref<!tpu.dma_semaphore, #tpu.memory_space<semaphore_mem>>)
    %dma_wait3A_128 = arith.constant 1 : i32
    %dma_wait3A_129 = arith.constant 0 : i32
    %dma_wait3A_130 = arith.constant 0 : i32
    %dma_wait3A_131 = tpu.memref_slice %arg7[%dma_wait3A_128, %dma_wait3A_129, %dma_wait3A_130] : memref<3x32x512xf32, #tpu.memory_space<vmem>> -> memref<1x32x512xf32, #tpu.memory_space<vmem>>
    %dma_wait3A_132 = tpu.memref_squeeze %dma_wait3A_131 : memref<1x32x512xf32, #tpu.memory_space<vmem>> -> memref<32x512xf32, #tpu.memory_space<vmem>>
    %dma_wait3A_133 = arith.constant 32 : i32
    %dma_wait3A_134 = tpu.memref_slice %arg6[%dma_wait3A_133] : memref<128xi32, #tpu.memory_space<vmem>> -> memref<32xi32, #tpu.memory_space<vmem>>
    %dma_wait3A_135 = arith.constant 0 : i32
    %dma_wait3A_136 = arith.constant 0 : i32
    %dma_wait3A_137 = tpu.memref_slice %arg3[%dma_wait3A_135, %dma_wait3A_136] : memref<10000x512xf32, #tpu.memory_space<hbm>> -> memref<10000x512xf32, #tpu.memory_space<hbm>>
    tpu.wait_indirect_dma semaphore(%arg11 : memref<!tpu.dma_semaphore, #tpu.memory_space<semaphore_mem>>) src(%dma_wait3A_137 : memref<10000x512xf32, #tpu.memory_space<hbm>>) dst(%dma_wait3A_132 : memref<32x512xf32, #tpu.memory_space<vmem>>)
    %dma_wait3A_138 = arith.constant 1 : i32
    %dma_wait3A_139 = arith.constant 0 : i32
    %dma_wait3A_140 = arith.constant 0 : i32
    %dma_wait3A_141 = tpu.memref_slice %arg8[%dma_wait3A_138, %dma_wait3A_139, %dma_wait3A_140] : memref<3x32x512xf32, #tpu.memory_space<vmem>> -> memref<1x32x512xf32, #tpu.memory_space<vmem>>
    %dma_wait3A_142 = tpu.memref_squeeze %dma_wait3A_141 : memref<1x32x512xf32, #tpu.memory_space<vmem>> -> memref<32x512xf32, #tpu.memory_space<vmem>>
    %dma_wait3A_143 = arith.constant 0 : i32
    %dma_wait3A_144 = tpu.memref_slice %arg2[%add3A_39, %dma_wait3A_143] : memref<4096x512xf32, #tpu.memory_space<hbm>> -> memref<32x512xf32, #tpu.memory_space<hbm>>
    %dma_wait3A_145 = arith.constant 0 : i32
    %dma_wait3A_146 = arith.constant 0 : i32
    %dma_wait3A_147 = tpu.memref_slice %arg8[%dma_wait3A_138, %dma_wait3A_145, %dma_wait3A_146] : memref<3x32x512xf32, #tpu.memory_space<vmem>> -> memref<1x32x512xf32, #tpu.memory_space<vmem>>
    %dma_wait3A_148 = tpu.memref_squeeze %dma_wait3A_147 : memref<1x32x512xf32, #tpu.memory_space<vmem>> -> memref<32x512xf32, #tpu.memory_space<vmem>>
    %dma_wait3A_149 = arith.constant 0 : i32
    %dma_wait3A_150 = tpu.memref_slice %arg2[%add3A_39, %dma_wait3A_149] : memref<4096x512xf32, #tpu.memory_space<hbm>> -> memref<32x512xf32, #tpu.memory_space<hbm>>
    tpu.wait_dma2 semaphore(%arg14 : memref<!tpu.dma_semaphore, #tpu.memory_space<semaphore_mem>>) src(%dma_wait3A_150 : memref<32x512xf32, #tpu.memory_space<hbm>>) dst(%dma_wait3A_148 : memref<32x512xf32, #tpu.memory_space<vmem>>)
    %parallel_loop3A_151 = arith.constant 0 : i32
    %parallel_loop3A_152 = arith.constant 32 : i32
    %parallel_loop3A_153 = arith.constant 1 : i32
    %parallel_loop3A_154:4 = scf.for %parallel_loop3A_218 = %parallel_loop3A_151 to %parallel_loop3A_152 step %parallel_loop3A_153 iter_args(%parallel_loop3A_219 = %parallel_loop3A_102#0, %parallel_loop3A_220 = %parallel_loop3A_102#1, %parallel_loop3A_221 = %parallel_loop3A_102#2, %parallel_loop3A_222 = %parallel_loop3A_102#3) -> (vector<16xf32>, vector<16xf32>, vector<16xf32>, vector<16xf32>)  : i32 {
      %parallel_loop3A_223 = arith.constant 1 : i32
      %parallel_loop3A_224 = arith.index_cast %parallel_loop3A_223 : i32 to index
      %parallel_loop3A_225 = arith.index_cast %parallel_loop3A_218 : i32 to index
      %parallel_loop3A_226 = arith.constant 0 : index
      %parallel_loop3A_227 = tpu.vector_load %arg8[%parallel_loop3A_224, %parallel_loop3A_225, %parallel_loop3A_226] {strides = array<i32>} : memref<3x32x512xf32, #tpu.memory_space<vmem>>, vector<1x1x16xf32>,
      %parallel_loop3A_228 = vector.shape_cast %parallel_loop3A_227 : vector<1x1x16xf32> to vector<16xf32>
      %parallel_loop3A_229 = arith.constant 1 : i32
      %parallel_loop3A_230 = arith.index_cast %parallel_loop3A_229 : i32 to index
      %parallel_loop3A_231 = arith.index_cast %parallel_loop3A_218 : i32 to index
      %parallel_loop3A_232 = arith.constant 0 : index
      %parallel_loop3A_233 = tpu.vector_load %arg7[%parallel_loop3A_230, %parallel_loop3A_231, %parallel_loop3A_232] {strides = array<i32>} : memref<3x32x512xf32, #tpu.memory_space<vmem>>, vector<1x1x16xf32>,
      %parallel_loop3A_234 = vector.shape_cast %parallel_loop3A_233 : vector<1x1x16xf32> to vector<16xf32>
      %parallel_loop3A_235 = arith.subf %parallel_loop3A_228, %parallel_loop3A_234 : vector<16xf32>
      %parallel_loop3A_236 = arith.mulf %parallel_loop3A_235, %parallel_loop3A_235 : vector<16xf32>
      %parallel_loop3A_237 = arith.addf %parallel_loop3A_219, %parallel_loop3A_236 : vector<16xf32>
      %parallel_loop3A_238 = arith.constant 1 : i32
      %parallel_loop3A_239 = arith.index_cast %parallel_loop3A_238 : i32 to index
      %parallel_loop3A_240 = arith.index_cast %parallel_loop3A_218 : i32 to index
      %parallel_loop3A_241 = arith.constant 16 : index
      %parallel_loop3A_242 = tpu.vector_load %arg8[%parallel_loop3A_239, %parallel_loop3A_240, %parallel_loop3A_241] {strides = array<i32>} : memref<3x32x512xf32, #tpu.memory_space<vmem>>, vector<1x1x16xf32>,
      %parallel_loop3A_243 = vector.shape_cast %parallel_loop3A_242 : vector<1x1x16xf32> to vector<16xf32>
      %parallel_loop3A_244 = arith.constant 1 : i32
      %parallel_loop3A_245 = arith.index_cast %parallel_loop3A_244 : i32 to index
      %parallel_loop3A_246 = arith.index_cast %parallel_loop3A_218 : i32 to index
      %parallel_loop3A_247 = arith.constant 16 : index
      %parallel_loop3A_248 = tpu.vector_load %arg7[%parallel_loop3A_245, %parallel_loop3A_246, %parallel_loop3A_247] {strides = array<i32>} : memref<3x32x512xf32, #tpu.memory_space<vmem>>, vector<1x1x16xf32>,
      %parallel_loop3A_249 = vector.shape_cast %parallel_loop3A_248 : vector<1x1x16xf32> to vector<16xf32>
      %parallel_loop3A_250 = arith.subf %parallel_loop3A_243, %parallel_loop3A_249 : vector<16xf32>
      %parallel_loop3A_251 = arith.mulf %parallel_loop3A_250, %parallel_loop3A_250 : vector<16xf32>
      %parallel_loop3A_252 = arith.addf %parallel_loop3A_220, %parallel_loop3A_251 : vector<16xf32>
      %parallel_loop3A_253 = arith.constant 1 : i32
      %parallel_loop3A_254 = arith.index_cast %parallel_loop3A_253 : i32 to index
      %parallel_loop3A_255 = arith.index_cast %parallel_loop3A_218 : i32 to index
      %parallel_loop3A_256 = arith.constant 32 : index
      %parallel_loop3A_257 = tpu.vector_load %arg8[%parallel_loop3A_254, %parallel_loop3A_255, %parallel_loop3A_256] {strides = array<i32>} : memref<3x32x512xf32, #tpu.memory_space<vmem>>, vector<1x1x16xf32>,
      %parallel_loop3A_258 = vector.shape_cast %parallel_loop3A_257 : vector<1x1x16xf32> to vector<16xf32>
      %parallel_loop3A_259 = arith.constant 1 : i32
      %parallel_loop3A_260 = arith.index_cast %parallel_loop3A_259 : i32 to index
      %parallel_loop3A_261 = arith.index_cast %parallel_loop3A_218 : i32 to index
      %parallel_loop3A_262 = arith.constant 32 : index
      %parallel_loop3A_263 = tpu.vector_load %arg7[%parallel_loop3A_260, %parallel_loop3A_261, %parallel_loop3A_262] {strides = array<i32>} : memref<3x32x512xf32, #tpu.memory_space<vmem>>, vector<1x1x16xf32>,
      %parallel_loop3A_264 = vector.shape_cast %parallel_loop3A_263 : vector<1x1x16xf32> to vector<16xf32>
      %parallel_loop3A_265 = arith.subf %parallel_loop3A_258, %parallel_loop3A_264 : vector<16xf32>
      %parallel_loop3A_266 = arith.mulf %parallel_loop3A_265, %parallel_loop3A_265 : vector<16xf32>
      %parallel_loop3A_267 = arith.addf %parallel_loop3A_221, %parallel_loop3A_266 : vector<16xf32>
      %parallel_loop3A_268 = arith.constant 1 : i32
      %parallel_loop3A_269 = arith.index_cast %parallel_loop3A_268 : i32 to index
      %parallel_loop3A_270 = arith.index_cast %parallel_loop3A_218 : i32 to index
      %parallel_loop3A_271 = arith.constant 48 : index
      %parallel_loop3A_272 = tpu.vector_load %arg8[%parallel_loop3A_269, %parallel_loop3A_270, %parallel_loop3A_271] {strides = array<i32>} : memref<3x32x512xf32, #tpu.memory_space<vmem>>, vector<1x1x16xf32>,
      %parallel_loop3A_273 = vector.shape_cast %parallel_loop3A_272 : vector<1x1x16xf32> to vector<16xf32>
      %parallel_loop3A_274 = arith.constant 1 : i32
      %parallel_loop3A_275 = arith.index_cast %parallel_loop3A_274 : i32 to index
      %parallel_loop3A_276 = arith.index_cast %parallel_loop3A_218 : i32 to index
      %parallel_loop3A_277 = arith.constant 48 : index
      %parallel_loop3A_278 = tpu.vector_load %arg7[%parallel_loop3A_275, %parallel_loop3A_276, %parallel_loop3A_277] {strides = array<i32>} : memref<3x32x512xf32, #tpu.memory_space<vmem>>, vector<1x1x16xf32>,
      %parallel_loop3A_279 = vector.shape_cast %parallel_loop3A_278 : vector<1x1x16xf32> to vector<16xf32>
      %parallel_loop3A_280 = arith.subf %parallel_loop3A_273, %parallel_loop3A_279 : vector<16xf32>
      %parallel_loop3A_281 = arith.mulf %parallel_loop3A_280, %parallel_loop3A_280 : vector<16xf32>
      %parallel_loop3A_282 = arith.addf %parallel_loop3A_222, %parallel_loop3A_281 : vector<16xf32>
      %parallel_loop3A_283 = arith.constant 1 : i32
      %parallel_loop3A_284 = arith.index_cast %parallel_loop3A_283 : i32 to index
      %parallel_loop3A_285 = arith.index_cast %parallel_loop3A_218 : i32 to index
      %parallel_loop3A_286 = arith.constant 64 : index
      %parallel_loop3A_287 = tpu.vector_load %arg8[%parallel_loop3A_284, %parallel_loop3A_285, %parallel_loop3A_286] {strides = array<i32>} : memref<3x32x512xf32, #tpu.memory_space<vmem>>, vector<1x1x16xf32>,
      %parallel_loop3A_288 = vector.shape_cast %parallel_loop3A_287 : vector<1x1x16xf32> to vector<16xf32>
      %parallel_loop3A_289 = arith.constant 1 : i32
      %parallel_loop3A_290 = arith.index_cast %parallel_loop3A_289 : i32 to index
      %parallel_loop3A_291 = arith.index_cast %parallel_loop3A_218 : i32 to index
      %parallel_loop3A_292 = arith.constant 64 : index
      %parallel_loop3A_293 = tpu.vector_load %arg7[%parallel_loop3A_290, %parallel_loop3A_291, %parallel_loop3A_292] {strides = array<i32>} : memref<3x32x512xf32, #tpu.memory_space<vmem>>, vector<1x1x16xf32>,
      %parallel_loop3A_294 = vector.shape_cast %parallel_loop3A_293 : vector<1x1x16xf32> to vector<16xf32>
      %parallel_loop3A_295 = arith.subf %parallel_loop3A_288, %parallel_loop3A_294 : vector<16xf32>
      %parallel_loop3A_296 = arith.mulf %parallel_loop3A_295, %parallel_loop3A_295 : vector<16xf32>
      %parallel_loop3A_297 = arith.addf %parallel_loop3A_237, %parallel_loop3A_296 : vector<16xf32>
      %parallel_loop3A_298 = arith.constant 1 : i32
      %parallel_loop3A_299 = arith.index_cast %parallel_loop3A_298 : i32 to index
      %parallel_loop3A_300 = arith.index_cast %parallel_loop3A_218 : i32 to index
      %parallel_loop3A_301 = arith.constant 80 : index
      %parallel_loop3A_302 = tpu.vector_load %arg8[%parallel_loop3A_299, %parallel_loop3A_300, %parallel_loop3A_301] {strides = array<i32>} : memref<3x32x512xf32, #tpu.memory_space<vmem>>, vector<1x1x16xf32>,
      %parallel_loop3A_303 = vector.shape_cast %parallel_loop3A_302 : vector<1x1x16xf32> to vector<16xf32>
      %parallel_loop3A_304 = arith.constant 1 : i32
      %parallel_loop3A_305 = arith.index_cast %parallel_loop3A_304 : i32 to index
      %parallel_loop3A_306 = arith.index_cast %parallel_loop3A_218 : i32 to index
      %parallel_loop3A_307 = arith.constant 80 : index
      %parallel_loop3A_308 = tpu.vector_load %arg7[%parallel_loop3A_305, %parallel_loop3A_306, %parallel_loop3A_307] {strides = array<i32>} : memref<3x32x512xf32, #tpu.memory_space<vmem>>, vector<1x1x16xf32>,
      %parallel_loop3A_309 = vector.shape_cast %parallel_loop3A_308 : vector<1x1x16xf32> to vector<16xf32>
      %parallel_loop3A_310 = arith.subf %parallel_loop3A_303, %parallel_loop3A_309 : vector<16xf32>
      %parallel_loop3A_311 = arith.mulf %parallel_loop3A_310, %parallel_loop3A_310 : vector<16xf32>
      %parallel_loop3A_312 = arith.addf %parallel_loop3A_252, %parallel_loop3A_311 : vector<16xf32>
      %parallel_loop3A_313 = arith.constant 1 : i32
      %parallel_loop3A_314 = arith.index_cast %parallel_loop3A_313 : i32 to index
      %parallel_loop3A_315 = arith.index_cast %parallel_loop3A_218 : i32 to index
      %parallel_loop3A_316 = arith.constant 96 : index
      %parallel_loop3A_317 = tpu.vector_load %arg8[%parallel_loop3A_314, %parallel_loop3A_315, %parallel_loop3A_316] {strides = array<i32>} : memref<3x32x512xf32, #tpu.memory_space<vmem>>, vector<1x1x16xf32>,
      %parallel_loop3A_318 = vector.shape_cast %parallel_loop3A_317 : vector<1x1x16xf32> to vector<16xf32>
      %parallel_loop3A_319 = arith.constant 1 : i32
      %parallel_loop3A_320 = arith.index_cast %parallel_loop3A_319 : i32 to index
      %parallel_loop3A_321 = arith.index_cast %parallel_loop3A_218 : i32 to index
      %parallel_loop3A_322 = arith.constant 96 : index
      %parallel_loop3A_323 = tpu.vector_load %arg7[%parallel_loop3A_320, %parallel_loop3A_321, %parallel_loop3A_322] {strides = array<i32>} : memref<3x32x512xf32, #tpu.memory_space<vmem>>, vector<1x1x16xf32>,
      %parallel_loop3A_324 = vector.shape_cast %parallel_loop3A_323 : vector<1x1x16xf32> to vector<16xf32>
      %parallel_loop3A_325 = arith.subf %parallel_loop3A_318, %parallel_loop3A_324 : vector<16xf32>
      %parallel_loop3A_326 = arith.mulf %parallel_loop3A_325, %parallel_loop3A_325 : vector<16xf32>
      %parallel_loop3A_327 = arith.addf %parallel_loop3A_267, %parallel_loop3A_326 : vector<16xf32>
      %parallel_loop3A_328 = arith.constant 1 : i32
      %parallel_loop3A_329 = arith.index_cast %parallel_loop3A_328 : i32 to index
      %parallel_loop3A_330 = arith.index_cast %parallel_loop3A_218 : i32 to index
      %parallel_loop3A_331 = arith.constant 112 : index
      %parallel_loop3A_332 = tpu.vector_load %arg8[%parallel_loop3A_329, %parallel_loop3A_330, %parallel_loop3A_331] {strides = array<i32>} : memref<3x32x512xf32, #tpu.memory_space<vmem>>, vector<1x1x16xf32>,
      %parallel_loop3A_333 = vector.shape_cast %parallel_loop3A_332 : vector<1x1x16xf32> to vector<16xf32>
      %parallel_loop3A_334 = arith.constant 1 : i32
      %parallel_loop3A_335 = arith.index_cast %parallel_loop3A_334 : i32 to index
      %parallel_loop3A_336 = arith.index_cast %parallel_loop3A_218 : i32 to index
      %parallel_loop3A_337 = arith.constant 112 : index
      %parallel_loop3A_338 = tpu.vector_load %arg7[%parallel_loop3A_335, %parallel_loop3A_336, %parallel_loop3A_337] {strides = array<i32>} : memref<3x32x512xf32, #tpu.memory_space<vmem>>, vector<1x1x16xf32>,
      %parallel_loop3A_339 = vector.shape_cast %parallel_loop3A_338 : vector<1x1x16xf32> to vector<16xf32>
      %parallel_loop3A_340 = arith.subf %parallel_loop3A_333, %parallel_loop3A_339 : vector<16xf32>
      %parallel_loop3A_341 = arith.mulf %parallel_loop3A_340, %parallel_loop3A_340 : vector<16xf32>
      %parallel_loop3A_342 = arith.addf %parallel_loop3A_282, %parallel_loop3A_341 : vector<16xf32>
      %parallel_loop3A_343 = arith.constant 1 : i32
      %parallel_loop3A_344 = arith.index_cast %parallel_loop3A_343 : i32 to index
      %parallel_loop3A_345 = arith.index_cast %parallel_loop3A_218 : i32 to index
      %parallel_loop3A_346 = arith.constant 128 : index
      %parallel_loop3A_347 = tpu.vector_load %arg8[%parallel_loop3A_344, %parallel_loop3A_345, %parallel_loop3A_346] {strides = array<i32>} : memref<3x32x512xf32, #tpu.memory_space<vmem>>, vector<1x1x16xf32>,
      %parallel_loop3A_348 = vector.shape_cast %parallel_loop3A_347 : vector<1x1x16xf32> to vector<16xf32>
      %parallel_loop3A_349 = arith.constant 1 : i32
      %parallel_loop3A_350 = arith.index_cast %parallel_loop3A_349 : i32 to index
      %parallel_loop3A_351 = arith.index_cast %parallel_loop3A_218 : i32 to index
      %parallel_loop3A_352 = arith.constant 128 : index
      %parallel_loop3A_353 = tpu.vector_load %arg7[%parallel_loop3A_350, %parallel_loop3A_351, %parallel_loop3A_352] {strides = array<i32>} : memref<3x32x512xf32, #tpu.memory_space<vmem>>, vector<1x1x16xf32>,
      %parallel_loop3A_354 = vector.shape_cast %parallel_loop3A_353 : vector<1x1x16xf32> to vector<16xf32>
      %parallel_loop3A_355 = arith.subf %parallel_loop3A_348, %parallel_loop3A_354 : vector<16xf32>
      %parallel_loop3A_356 = arith.mulf %parallel_loop3A_355, %parallel_loop3A_355 : vector<16xf32>
      %parallel_loop3A_357 = arith.addf %parallel_loop3A_297, %parallel_loop3A_356 : vector<16xf32>
      %parallel_loop3A_358 = arith.constant 1 : i32
      %parallel_loop3A_359 = arith.index_cast %parallel_loop3A_358 : i32 to index
      %parallel_loop3A_360 = arith.index_cast %parallel_loop3A_218 : i32 to index
      %parallel_loop3A_361 = arith.constant 144 : index
      %parallel_loop3A_362 = tpu.vector_load %arg8[%parallel_loop3A_359, %parallel_loop3A_360, %parallel_loop3A_361] {strides = array<i32>} : memref<3x32x512xf32, #tpu.memory_space<vmem>>, vector<1x1x16xf32>,
      %parallel_loop3A_363 = vector.shape_cast %parallel_loop3A_362 : vector<1x1x16xf32> to vector<16xf32>
      %parallel_loop3A_364 = arith.constant 1 : i32
      %parallel_loop3A_365 = arith.index_cast %parallel_loop3A_364 : i32 to index
      %parallel_loop3A_366 = arith.index_cast %parallel_loop3A_218 : i32 to index
      %parallel_loop3A_367 = arith.constant 144 : index
      %parallel_loop3A_368 = tpu.vector_load %arg7[%parallel_loop3A_365, %parallel_loop3A_366, %parallel_loop3A_367] {strides = array<i32>} : memref<3x32x512xf32, #tpu.memory_space<vmem>>, vector<1x1x16xf32>,
      %parallel_loop3A_369 = vector.shape_cast %parallel_loop3A_368 : vector<1x1x16xf32> to vector<16xf32>
      %parallel_loop3A_370 = arith.subf %parallel_loop3A_363, %parallel_loop3A_369 : vector<16xf32>
      %parallel_loop3A_371 = arith.mulf %parallel_loop3A_370, %parallel_loop3A_370 : vector<16xf32>
      %parallel_loop3A_372 = arith.addf %parallel_loop3A_312, %parallel_loop3A_371 : vector<16xf32>
      %parallel_loop3A_373 = arith.constant 1 : i32
      %parallel_loop3A_374 = arith.index_cast %parallel_loop3A_373 : i32 to index
      %parallel_loop3A_375 = arith.index_cast %parallel_loop3A_218 : i32 to index
      %parallel_loop3A_376 = arith.constant 160 : index
      %parallel_loop3A_377 = tpu.vector_load %arg8[%parallel_loop3A_374, %parallel_loop3A_375, %parallel_loop3A_376] {strides = array<i32>} : memref<3x32x512xf32, #tpu.memory_space<vmem>>, vector<1x1x16xf32>,
      %parallel_loop3A_378 = vector.shape_cast %parallel_loop3A_377 : vector<1x1x16xf32> to vector<16xf32>
      %parallel_loop3A_379 = arith.constant 1 : i32
      %parallel_loop3A_380 = arith.index_cast %parallel_loop3A_379 : i32 to index
      %parallel_loop3A_381 = arith.index_cast %parallel_loop3A_218 : i32 to index
      %parallel_loop3A_382 = arith.constant 160 : index
      %parallel_loop3A_383 = tpu.vector_load %arg7[%parallel_loop3A_380, %parallel_loop3A_381, %parallel_loop3A_382] {strides = array<i32>} : memref<3x32x512xf32, #tpu.memory_space<vmem>>, vector<1x1x16xf32>,
      %parallel_loop3A_384 = vector.shape_cast %parallel_loop3A_383 : vector<1x1x16xf32> to vector<16xf32>
      %parallel_loop3A_385 = arith.subf %parallel_loop3A_378, %parallel_loop3A_384 : vector<16xf32>
      %parallel_loop3A_386 = arith.mulf %parallel_loop3A_385, %parallel_loop3A_385 : vector<16xf32>
      %parallel_loop3A_387 = arith.addf %parallel_loop3A_327, %parallel_loop3A_386 : vector<16xf32>
      %parallel_loop3A_388 = arith.constant 1 : i32
      %parallel_loop3A_389 = arith.index_cast %parallel_loop3A_388 : i32 to index
      %parallel_loop3A_390 = arith.index_cast %parallel_loop3A_218 : i32 to index
      %parallel_loop3A_391 = arith.constant 176 : index
      %parallel_loop3A_392 = tpu.vector_load %arg8[%parallel_loop3A_389, %parallel_loop3A_390, %parallel_loop3A_391] {strides = array<i32>} : memref<3x32x512xf32, #tpu.memory_space<vmem>>, vector<1x1x16xf32>,
      %parallel_loop3A_393 = vector.shape_cast %parallel_loop3A_392 : vector<1x1x16xf32> to vector<16xf32>
      %parallel_loop3A_394 = arith.constant 1 : i32
      %parallel_loop3A_395 = arith.index_cast %parallel_loop3A_394 : i32 to index
      %parallel_loop3A_396 = arith.index_cast %parallel_loop3A_218 : i32 to index
      %parallel_loop3A_397 = arith.constant 176 : index
      %parallel_loop3A_398 = tpu.vector_load %arg7[%parallel_loop3A_395, %parallel_loop3A_396, %parallel_loop3A_397] {strides = array<i32>} : memref<3x32x512xf32, #tpu.memory_space<vmem>>, vector<1x1x16xf32>,
      %parallel_loop3A_399 = vector.shape_cast %parallel_loop3A_398 : vector<1x1x16xf32> to vector<16xf32>
      %parallel_loop3A_400 = arith.subf %parallel_loop3A_393, %parallel_loop3A_399 : vector<16xf32>
      %parallel_loop3A_401 = arith.mulf %parallel_loop3A_400, %parallel_loop3A_400 : vector<16xf32>
      %parallel_loop3A_402 = arith.addf %parallel_loop3A_342, %parallel_loop3A_401 : vector<16xf32>
      %parallel_loop3A_403 = arith.constant 1 : i32
      %parallel_loop3A_404 = arith.index_cast %parallel_loop3A_403 : i32 to index
      %parallel_loop3A_405 = arith.index_cast %parallel_loop3A_218 : i32 to index
      %parallel_loop3A_406 = arith.constant 192 : index
      %parallel_loop3A_407 = tpu.vector_load %arg8[%parallel_loop3A_404, %parallel_loop3A_405, %parallel_loop3A_406] {strides = array<i32>} : memref<3x32x512xf32, #tpu.memory_space<vmem>>, vector<1x1x16xf32>,
      %parallel_loop3A_408 = vector.shape_cast %parallel_loop3A_407 : vector<1x1x16xf32> to vector<16xf32>
      %parallel_loop3A_409 = arith.constant 1 : i32
      %parallel_loop3A_410 = arith.index_cast %parallel_loop3A_409 : i32 to index
      %parallel_loop3A_411 = arith.index_cast %parallel_loop3A_218 : i32 to index
      %parallel_loop3A_412 = arith.constant 192 : index
      %parallel_loop3A_413 = tpu.vector_load %arg7[%parallel_loop3A_410, %parallel_loop3A_411, %parallel_loop3A_412] {strides = array<i32>} : memref<3x32x512xf32, #tpu.memory_space<vmem>>, vector<1x1x16xf32>,
      %parallel_loop3A_414 = vector.shape_cast %parallel_loop3A_413 : vector<1x1x16xf32> to vector<16xf32>
      %parallel_loop3A_415 = arith.subf %parallel_loop3A_408, %parallel_loop3A_414 : vector<16xf32>
      %parallel_loop3A_416 = arith.mulf %parallel_loop3A_415, %parallel_loop3A_415 : vector<16xf32>
      %parallel_loop3A_417 = arith.addf %parallel_loop3A_357, %parallel_loop3A_416 : vector<16xf32>
      %parallel_loop3A_418 = arith.constant 1 : i32
      %parallel_loop3A_419 = arith.index_cast %parallel_loop3A_418 : i32 to index
      %parallel_loop3A_420 = arith.index_cast %parallel_loop3A_218 : i32 to index
      %parallel_loop3A_421 = arith.constant 208 : index
      %parallel_loop3A_422 = tpu.vector_load %arg8[%parallel_loop3A_419, %parallel_loop3A_420, %parallel_loop3A_421] {strides = array<i32>} : memref<3x32x512xf32, #tpu.memory_space<vmem>>, vector<1x1x16xf32>,
      %parallel_loop3A_423 = vector.shape_cast %parallel_loop3A_422 : vector<1x1x16xf32> to vector<16xf32>
      %parallel_loop3A_424 = arith.constant 1 : i32
      %parallel_loop3A_425 = arith.index_cast %parallel_loop3A_424 : i32 to index
      %parallel_loop3A_426 = arith.index_cast %parallel_loop3A_218 : i32 to index
      %parallel_loop3A_427 = arith.constant 208 : index
      %parallel_loop3A_428 = tpu.vector_load %arg7[%parallel_loop3A_425, %parallel_loop3A_426, %parallel_loop3A_427] {strides = array<i32>} : memref<3x32x512xf32, #tpu.memory_space<vmem>>, vector<1x1x16xf32>,
      %parallel_loop3A_429 = vector.shape_cast %parallel_loop3A_428 : vector<1x1x16xf32> to vector<16xf32>
      %parallel_loop3A_430 = arith.subf %parallel_loop3A_423, %parallel_loop3A_429 : vector<16xf32>
      %parallel_loop3A_431 = arith.mulf %parallel_loop3A_430, %parallel_loop3A_430 : vector<16xf32>
      %parallel_loop3A_432 = arith.addf %parallel_loop3A_372, %parallel_loop3A_431 : vector<16xf32>
      %parallel_loop3A_433 = arith.constant 1 : i32
      %parallel_loop3A_434 = arith.index_cast %parallel_loop3A_433 : i32 to index
      %parallel_loop3A_435 = arith.index_cast %parallel_loop3A_218 : i32 to index
      %parallel_loop3A_436 = arith.constant 224 : index
      %parallel_loop3A_437 = tpu.vector_load %arg8[%parallel_loop3A_434, %parallel_loop3A_435, %parallel_loop3A_436] {strides = array<i32>} : memref<3x32x512xf32, #tpu.memory_space<vmem>>, vector<1x1x16xf32>,
      %parallel_loop3A_438 = vector.shape_cast %parallel_loop3A_437 : vector<1x1x16xf32> to vector<16xf32>
      %parallel_loop3A_439 = arith.constant 1 : i32
      %parallel_loop3A_440 = arith.index_cast %parallel_loop3A_439 : i32 to index
      %parallel_loop3A_441 = arith.index_cast %parallel_loop3A_218 : i32 to index
      %parallel_loop3A_442 = arith.constant 224 : index
      %parallel_loop3A_443 = tpu.vector_load %arg7[%parallel_loop3A_440, %parallel_loop3A_441, %parallel_loop3A_442] {strides = array<i32>} : memref<3x32x512xf32, #tpu.memory_space<vmem>>, vector<1x1x16xf32>,
      %parallel_loop3A_444 = vector.shape_cast %parallel_loop3A_443 : vector<1x1x16xf32> to vector<16xf32>
      %parallel_loop3A_445 = arith.subf %parallel_loop3A_438, %parallel_loop3A_444 : vector<16xf32>
      %parallel_loop3A_446 = arith.mulf %parallel_loop3A_445, %parallel_loop3A_445 : vector<16xf32>
      %parallel_loop3A_447 = arith.addf %parallel_loop3A_387, %parallel_loop3A_446 : vector<16xf32>
      %parallel_loop3A_448 = arith.constant 1 : i32
      %parallel_loop3A_449 = arith.index_cast %parallel_loop3A_448 : i32 to index
      %parallel_loop3A_450 = arith.index_cast %parallel_loop3A_218 : i32 to index
      %parallel_loop3A_451 = arith.constant 240 : index
      %parallel_loop3A_452 = tpu.vector_load %arg8[%parallel_loop3A_449, %parallel_loop3A_450, %parallel_loop3A_451] {strides = array<i32>} : memref<3x32x512xf32, #tpu.memory_space<vmem>>, vector<1x1x16xf32>,
      %parallel_loop3A_453 = vector.shape_cast %parallel_loop3A_452 : vector<1x1x16xf32> to vector<16xf32>
      %parallel_loop3A_454 = arith.constant 1 : i32
      %parallel_loop3A_455 = arith.index_cast %parallel_loop3A_454 : i32 to index
      %parallel_loop3A_456 = arith.index_cast %parallel_loop3A_218 : i32 to index
      %parallel_loop3A_457 = arith.constant 240 : index
      %parallel_loop3A_458 = tpu.vector_load %arg7[%parallel_loop3A_455, %parallel_loop3A_456, %parallel_loop3A_457] {strides = array<i32>} : memref<3x32x512xf32, #tpu.memory_space<vmem>>, vector<1x1x16xf32>,
      %parallel_loop3A_459 = vector.shape_cast %parallel_loop3A_458 : vector<1x1x16xf32> to vector<16xf32>
      %parallel_loop3A_460 = arith.subf %parallel_loop3A_453, %parallel_loop3A_459 : vector<16xf32>
      %parallel_loop3A_461 = arith.mulf %parallel_loop3A_460, %parallel_loop3A_460 : vector<16xf32>
      %parallel_loop3A_462 = arith.addf %parallel_loop3A_402, %parallel_loop3A_461 : vector<16xf32>
      %parallel_loop3A_463 = arith.constant 1 : i32
      %parallel_loop3A_464 = arith.index_cast %parallel_loop3A_463 : i32 to index
      %parallel_loop3A_465 = arith.index_cast %parallel_loop3A_218 : i32 to index
      %parallel_loop3A_466 = arith.constant 256 : index
      %parallel_loop3A_467 = tpu.vector_load %arg8[%parallel_loop3A_464, %parallel_loop3A_465, %parallel_loop3A_466] {strides = array<i32>} : memref<3x32x512xf32, #tpu.memory_space<vmem>>, vector<1x1x16xf32>,
      %parallel_loop3A_468 = vector.shape_cast %parallel_loop3A_467 : vector<1x1x16xf32> to vector<16xf32>
      %parallel_loop3A_469 = arith.constant 1 : i32
      %parallel_loop3A_470 = arith.index_cast %parallel_loop3A_469 : i32 to index
      %parallel_loop3A_471 = arith.index_cast %parallel_loop3A_218 : i32 to index
      %parallel_loop3A_472 = arith.constant 256 : index
      %parallel_loop3A_473 = tpu.vector_load %arg7[%parallel_loop3A_470, %parallel_loop3A_471, %parallel_loop3A_472] {strides = array<i32>} : memref<3x32x512xf32, #tpu.memory_space<vmem>>, vector<1x1x16xf32>,
      %parallel_loop3A_474 = vector.shape_cast %parallel_loop3A_473 : vector<1x1x16xf32> to vector<16xf32>
      %parallel_loop3A_475 = arith.subf %parallel_loop3A_468, %parallel_loop3A_474 : vector<16xf32>
      %parallel_loop3A_476 = arith.mulf %parallel_loop3A_475, %parallel_loop3A_475 : vector<16xf32>
      %parallel_loop3A_477 = arith.addf %parallel_loop3A_417, %parallel_loop3A_476 : vector<16xf32>
      %parallel_loop3A_478 = arith.constant 1 : i32
      %parallel_loop3A_479 = arith.index_cast %parallel_loop3A_478 : i32 to index
      %parallel_loop3A_480 = arith.index_cast %parallel_loop3A_218 : i32 to index
      %parallel_loop3A_481 = arith.constant 272 : index
      %parallel_loop3A_482 = tpu.vector_load %arg8[%parallel_loop3A_479, %parallel_loop3A_480, %parallel_loop3A_481] {strides = array<i32>} : memref<3x32x512xf32, #tpu.memory_space<vmem>>, vector<1x1x16xf32>,
      %parallel_loop3A_483 = vector.shape_cast %parallel_loop3A_482 : vector<1x1x16xf32> to vector<16xf32>
      %parallel_loop3A_484 = arith.constant 1 : i32
      %parallel_loop3A_485 = arith.index_cast %parallel_loop3A_484 : i32 to index
      %parallel_loop3A_486 = arith.index_cast %parallel_loop3A_218 : i32 to index
      %parallel_loop3A_487 = arith.constant 272 : index
      %parallel_loop3A_488 = tpu.vector_load %arg7[%parallel_loop3A_485, %parallel_loop3A_486, %parallel_loop3A_487] {strides = array<i32>} : memref<3x32x512xf32, #tpu.memory_space<vmem>>, vector<1x1x16xf32>,
      %parallel_loop3A_489 = vector.shape_cast %parallel_loop3A_488 : vector<1x1x16xf32> to vector<16xf32>
      %parallel_loop3A_490 = arith.subf %parallel_loop3A_483, %parallel_loop3A_489 : vector<16xf32>
      %parallel_loop3A_491 = arith.mulf %parallel_loop3A_490, %parallel_loop3A_490 : vector<16xf32>
      %parallel_loop3A_492 = arith.addf %parallel_loop3A_432, %parallel_loop3A_491 : vector<16xf32>
      %parallel_loop3A_493 = arith.constant 1 : i32
      %parallel_loop3A_494 = arith.index_cast %parallel_loop3A_493 : i32 to index
      %parallel_loop3A_495 = arith.index_cast %parallel_loop3A_218 : i32 to index
      %parallel_loop3A_496 = arith.constant 288 : index
      %parallel_loop3A_497 = tpu.vector_load %arg8[%parallel_loop3A_494, %parallel_loop3A_495, %parallel_loop3A_496] {strides = array<i32>} : memref<3x32x512xf32, #tpu.memory_space<vmem>>, vector<1x1x16xf32>,
      %parallel_loop3A_498 = vector.shape_cast %parallel_loop3A_497 : vector<1x1x16xf32> to vector<16xf32>
      %parallel_loop3A_499 = arith.constant 1 : i32
      %parallel_loop3A_500 = arith.index_cast %parallel_loop3A_499 : i32 to index
      %parallel_loop3A_501 = arith.index_cast %parallel_loop3A_218 : i32 to index
      %parallel_loop3A_502 = arith.constant 288 : index
      %parallel_loop3A_503 = tpu.vector_load %arg7[%parallel_loop3A_500, %parallel_loop3A_501, %parallel_loop3A_502] {strides = array<i32>} : memref<3x32x512xf32, #tpu.memory_space<vmem>>, vector<1x1x16xf32>,
      %parallel_loop3A_504 = vector.shape_cast %parallel_loop3A_503 : vector<1x1x16xf32> to vector<16xf32>
      %parallel_loop3A_505 = arith.subf %parallel_loop3A_498, %parallel_loop3A_504 : vector<16xf32>
      %parallel_loop3A_506 = arith.mulf %parallel_loop3A_505, %parallel_loop3A_505 : vector<16xf32>
      %parallel_loop3A_507 = arith.addf %parallel_loop3A_447, %parallel_loop3A_506 : vector<16xf32>
      %parallel_loop3A_508 = arith.constant 1 : i32
      %parallel_loop3A_509 = arith.index_cast %parallel_loop3A_508 : i32 to index
      %parallel_loop3A_510 = arith.index_cast %parallel_loop3A_218 : i32 to index
      %parallel_loop3A_511 = arith.constant 304 : index
      %parallel_loop3A_512 = tpu.vector_load %arg8[%parallel_loop3A_509, %parallel_loop3A_510, %parallel_loop3A_511] {strides = array<i32>} : memref<3x32x512xf32, #tpu.memory_space<vmem>>, vector<1x1x16xf32>,
      %parallel_loop3A_513 = vector.shape_cast %parallel_loop3A_512 : vector<1x1x16xf32> to vector<16xf32>
      %parallel_loop3A_514 = arith.constant 1 : i32
      %parallel_loop3A_515 = arith.index_cast %parallel_loop3A_514 : i32 to index
      %parallel_loop3A_516 = arith.index_cast %parallel_loop3A_218 : i32 to index
      %parallel_loop3A_517 = arith.constant 304 : index
      %parallel_loop3A_518 = tpu.vector_load %arg7[%parallel_loop3A_515, %parallel_loop3A_516, %parallel_loop3A_517] {strides = array<i32>} : memref<3x32x512xf32, #tpu.memory_space<vmem>>, vector<1x1x16xf32>,
      %parallel_loop3A_519 = vector.shape_cast %parallel_loop3A_518 : vector<1x1x16xf32> to vector<16xf32>
      %parallel_loop3A_520 = arith.subf %parallel_loop3A_513, %parallel_loop3A_519 : vector<16xf32>
      %parallel_loop3A_521 = arith.mulf %parallel_loop3A_520, %parallel_loop3A_520 : vector<16xf32>
      %parallel_loop3A_522 = arith.addf %parallel_loop3A_462, %parallel_loop3A_521 : vector<16xf32>
      %parallel_loop3A_523 = arith.constant 1 : i32
      %parallel_loop3A_524 = arith.index_cast %parallel_loop3A_523 : i32 to index
      %parallel_loop3A_525 = arith.index_cast %parallel_loop3A_218 : i32 to index
      %parallel_loop3A_526 = arith.constant 320 : index
      %parallel_loop3A_527 = tpu.vector_load %arg8[%parallel_loop3A_524, %parallel_loop3A_525, %parallel_loop3A_526] {strides = array<i32>} : memref<3x32x512xf32, #tpu.memory_space<vmem>>, vector<1x1x16xf32>,
      %parallel_loop3A_528 = vector.shape_cast %parallel_loop3A_527 : vector<1x1x16xf32> to vector<16xf32>
      %parallel_loop3A_529 = arith.constant 1 : i32
      %parallel_loop3A_530 = arith.index_cast %parallel_loop3A_529 : i32 to index
      %parallel_loop3A_531 = arith.index_cast %parallel_loop3A_218 : i32 to index
      %parallel_loop3A_532 = arith.constant 320 : index
      %parallel_loop3A_533 = tpu.vector_load %arg7[%parallel_loop3A_530, %parallel_loop3A_531, %parallel_loop3A_532] {strides = array<i32>} : memref<3x32x512xf32, #tpu.memory_space<vmem>>, vector<1x1x16xf32>,
      %parallel_loop3A_534 = vector.shape_cast %parallel_loop3A_533 : vector<1x1x16xf32> to vector<16xf32>
      %parallel_loop3A_535 = arith.subf %parallel_loop3A_528, %parallel_loop3A_534 : vector<16xf32>
      %parallel_loop3A_536 = arith.mulf %parallel_loop3A_535, %parallel_loop3A_535 : vector<16xf32>
      %parallel_loop3A_537 = arith.addf %parallel_loop3A_477, %parallel_loop3A_536 : vector<16xf32>
      %parallel_loop3A_538 = arith.constant 1 : i32
      %parallel_loop3A_539 = arith.index_cast %parallel_loop3A_538 : i32 to index
      %parallel_loop3A_540 = arith.index_cast %parallel_loop3A_218 : i32 to index
      %parallel_loop3A_541 = arith.constant 336 : index
      %parallel_loop3A_542 = tpu.vector_load %arg8[%parallel_loop3A_539, %parallel_loop3A_540, %parallel_loop3A_541] {strides = array<i32>} : memref<3x32x512xf32, #tpu.memory_space<vmem>>, vector<1x1x16xf32>,
      %parallel_loop3A_543 = vector.shape_cast %parallel_loop3A_542 : vector<1x1x16xf32> to vector<16xf32>
      %parallel_loop3A_544 = arith.constant 1 : i32
      %parallel_loop3A_545 = arith.index_cast %parallel_loop3A_544 : i32 to index
      %parallel_loop3A_546 = arith.index_cast %parallel_loop3A_218 : i32 to index
      %parallel_loop3A_547 = arith.constant 336 : index
      %parallel_loop3A_548 = tpu.vector_load %arg7[%parallel_loop3A_545, %parallel_loop3A_546, %parallel_loop3A_547] {strides = array<i32>} : memref<3x32x512xf32, #tpu.memory_space<vmem>>, vector<1x1x16xf32>,
      %parallel_loop3A_549 = vector.shape_cast %parallel_loop3A_548 : vector<1x1x16xf32> to vector<16xf32>
      %parallel_loop3A_550 = arith.subf %parallel_loop3A_543, %parallel_loop3A_549 : vector<16xf32>
      %parallel_loop3A_551 = arith.mulf %parallel_loop3A_550, %parallel_loop3A_550 : vector<16xf32>
      %parallel_loop3A_552 = arith.addf %parallel_loop3A_492, %parallel_loop3A_551 : vector<16xf32>
      %parallel_loop3A_553 = arith.constant 1 : i32
      %parallel_loop3A_554 = arith.index_cast %parallel_loop3A_553 : i32 to index
      %parallel_loop3A_555 = arith.index_cast %parallel_loop3A_218 : i32 to index
      %parallel_loop3A_556 = arith.constant 352 : index
      %parallel_loop3A_557 = tpu.vector_load %arg8[%parallel_loop3A_554, %parallel_loop3A_555, %parallel_loop3A_556] {strides = array<i32>} : memref<3x32x512xf32, #tpu.memory_space<vmem>>, vector<1x1x16xf32>,
      %parallel_loop3A_558 = vector.shape_cast %parallel_loop3A_557 : vector<1x1x16xf32> to vector<16xf32>
      %parallel_loop3A_559 = arith.constant 1 : i32
      %parallel_loop3A_560 = arith.index_cast %parallel_loop3A_559 : i32 to index
      %parallel_loop3A_561 = arith.index_cast %parallel_loop3A_218 : i32 to index
      %parallel_loop3A_562 = arith.constant 352 : index
      %parallel_loop3A_563 = tpu.vector_load %arg7[%parallel_loop3A_560, %parallel_loop3A_561, %parallel_loop3A_562] {strides = array<i32>} : memref<3x32x512xf32, #tpu.memory_space<vmem>>, vector<1x1x16xf32>,
      %parallel_loop3A_564 = vector.shape_cast %parallel_loop3A_563 : vector<1x1x16xf32> to vector<16xf32>
      %parallel_loop3A_565 = arith.subf %parallel_loop3A_558, %parallel_loop3A_564 : vector<16xf32>
      %parallel_loop3A_566 = arith.mulf %parallel_loop3A_565, %parallel_loop3A_565 : vector<16xf32>
      %parallel_loop3A_567 = arith.addf %parallel_loop3A_507, %parallel_loop3A_566 : vector<16xf32>
      %parallel_loop3A_568 = arith.constant 1 : i32
      %parallel_loop3A_569 = arith.index_cast %parallel_loop3A_568 : i32 to index
      %parallel_loop3A_570 = arith.index_cast %parallel_loop3A_218 : i32 to index
      %parallel_loop3A_571 = arith.constant 368 : index
      %parallel_loop3A_572 = tpu.vector_load %arg8[%parallel_loop3A_569, %parallel_loop3A_570, %parallel_loop3A_571] {strides = array<i32>} : memref<3x32x512xf32, #tpu.memory_space<vmem>>, vector<1x1x16xf32>,
      %parallel_loop3A_573 = vector.shape_cast %parallel_loop3A_572 : vector<1x1x16xf32> to vector<16xf32>
      %parallel_loop3A_574 = arith.constant 1 : i32
      %parallel_loop3A_575 = arith.index_cast %parallel_loop3A_574 : i32 to index
      %parallel_loop3A_576 = arith.index_cast %parallel_loop3A_218 : i32 to index
      %parallel_loop3A_577 = arith.constant 368 : index
      %parallel_loop3A_578 = tpu.vector_load %arg7[%parallel_loop3A_575, %parallel_loop3A_576, %parallel_loop3A_577] {strides = array<i32>} : memref<3x32x512xf32, #tpu.memory_space<vmem>>, vector<1x1x16xf32>,
      %parallel_loop3A_579 = vector.shape_cast %parallel_loop3A_578 : vector<1x1x16xf32> to vector<16xf32>
      %parallel_loop3A_580 = arith.subf %parallel_loop3A_573, %parallel_loop3A_579 : vector<16xf32>
      %parallel_loop3A_581 = arith.mulf %parallel_loop3A_580, %parallel_loop3A_580 : vector<16xf32>
      %parallel_loop3A_582 = arith.addf %parallel_loop3A_522, %parallel_loop3A_581 : vector<16xf32>
      %parallel_loop3A_583 = arith.constant 1 : i32
      %parallel_loop3A_584 = arith.index_cast %parallel_loop3A_583 : i32 to index
      %parallel_loop3A_585 = arith.index_cast %parallel_loop3A_218 : i32 to index
      %parallel_loop3A_586 = arith.constant 384 : index
      %parallel_loop3A_587 = tpu.vector_load %arg8[%parallel_loop3A_584, %parallel_loop3A_585, %parallel_loop3A_586] {strides = array<i32>} : memref<3x32x512xf32, #tpu.memory_space<vmem>>, vector<1x1x16xf32>,
      %parallel_loop3A_588 = vector.shape_cast %parallel_loop3A_587 : vector<1x1x16xf32> to vector<16xf32>
      %parallel_loop3A_589 = arith.constant 1 : i32
      %parallel_loop3A_590 = arith.index_cast %parallel_loop3A_589 : i32 to index
      %parallel_loop3A_591 = arith.index_cast %parallel_loop3A_218 : i32 to index
      %parallel_loop3A_592 = arith.constant 384 : index
      %parallel_loop3A_593 = tpu.vector_load %arg7[%parallel_loop3A_590, %parallel_loop3A_591, %parallel_loop3A_592] {strides = array<i32>} : memref<3x32x512xf32, #tpu.memory_space<vmem>>, vector<1x1x16xf32>,
      %parallel_loop3A_594 = vector.shape_cast %parallel_loop3A_593 : vector<1x1x16xf32> to vector<16xf32>
      %parallel_loop3A_595 = arith.subf %parallel_loop3A_588, %parallel_loop3A_594 : vector<16xf32>
      %parallel_loop3A_596 = arith.mulf %parallel_loop3A_595, %parallel_loop3A_595 : vector<16xf32>
      %parallel_loop3A_597 = arith.addf %parallel_loop3A_537, %parallel_loop3A_596 : vector<16xf32>
      %parallel_loop3A_598 = arith.constant 1 : i32
      %parallel_loop3A_599 = arith.index_cast %parallel_loop3A_598 : i32 to index
      %parallel_loop3A_600 = arith.index_cast %parallel_loop3A_218 : i32 to index
      %parallel_loop3A_601 = arith.constant 400 : index
      %parallel_loop3A_602 = tpu.vector_load %arg8[%parallel_loop3A_599, %parallel_loop3A_600, %parallel_loop3A_601] {strides = array<i32>} : memref<3x32x512xf32, #tpu.memory_space<vmem>>, vector<1x1x16xf32>,
      %parallel_loop3A_603 = vector.shape_cast %parallel_loop3A_602 : vector<1x1x16xf32> to vector<16xf32>
      %parallel_loop3A_604 = arith.constant 1 : i32
      %parallel_loop3A_605 = arith.index_cast %parallel_loop3A_604 : i32 to index
      %parallel_loop3A_606 = arith.index_cast %parallel_loop3A_218 : i32 to index
      %parallel_loop3A_607 = arith.constant 400 : index
      %parallel_loop3A_608 = tpu.vector_load %arg7[%parallel_loop3A_605, %parallel_loop3A_606, %parallel_loop3A_607] {strides = array<i32>} : memref<3x32x512xf32, #tpu.memory_space<vmem>>, vector<1x1x16xf32>,
      %parallel_loop3A_609 = vector.shape_cast %parallel_loop3A_608 : vector<1x1x16xf32> to vector<16xf32>
      %parallel_loop3A_610 = arith.subf %parallel_loop3A_603, %parallel_loop3A_609 : vector<16xf32>
      %parallel_loop3A_611 = arith.mulf %parallel_loop3A_610, %parallel_loop3A_610 : vector<16xf32>
      %parallel_loop3A_612 = arith.addf %parallel_loop3A_552, %parallel_loop3A_611 : vector<16xf32>
      %parallel_loop3A_613 = arith.constant 1 : i32
      %parallel_loop3A_614 = arith.index_cast %parallel_loop3A_613 : i32 to index
      %parallel_loop3A_615 = arith.index_cast %parallel_loop3A_218 : i32 to index
      %parallel_loop3A_616 = arith.constant 416 : index
      %parallel_loop3A_617 = tpu.vector_load %arg8[%parallel_loop3A_614, %parallel_loop3A_615, %parallel_loop3A_616] {strides = array<i32>} : memref<3x32x512xf32, #tpu.memory_space<vmem>>, vector<1x1x16xf32>,
      %parallel_loop3A_618 = vector.shape_cast %parallel_loop3A_617 : vector<1x1x16xf32> to vector<16xf32>
      %parallel_loop3A_619 = arith.constant 1 : i32
      %parallel_loop3A_620 = arith.index_cast %parallel_loop3A_619 : i32 to index
      %parallel_loop3A_621 = arith.index_cast %parallel_loop3A_218 : i32 to index
      %parallel_loop3A_622 = arith.constant 416 : index
      %parallel_loop3A_623 = tpu.vector_load %arg7[%parallel_loop3A_620, %parallel_loop3A_621, %parallel_loop3A_622] {strides = array<i32>} : memref<3x32x512xf32, #tpu.memory_space<vmem>>, vector<1x1x16xf32>,
      %parallel_loop3A_624 = vector.shape_cast %parallel_loop3A_623 : vector<1x1x16xf32> to vector<16xf32>
      %parallel_loop3A_625 = arith.subf %parallel_loop3A_618, %parallel_loop3A_624 : vector<16xf32>
      %parallel_loop3A_626 = arith.mulf %parallel_loop3A_625, %parallel_loop3A_625 : vector<16xf32>
      %parallel_loop3A_627 = arith.addf %parallel_loop3A_567, %parallel_loop3A_626 : vector<16xf32>
      %parallel_loop3A_628 = arith.constant 1 : i32
      %parallel_loop3A_629 = arith.index_cast %parallel_loop3A_628 : i32 to index
      %parallel_loop3A_630 = arith.index_cast %parallel_loop3A_218 : i32 to index
      %parallel_loop3A_631 = arith.constant 432 : index
      %parallel_loop3A_632 = tpu.vector_load %arg8[%parallel_loop3A_629, %parallel_loop3A_630, %parallel_loop3A_631] {strides = array<i32>} : memref<3x32x512xf32, #tpu.memory_space<vmem>>, vector<1x1x16xf32>,
      %parallel_loop3A_633 = vector.shape_cast %parallel_loop3A_632 : vector<1x1x16xf32> to vector<16xf32>
      %parallel_loop3A_634 = arith.constant 1 : i32
      %parallel_loop3A_635 = arith.index_cast %parallel_loop3A_634 : i32 to index
      %parallel_loop3A_636 = arith.index_cast %parallel_loop3A_218 : i32 to index
      %parallel_loop3A_637 = arith.constant 432 : index
      %parallel_loop3A_638 = tpu.vector_load %arg7[%parallel_loop3A_635, %parallel_loop3A_636, %parallel_loop3A_637] {strides = array<i32>} : memref<3x32x512xf32, #tpu.memory_space<vmem>>, vector<1x1x16xf32>,
      %parallel_loop3A_639 = vector.shape_cast %parallel_loop3A_638 : vector<1x1x16xf32> to vector<16xf32>
      %parallel_loop3A_640 = arith.subf %parallel_loop3A_633, %parallel_loop3A_639 : vector<16xf32>
      %parallel_loop3A_641 = arith.mulf %parallel_loop3A_640, %parallel_loop3A_640 : vector<16xf32>
      %parallel_loop3A_642 = arith.addf %parallel_loop3A_582, %parallel_loop3A_641 : vector<16xf32>
      %parallel_loop3A_643 = arith.constant 1 : i32
      %parallel_loop3A_644 = arith.index_cast %parallel_loop3A_643 : i32 to index
      %parallel_loop3A_645 = arith.index_cast %parallel_loop3A_218 : i32 to index
      %parallel_loop3A_646 = arith.constant 448 : index
      %parallel_loop3A_647 = tpu.vector_load %arg8[%parallel_loop3A_644, %parallel_loop3A_645, %parallel_loop3A_646] {strides = array<i32>} : memref<3x32x512xf32, #tpu.memory_space<vmem>>, vector<1x1x16xf32>,
      %parallel_loop3A_648 = vector.shape_cast %parallel_loop3A_647 : vector<1x1x16xf32> to vector<16xf32>
      %parallel_loop3A_649 = arith.constant 1 : i32
      %parallel_loop3A_650 = arith.index_cast %parallel_loop3A_649 : i32 to index
      %parallel_loop3A_651 = arith.index_cast %parallel_loop3A_218 : i32 to index
      %parallel_loop3A_652 = arith.constant 448 : index
      %parallel_loop3A_653 = tpu.vector_load %arg7[%parallel_loop3A_650, %parallel_loop3A_651, %parallel_loop3A_652] {strides = array<i32>} : memref<3x32x512xf32, #tpu.memory_space<vmem>>, vector<1x1x16xf32>,
      %parallel_loop3A_654 = vector.shape_cast %parallel_loop3A_653 : vector<1x1x16xf32> to vector<16xf32>
      %parallel_loop3A_655 = arith.subf %parallel_loop3A_648, %parallel_loop3A_654 : vector<16xf32>
      %parallel_loop3A_656 = arith.mulf %parallel_loop3A_655, %parallel_loop3A_655 : vector<16xf32>
      %parallel_loop3A_657 = arith.addf %parallel_loop3A_597, %parallel_loop3A_656 : vector<16xf32>
      %parallel_loop3A_658 = arith.constant 1 : i32
      %parallel_loop3A_659 = arith.index_cast %parallel_loop3A_658 : i32 to index
      %parallel_loop3A_660 = arith.index_cast %parallel_loop3A_218 : i32 to index
      %parallel_loop3A_661 = arith.constant 464 : index
      %parallel_loop3A_662 = tpu.vector_load %arg8[%parallel_loop3A_659, %parallel_loop3A_660, %parallel_loop3A_661] {strides = array<i32>} : memref<3x32x512xf32, #tpu.memory_space<vmem>>, vector<1x1x16xf32>,
      %parallel_loop3A_663 = vector.shape_cast %parallel_loop3A_662 : vector<1x1x16xf32> to vector<16xf32>
      %parallel_loop3A_664 = arith.constant 1 : i32
      %parallel_loop3A_665 = arith.index_cast %parallel_loop3A_664 : i32 to index
      %parallel_loop3A_666 = arith.index_cast %parallel_loop3A_218 : i32 to index
      %parallel_loop3A_667 = arith.constant 464 : index
      %parallel_loop3A_668 = tpu.vector_load %arg7[%parallel_loop3A_665, %parallel_loop3A_666, %parallel_loop3A_667] {strides = array<i32>} : memref<3x32x512xf32, #tpu.memory_space<vmem>>, vector<1x1x16xf32>,
      %parallel_loop3A_669 = vector.shape_cast %parallel_loop3A_668 : vector<1x1x16xf32> to vector<16xf32>
      %parallel_loop3A_670 = arith.subf %parallel_loop3A_663, %parallel_loop3A_669 : vector<16xf32>
      %parallel_loop3A_671 = arith.mulf %parallel_loop3A_670, %parallel_loop3A_670 : vector<16xf32>
      %parallel_loop3A_672 = arith.addf %parallel_loop3A_612, %parallel_loop3A_671 : vector<16xf32>
      %parallel_loop3A_673 = arith.constant 1 : i32
      %parallel_loop3A_674 = arith.index_cast %parallel_loop3A_673 : i32 to index
      %parallel_loop3A_675 = arith.index_cast %parallel_loop3A_218 : i32 to index
      %parallel_loop3A_676 = arith.constant 480 : index
      %parallel_loop3A_677 = tpu.vector_load %arg8[%parallel_loop3A_674, %parallel_loop3A_675, %parallel_loop3A_676] {strides = array<i32>} : memref<3x32x512xf32, #tpu.memory_space<vmem>>, vector<1x1x16xf32>,
      %parallel_loop3A_678 = vector.shape_cast %parallel_loop3A_677 : vector<1x1x16xf32> to vector<16xf32>
      %parallel_loop3A_679 = arith.constant 1 : i32
      %parallel_loop3A_680 = arith.index_cast %parallel_loop3A_679 : i32 to index
      %parallel_loop3A_681 = arith.index_cast %parallel_loop3A_218 : i32 to index
      %parallel_loop3A_682 = arith.constant 480 : index
      %parallel_loop3A_683 = tpu.vector_load %arg7[%parallel_loop3A_680, %parallel_loop3A_681, %parallel_loop3A_682] {strides = array<i32>} : memref<3x32x512xf32, #tpu.memory_space<vmem>>, vector<1x1x16xf32>,
      %parallel_loop3A_684 = vector.shape_cast %parallel_loop3A_683 : vector<1x1x16xf32> to vector<16xf32>
      %parallel_loop3A_685 = arith.subf %parallel_loop3A_678, %parallel_loop3A_684 : vector<16xf32>
      %parallel_loop3A_686 = arith.mulf %parallel_loop3A_685, %parallel_loop3A_685 : vector<16xf32>
      %parallel_loop3A_687 = arith.addf %parallel_loop3A_627, %parallel_loop3A_686 : vector<16xf32>
      %parallel_loop3A_688 = arith.constant 1 : i32
      %parallel_loop3A_689 = arith.index_cast %parallel_loop3A_688 : i32 to index
      %parallel_loop3A_690 = arith.index_cast %parallel_loop3A_218 : i32 to index
      %parallel_loop3A_691 = arith.constant 496 : index
      %parallel_loop3A_692 = tpu.vector_load %arg8[%parallel_loop3A_689, %parallel_loop3A_690, %parallel_loop3A_691] {strides = array<i32>} : memref<3x32x512xf32, #tpu.memory_space<vmem>>, vector<1x1x16xf32>,
      %parallel_loop3A_693 = vector.shape_cast %parallel_loop3A_692 : vector<1x1x16xf32> to vector<16xf32>
      %parallel_loop3A_694 = arith.constant 1 : i32
      %parallel_loop3A_695 = arith.index_cast %parallel_loop3A_694 : i32 to index
      %parallel_loop3A_696 = arith.index_cast %parallel_loop3A_218 : i32 to index
      %parallel_loop3A_697 = arith.constant 496 : index
      %parallel_loop3A_698 = tpu.vector_load %arg7[%parallel_loop3A_695, %parallel_loop3A_696, %parallel_loop3A_697] {strides = array<i32>} : memref<3x32x512xf32, #tpu.memory_space<vmem>>, vector<1x1x16xf32>,
      %parallel_loop3A_699 = vector.shape_cast %parallel_loop3A_698 : vector<1x1x16xf32> to vector<16xf32>
      %parallel_loop3A_700 = arith.subf %parallel_loop3A_693, %parallel_loop3A_699 : vector<16xf32>
      %parallel_loop3A_701 = arith.mulf %parallel_loop3A_700, %parallel_loop3A_700 : vector<16xf32>
      %parallel_loop3A_702 = arith.addf %parallel_loop3A_642, %parallel_loop3A_701 : vector<16xf32>
      scf.yield %parallel_loop3A_657, %parallel_loop3A_672, %parallel_loop3A_687, %parallel_loop3A_702 : vector<16xf32>, vector<16xf32>, vector<16xf32>, vector<16xf32>
    } {sc.loop_unroll_factor = 2 : i64, sc.parallel_access}
    %dma_wait3A_155 = arith.constant 2 : i32
    %dma_wait3A_156 = arith.constant 0 : i32
    %dma_wait3A_157 = arith.constant 0 : i32
    %dma_wait3A_158 = tpu.memref_slice %arg7[%dma_wait3A_155, %dma_wait3A_156, %dma_wait3A_157] : memref<3x32x512xf32, #tpu.memory_space<vmem>> -> memref<1x32x512xf32, #tpu.memory_space<vmem>>
    %dma_wait3A_159 = tpu.memref_squeeze %dma_wait3A_158 : memref<1x32x512xf32, #tpu.memory_space<vmem>> -> memref<32x512xf32, #tpu.memory_space<vmem>>
    %dma_wait3A_160 = arith.constant 64 : i32
    %dma_wait3A_161 = tpu.memref_slice %arg6[%dma_wait3A_160] : memref<128xi32, #tpu.memory_space<vmem>> -> memref<32xi32, #tpu.memory_space<vmem>>
    %dma_wait3A_162 = arith.constant 0 : i32
    %dma_wait3A_163 = arith.constant 0 : i32
    %dma_wait3A_164 = tpu.memref_slice %arg3[%dma_wait3A_162, %dma_wait3A_163] : memref<10000x512xf32, #tpu.memory_space<hbm>> -> memref<10000x512xf32, #tpu.memory_space<hbm>>
    tpu.wait_indirect_dma semaphore(%arg12 : memref<!tpu.dma_semaphore, #tpu.memory_space<semaphore_mem>>) src(%dma_wait3A_164 : memref<10000x512xf32, #tpu.memory_space<hbm>>) dst(%dma_wait3A_159 : memref<32x512xf32, #tpu.memory_space<vmem>>)
    %dma_wait3A_165 = arith.constant 2 : i32
    %dma_wait3A_166 = arith.constant 0 : i32
    %dma_wait3A_167 = arith.constant 0 : i32
    %dma_wait3A_168 = tpu.memref_slice %arg8[%dma_wait3A_165, %dma_wait3A_166, %dma_wait3A_167] : memref<3x32x512xf32, #tpu.memory_space<vmem>> -> memref<1x32x512xf32, #tpu.memory_space<vmem>>
    %dma_wait3A_169 = tpu.memref_squeeze %dma_wait3A_168 : memref<1x32x512xf32, #tpu.memory_space<vmem>> -> memref<32x512xf32, #tpu.memory_space<vmem>>
    %dma_wait3A_170 = arith.constant 0 : i32
    %dma_wait3A_171 = tpu.memref_slice %arg2[%add3A_64, %dma_wait3A_170] : memref<4096x512xf32, #tpu.memory_space<hbm>> -> memref<32x512xf32, #tpu.memory_space<hbm>>
    %dma_wait3A_172 = arith.constant 0 : i32
    %dma_wait3A_173 = arith.constant 0 : i32
    %dma_wait3A_174 = tpu.memref_slice %arg8[%dma_wait3A_165, %dma_wait3A_172, %dma_wait3A_173] : memref<3x32x512xf32, #tpu.memory_space<vmem>> -> memref<1x32x512xf32, #tpu.memory_space<vmem>>
    %dma_wait3A_175 = tpu.memref_squeeze %dma_wait3A_174 : memref<1x32x512xf32, #tpu.memory_space<vmem>> -> memref<32x512xf32, #tpu.memory_space<vmem>>
    %dma_wait3A_176 = arith.constant 0 : i32
    %dma_wait3A_177 = tpu.memref_slice %arg2[%add3A_64, %dma_wait3A_176] : memref<4096x512xf32, #tpu.memory_space<hbm>> -> memref<32x512xf32, #tpu.memory_space<hbm>>
    tpu.wait_dma2 semaphore(%arg15 : memref<!tpu.dma_semaphore, #tpu.memory_space<semaphore_mem>>) src(%dma_wait3A_177 : memref<32x512xf32, #tpu.memory_space<hbm>>) dst(%dma_wait3A_175 : memref<32x512xf32, #tpu.memory_space<vmem>>)
    %parallel_loop3A_178 = arith.constant 0 : i32
    %parallel_loop3A_179 = arith.constant 32 : i32
    %parallel_loop3A_180 = arith.constant 1 : i32
    %parallel_loop3A_181:4 = scf.for %parallel_loop3A_218 = %parallel_loop3A_178 to %parallel_loop3A_179 step %parallel_loop3A_180 iter_args(%parallel_loop3A_219 = %parallel_loop3A_154#0, %parallel_loop3A_220 = %parallel_loop3A_154#1, %parallel_loop3A_221 = %parallel_loop3A_154#2, %parallel_loop3A_222 = %parallel_loop3A_154#3) -> (vector<16xf32>, vector<16xf32>, vector<16xf32>, vector<16xf32>)  : i32 {
      %parallel_loop3A_223 = arith.constant 2 : i32
      %parallel_loop3A_224 = arith.index_cast %parallel_loop3A_223 : i32 to index
      %parallel_loop3A_225 = arith.index_cast %parallel_loop3A_218 : i32 to index
      %parallel_loop3A_226 = arith.constant 0 : index
      %parallel_loop3A_227 = tpu.vector_load %arg8[%parallel_loop3A_224, %parallel_loop3A_225, %parallel_loop3A_226] {strides = array<i32>} : memref<3x32x512xf32, #tpu.memory_space<vmem>>, vector<1x1x16xf32>,
      %parallel_loop3A_228 = vector.shape_cast %parallel_loop3A_227 : vector<1x1x16xf32> to vector<16xf32>
      %parallel_loop3A_229 = arith.constant 2 : i32
      %parallel_loop3A_230 = arith.index_cast %parallel_loop3A_229 : i32 to index
      %parallel_loop3A_231 = arith.index_cast %parallel_loop3A_218 : i32 to index
      %parallel_loop3A_232 = arith.constant 0 : index
      %parallel_loop3A_233 = tpu.vector_load %arg7[%parallel_loop3A_230, %parallel_loop3A_231, %parallel_loop3A_232] {strides = array<i32>} : memref<3x32x512xf32, #tpu.memory_space<vmem>>, vector<1x1x16xf32>,
      %parallel_loop3A_234 = vector.shape_cast %parallel_loop3A_233 : vector<1x1x16xf32> to vector<16xf32>
      %parallel_loop3A_235 = arith.subf %parallel_loop3A_228, %parallel_loop3A_234 : vector<16xf32>
      %parallel_loop3A_236 = arith.mulf %parallel_loop3A_235, %parallel_loop3A_235 : vector<16xf32>
      %parallel_loop3A_237 = arith.addf %parallel_loop3A_219, %parallel_loop3A_236 : vector<16xf32>
      %parallel_loop3A_238 = arith.constant 2 : i32
      %parallel_loop3A_239 = arith.index_cast %parallel_loop3A_238 : i32 to index
      %parallel_loop3A_240 = arith.index_cast %parallel_loop3A_218 : i32 to index
      %parallel_loop3A_241 = arith.constant 16 : index
      %parallel_loop3A_242 = tpu.vector_load %arg8[%parallel_loop3A_239, %parallel_loop3A_240, %parallel_loop3A_241] {strides = array<i32>} : memref<3x32x512xf32, #tpu.memory_space<vmem>>, vector<1x1x16xf32>,
      %parallel_loop3A_243 = vector.shape_cast %parallel_loop3A_242 : vector<1x1x16xf32> to vector<16xf32>
      %parallel_loop3A_244 = arith.constant 2 : i32
      %parallel_loop3A_245 = arith.index_cast %parallel_loop3A_244 : i32 to index
      %parallel_loop3A_246 = arith.index_cast %parallel_loop3A_218 : i32 to index
      %parallel_loop3A_247 = arith.constant 16 : index
      %parallel_loop3A_248 = tpu.vector_load %arg7[%parallel_loop3A_245, %parallel_loop3A_246, %parallel_loop3A_247] {strides = array<i32>} : memref<3x32x512xf32, #tpu.memory_space<vmem>>, vector<1x1x16xf32>,
      %parallel_loop3A_249 = vector.shape_cast %parallel_loop3A_248 : vector<1x1x16xf32> to vector<16xf32>
      %parallel_loop3A_250 = arith.subf %parallel_loop3A_243, %parallel_loop3A_249 : vector<16xf32>
      %parallel_loop3A_251 = arith.mulf %parallel_loop3A_250, %parallel_loop3A_250 : vector<16xf32>
      %parallel_loop3A_252 = arith.addf %parallel_loop3A_220, %parallel_loop3A_251 : vector<16xf32>
      %parallel_loop3A_253 = arith.constant 2 : i32
      %parallel_loop3A_254 = arith.index_cast %parallel_loop3A_253 : i32 to index
      %parallel_loop3A_255 = arith.index_cast %parallel_loop3A_218 : i32 to index
      %parallel_loop3A_256 = arith.constant 32 : index
      %parallel_loop3A_257 = tpu.vector_load %arg8[%parallel_loop3A_254, %parallel_loop3A_255, %parallel_loop3A_256] {strides = array<i32>} : memref<3x32x512xf32, #tpu.memory_space<vmem>>, vector<1x1x16xf32>,
      %parallel_loop3A_258 = vector.shape_cast %parallel_loop3A_257 : vector<1x1x16xf32> to vector<16xf32>
      %parallel_loop3A_259 = arith.constant 2 : i32
      %parallel_loop3A_260 = arith.index_cast %parallel_loop3A_259 : i32 to index
      %parallel_loop3A_261 = arith.index_cast %parallel_loop3A_218 : i32 to index
      %parallel_loop3A_262 = arith.constant 32 : index
      %parallel_loop3A_263 = tpu.vector_load %arg7[%parallel_loop3A_260, %parallel_loop3A_261, %parallel_loop3A_262] {strides = array<i32>} : memref<3x32x512xf32, #tpu.memory_space<vmem>>, vector<1x1x16xf32>,
      %parallel_loop3A_264 = vector.shape_cast %parallel_loop3A_263 : vector<1x1x16xf32> to vector<16xf32>
      %parallel_loop3A_265 = arith.subf %parallel_loop3A_258, %parallel_loop3A_264 : vector<16xf32>
      %parallel_loop3A_266 = arith.mulf %parallel_loop3A_265, %parallel_loop3A_265 : vector<16xf32>
      %parallel_loop3A_267 = arith.addf %parallel_loop3A_221, %parallel_loop3A_266 : vector<16xf32>
      %parallel_loop3A_268 = arith.constant 2 : i32
      %parallel_loop3A_269 = arith.index_cast %parallel_loop3A_268 : i32 to index
      %parallel_loop3A_270 = arith.index_cast %parallel_loop3A_218 : i32 to index
      %parallel_loop3A_271 = arith.constant 48 : index
      %parallel_loop3A_272 = tpu.vector_load %arg8[%parallel_loop3A_269, %parallel_loop3A_270, %parallel_loop3A_271] {strides = array<i32>} : memref<3x32x512xf32, #tpu.memory_space<vmem>>, vector<1x1x16xf32>,
      %parallel_loop3A_273 = vector.shape_cast %parallel_loop3A_272 : vector<1x1x16xf32> to vector<16xf32>
      %parallel_loop3A_274 = arith.constant 2 : i32
      %parallel_loop3A_275 = arith.index_cast %parallel_loop3A_274 : i32 to index
      %parallel_loop3A_276 = arith.index_cast %parallel_loop3A_218 : i32 to index
      %parallel_loop3A_277 = arith.constant 48 : index
      %parallel_loop3A_278 = tpu.vector_load %arg7[%parallel_loop3A_275, %parallel_loop3A_276, %parallel_loop3A_277] {strides = array<i32>} : memref<3x32x512xf32, #tpu.memory_space<vmem>>, vector<1x1x16xf32>,
      %parallel_loop3A_279 = vector.shape_cast %parallel_loop3A_278 : vector<1x1x16xf32> to vector<16xf32>
      %parallel_loop3A_280 = arith.subf %parallel_loop3A_273, %parallel_loop3A_279 : vector<16xf32>
      %parallel_loop3A_281 = arith.mulf %parallel_loop3A_280, %parallel_loop3A_280 : vector<16xf32>
      %parallel_loop3A_282 = arith.addf %parallel_loop3A_222, %parallel_loop3A_281 : vector<16xf32>
      %parallel_loop3A_283 = arith.constant 2 : i32
      %parallel_loop3A_284 = arith.index_cast %parallel_loop3A_283 : i32 to index
      %parallel_loop3A_285 = arith.index_cast %parallel_loop3A_218 : i32 to index
      %parallel_loop3A_286 = arith.constant 64 : index
      %parallel_loop3A_287 = tpu.vector_load %arg8[%parallel_loop3A_284, %parallel_loop3A_285, %parallel_loop3A_286] {strides = array<i32>} : memref<3x32x512xf32, #tpu.memory_space<vmem>>, vector<1x1x16xf32>,
      %parallel_loop3A_288 = vector.shape_cast %parallel_loop3A_287 : vector<1x1x16xf32> to vector<16xf32>
      %parallel_loop3A_289 = arith.constant 2 : i32
      %parallel_loop3A_290 = arith.index_cast %parallel_loop3A_289 : i32 to index
      %parallel_loop3A_291 = arith.index_cast %parallel_loop3A_218 : i32 to index
      %parallel_loop3A_292 = arith.constant 64 : index
      %parallel_loop3A_293 = tpu.vector_load %arg7[%parallel_loop3A_290, %parallel_loop3A_291, %parallel_loop3A_292] {strides = array<i32>} : memref<3x32x512xf32, #tpu.memory_space<vmem>>, vector<1x1x16xf32>,
      %parallel_loop3A_294 = vector.shape_cast %parallel_loop3A_293 : vector<1x1x16xf32> to vector<16xf32>
      %parallel_loop3A_295 = arith.subf %parallel_loop3A_288, %parallel_loop3A_294 : vector<16xf32>
      %parallel_loop3A_296 = arith.mulf %parallel_loop3A_295, %parallel_loop3A_295 : vector<16xf32>
      %parallel_loop3A_297 = arith.addf %parallel_loop3A_237, %parallel_loop3A_296 : vector<16xf32>
      %parallel_loop3A_298 = arith.constant 2 : i32
      %parallel_loop3A_299 = arith.index_cast %parallel_loop3A_298 : i32 to index
      %parallel_loop3A_300 = arith.index_cast %parallel_loop3A_218 : i32 to index
      %parallel_loop3A_301 = arith.constant 80 : index
      %parallel_loop3A_302 = tpu.vector_load %arg8[%parallel_loop3A_299, %parallel_loop3A_300, %parallel_loop3A_301] {strides = array<i32>} : memref<3x32x512xf32, #tpu.memory_space<vmem>>, vector<1x1x16xf32>,
      %parallel_loop3A_303 = vector.shape_cast %parallel_loop3A_302 : vector<1x1x16xf32> to vector<16xf32>
      %parallel_loop3A_304 = arith.constant 2 : i32
      %parallel_loop3A_305 = arith.index_cast %parallel_loop3A_304 : i32 to index
      %parallel_loop3A_306 = arith.index_cast %parallel_loop3A_218 : i32 to index
      %parallel_loop3A_307 = arith.constant 80 : index
      %parallel_loop3A_308 = tpu.vector_load %arg7[%parallel_loop3A_305, %parallel_loop3A_306, %parallel_loop3A_307] {strides = array<i32>} : memref<3x32x512xf32, #tpu.memory_space<vmem>>, vector<1x1x16xf32>,
      %parallel_loop3A_309 = vector.shape_cast %parallel_loop3A_308 : vector<1x1x16xf32> to vector<16xf32>
      %parallel_loop3A_310 = arith.subf %parallel_loop3A_303, %parallel_loop3A_309 : vector<16xf32>
      %parallel_loop3A_311 = arith.mulf %parallel_loop3A_310, %parallel_loop3A_310 : vector<16xf32>
      %parallel_loop3A_312 = arith.addf %parallel_loop3A_252, %parallel_loop3A_311 : vector<16xf32>
      %parallel_loop3A_313 = arith.constant 2 : i32
      %parallel_loop3A_314 = arith.index_cast %parallel_loop3A_313 : i32 to index
      %parallel_loop3A_315 = arith.index_cast %parallel_loop3A_218 : i32 to index
      %parallel_loop3A_316 = arith.constant 96 : index
      %parallel_loop3A_317 = tpu.vector_load %arg8[%parallel_loop3A_314, %parallel_loop3A_315, %parallel_loop3A_316] {strides = array<i32>} : memref<3x32x512xf32, #tpu.memory_space<vmem>>, vector<1x1x16xf32>,
      %parallel_loop3A_318 = vector.shape_cast %parallel_loop3A_317 : vector<1x1x16xf32> to vector<16xf32>
      %parallel_loop3A_319 = arith.constant 2 : i32
      %parallel_loop3A_320 = arith.index_cast %parallel_loop3A_319 : i32 to index
      %parallel_loop3A_321 = arith.index_cast %parallel_loop3A_218 : i32 to index
      %parallel_loop3A_322 = arith.constant 96 : index
      %parallel_loop3A_323 = tpu.vector_load %arg7[%parallel_loop3A_320, %parallel_loop3A_321, %parallel_loop3A_322] {strides = array<i32>} : memref<3x32x512xf32, #tpu.memory_space<vmem>>, vector<1x1x16xf32>,
      %parallel_loop3A_324 = vector.shape_cast %parallel_loop3A_323 : vector<1x1x16xf32> to vector<16xf32>
      %parallel_loop3A_325 = arith.subf %parallel_loop3A_318, %parallel_loop3A_324 : vector<16xf32>
      %parallel_loop3A_326 = arith.mulf %parallel_loop3A_325, %parallel_loop3A_325 : vector<16xf32>
      %parallel_loop3A_327 = arith.addf %parallel_loop3A_267, %parallel_loop3A_326 : vector<16xf32>
      %parallel_loop3A_328 = arith.constant 2 : i32
      %parallel_loop3A_329 = arith.index_cast %parallel_loop3A_328 : i32 to index
      %parallel_loop3A_330 = arith.index_cast %parallel_loop3A_218 : i32 to index
      %parallel_loop3A_331 = arith.constant 112 : index
      %parallel_loop3A_332 = tpu.vector_load %arg8[%parallel_loop3A_329, %parallel_loop3A_330, %parallel_loop3A_331] {strides = array<i32>} : memref<3x32x512xf32, #tpu.memory_space<vmem>>, vector<1x1x16xf32>,
      %parallel_loop3A_333 = vector.shape_cast %parallel_loop3A_332 : vector<1x1x16xf32> to vector<16xf32>
      %parallel_loop3A_334 = arith.constant 2 : i32
      %parallel_loop3A_335 = arith.index_cast %parallel_loop3A_334 : i32 to index
      %parallel_loop3A_336 = arith.index_cast %parallel_loop3A_218 : i32 to index
      %parallel_loop3A_337 = arith.constant 112 : index
      %parallel_loop3A_338 = tpu.vector_load %arg7[%parallel_loop3A_335, %parallel_loop3A_336, %parallel_loop3A_337] {strides = array<i32>} : memref<3x32x512xf32, #tpu.memory_space<vmem>>, vector<1x1x16xf32>,
      %parallel_loop3A_339 = vector.shape_cast %parallel_loop3A_338 : vector<1x1x16xf32> to vector<16xf32>
      %parallel_loop3A_340 = arith.subf %parallel_loop3A_333, %parallel_loop3A_339 : vector<16xf32>
      %parallel_loop3A_341 = arith.mulf %parallel_loop3A_340, %parallel_loop3A_340 : vector<16xf32>
      %parallel_loop3A_342 = arith.addf %parallel_loop3A_282, %parallel_loop3A_341 : vector<16xf32>
      %parallel_loop3A_343 = arith.constant 2 : i32
      %parallel_loop3A_344 = arith.index_cast %parallel_loop3A_343 : i32 to index
      %parallel_loop3A_345 = arith.index_cast %parallel_loop3A_218 : i32 to index
      %parallel_loop3A_346 = arith.constant 128 : index
      %parallel_loop3A_347 = tpu.vector_load %arg8[%parallel_loop3A_344, %parallel_loop3A_345, %parallel_loop3A_346] {strides = array<i32>} : memref<3x32x512xf32, #tpu.memory_space<vmem>>, vector<1x1x16xf32>,
      %parallel_loop3A_348 = vector.shape_cast %parallel_loop3A_347 : vector<1x1x16xf32> to vector<16xf32>
      %parallel_loop3A_349 = arith.constant 2 : i32
      %parallel_loop3A_350 = arith.index_cast %parallel_loop3A_349 : i32 to index
      %parallel_loop3A_351 = arith.index_cast %parallel_loop3A_218 : i32 to index
      %parallel_loop3A_352 = arith.constant 128 : index
      %parallel_loop3A_353 = tpu.vector_load %arg7[%parallel_loop3A_350, %parallel_loop3A_351, %parallel_loop3A_352] {strides = array<i32>} : memref<3x32x512xf32, #tpu.memory_space<vmem>>, vector<1x1x16xf32>,
      %parallel_loop3A_354 = vector.shape_cast %parallel_loop3A_353 : vector<1x1x16xf32> to vector<16xf32>
      %parallel_loop3A_355 = arith.subf %parallel_loop3A_348, %parallel_loop3A_354 : vector<16xf32>
      %parallel_loop3A_356 = arith.mulf %parallel_loop3A_355, %parallel_loop3A_355 : vector<16xf32>
      %parallel_loop3A_357 = arith.addf %parallel_loop3A_297, %parallel_loop3A_356 : vector<16xf32>
      %parallel_loop3A_358 = arith.constant 2 : i32
      %parallel_loop3A_359 = arith.index_cast %parallel_loop3A_358 : i32 to index
      %parallel_loop3A_360 = arith.index_cast %parallel_loop3A_218 : i32 to index
      %parallel_loop3A_361 = arith.constant 144 : index
      %parallel_loop3A_362 = tpu.vector_load %arg8[%parallel_loop3A_359, %parallel_loop3A_360, %parallel_loop3A_361] {strides = array<i32>} : memref<3x32x512xf32, #tpu.memory_space<vmem>>, vector<1x1x16xf32>,
      %parallel_loop3A_363 = vector.shape_cast %parallel_loop3A_362 : vector<1x1x16xf32> to vector<16xf32>
      %parallel_loop3A_364 = arith.constant 2 : i32
      %parallel_loop3A_365 = arith.index_cast %parallel_loop3A_364 : i32 to index
      %parallel_loop3A_366 = arith.index_cast %parallel_loop3A_218 : i32 to index
      %parallel_loop3A_367 = arith.constant 144 : index
      %parallel_loop3A_368 = tpu.vector_load %arg7[%parallel_loop3A_365, %parallel_loop3A_366, %parallel_loop3A_367] {strides = array<i32>} : memref<3x32x512xf32, #tpu.memory_space<vmem>>, vector<1x1x16xf32>,
      %parallel_loop3A_369 = vector.shape_cast %parallel_loop3A_368 : vector<1x1x16xf32> to vector<16xf32>
      %parallel_loop3A_370 = arith.subf %parallel_loop3A_363, %parallel_loop3A_369 : vector<16xf32>
      %parallel_loop3A_371 = arith.mulf %parallel_loop3A_370, %parallel_loop3A_370 : vector<16xf32>
      %parallel_loop3A_372 = arith.addf %parallel_loop3A_312, %parallel_loop3A_371 : vector<16xf32>
      %parallel_loop3A_373 = arith.constant 2 : i32
      %parallel_loop3A_374 = arith.index_cast %parallel_loop3A_373 : i32 to index
      %parallel_loop3A_375 = arith.index_cast %parallel_loop3A_218 : i32 to index
      %parallel_loop3A_376 = arith.constant 160 : index
      %parallel_loop3A_377 = tpu.vector_load %arg8[%parallel_loop3A_374, %parallel_loop3A_375, %parallel_loop3A_376] {strides = array<i32>} : memref<3x32x512xf32, #tpu.memory_space<vmem>>, vector<1x1x16xf32>,
      %parallel_loop3A_378 = vector.shape_cast %parallel_loop3A_377 : vector<1x1x16xf32> to vector<16xf32>
      %parallel_loop3A_379 = arith.constant 2 : i32
      %parallel_loop3A_380 = arith.index_cast %parallel_loop3A_379 : i32 to index
      %parallel_loop3A_381 = arith.index_cast %parallel_loop3A_218 : i32 to index
      %parallel_loop3A_382 = arith.constant 160 : index
      %parallel_loop3A_383 = tpu.vector_load %arg7[%parallel_loop3A_380, %parallel_loop3A_381, %parallel_loop3A_382] {strides = array<i32>} : memref<3x32x512xf32, #tpu.memory_space<vmem>>, vector<1x1x16xf32>,
      %parallel_loop3A_384 = vector.shape_cast %parallel_loop3A_383 : vector<1x1x16xf32> to vector<16xf32>
      %parallel_loop3A_385 = arith.subf %parallel_loop3A_378, %parallel_loop3A_384 : vector<16xf32>
      %parallel_loop3A_386 = arith.mulf %parallel_loop3A_385, %parallel_loop3A_385 : vector<16xf32>
      %parallel_loop3A_387 = arith.addf %parallel_loop3A_327, %parallel_loop3A_386 : vector<16xf32>
      %parallel_loop3A_388 = arith.constant 2 : i32
      %parallel_loop3A_389 = arith.index_cast %parallel_loop3A_388 : i32 to index
      %parallel_loop3A_390 = arith.index_cast %parallel_loop3A_218 : i32 to index
      %parallel_loop3A_391 = arith.constant 176 : index
      %parallel_loop3A_392 = tpu.vector_load %arg8[%parallel_loop3A_389, %parallel_loop3A_390, %parallel_loop3A_391] {strides = array<i32>} : memref<3x32x512xf32, #tpu.memory_space<vmem>>, vector<1x1x16xf32>,
      %parallel_loop3A_393 = vector.shape_cast %parallel_loop3A_392 : vector<1x1x16xf32> to vector<16xf32>
      %parallel_loop3A_394 = arith.constant 2 : i32
      %parallel_loop3A_395 = arith.index_cast %parallel_loop3A_394 : i32 to index
      %parallel_loop3A_396 = arith.index_cast %parallel_loop3A_218 : i32 to index
      %parallel_loop3A_397 = arith.constant 176 : index
      %parallel_loop3A_398 = tpu.vector_load %arg7[%parallel_loop3A_395, %parallel_loop3A_396, %parallel_loop3A_397] {strides = array<i32>} : memref<3x32x512xf32, #tpu.memory_space<vmem>>, vector<1x1x16xf32>,
      %parallel_loop3A_399 = vector.shape_cast %parallel_loop3A_398 : vector<1x1x16xf32> to vector<16xf32>
      %parallel_loop3A_400 = arith.subf %parallel_loop3A_393, %parallel_loop3A_399 : vector<16xf32>
      %parallel_loop3A_401 = arith.mulf %parallel_loop3A_400, %parallel_loop3A_400 : vector<16xf32>
      %parallel_loop3A_402 = arith.addf %parallel_loop3A_342, %parallel_loop3A_401 : vector<16xf32>
      %parallel_loop3A_403 = arith.constant 2 : i32
      %parallel_loop3A_404 = arith.index_cast %parallel_loop3A_403 : i32 to index
      %parallel_loop3A_405 = arith.index_cast %parallel_loop3A_218 : i32 to index
      %parallel_loop3A_406 = arith.constant 192 : index
      %parallel_loop3A_407 = tpu.vector_load %arg8[%parallel_loop3A_404, %parallel_loop3A_405, %parallel_loop3A_406] {strides = array<i32>} : memref<3x32x512xf32, #tpu.memory_space<vmem>>, vector<1x1x16xf32>,
      %parallel_loop3A_408 = vector.shape_cast %parallel_loop3A_407 : vector<1x1x16xf32> to vector<16xf32>
      %parallel_loop3A_409 = arith.constant 2 : i32
      %parallel_loop3A_410 = arith.index_cast %parallel_loop3A_409 : i32 to index
      %parallel_loop3A_411 = arith.index_cast %parallel_loop3A_218 : i32 to index
      %parallel_loop3A_412 = arith.constant 192 : index
      %parallel_loop3A_413 = tpu.vector_load %arg7[%parallel_loop3A_410, %parallel_loop3A_411, %parallel_loop3A_412] {strides = array<i32>} : memref<3x32x512xf32, #tpu.memory_space<vmem>>, vector<1x1x16xf32>,
      %parallel_loop3A_414 = vector.shape_cast %parallel_loop3A_413 : vector<1x1x16xf32> to vector<16xf32>
      %parallel_loop3A_415 = arith.subf %parallel_loop3A_408, %parallel_loop3A_414 : vector<16xf32>
      %parallel_loop3A_416 = arith.mulf %parallel_loop3A_415, %parallel_loop3A_415 : vector<16xf32>
      %parallel_loop3A_417 = arith.addf %parallel_loop3A_357, %parallel_loop3A_416 : vector<16xf32>
      %parallel_loop3A_418 = arith.constant 2 : i32
      %parallel_loop3A_419 = arith.index_cast %parallel_loop3A_418 : i32 to index
      %parallel_loop3A_420 = arith.index_cast %parallel_loop3A_218 : i32 to index
      %parallel_loop3A_421 = arith.constant 208 : index
      %parallel_loop3A_422 = tpu.vector_load %arg8[%parallel_loop3A_419, %parallel_loop3A_420, %parallel_loop3A_421] {strides = array<i32>} : memref<3x32x512xf32, #tpu.memory_space<vmem>>, vector<1x1x16xf32>,
      %parallel_loop3A_423 = vector.shape_cast %parallel_loop3A_422 : vector<1x1x16xf32> to vector<16xf32>
      %parallel_loop3A_424 = arith.constant 2 : i32
      %parallel_loop3A_425 = arith.index_cast %parallel_loop3A_424 : i32 to index
      %parallel_loop3A_426 = arith.index_cast %parallel_loop3A_218 : i32 to index
      %parallel_loop3A_427 = arith.constant 208 : index
      %parallel_loop3A_428 = tpu.vector_load %arg7[%parallel_loop3A_425, %parallel_loop3A_426, %parallel_loop3A_427] {strides = array<i32>} : memref<3x32x512xf32, #tpu.memory_space<vmem>>, vector<1x1x16xf32>,
      %parallel_loop3A_429 = vector.shape_cast %parallel_loop3A_428 : vector<1x1x16xf32> to vector<16xf32>
      %parallel_loop3A_430 = arith.subf %parallel_loop3A_423, %parallel_loop3A_429 : vector<16xf32>
      %parallel_loop3A_431 = arith.mulf %parallel_loop3A_430, %parallel_loop3A_430 : vector<16xf32>
      %parallel_loop3A_432 = arith.addf %parallel_loop3A_372, %parallel_loop3A_431 : vector<16xf32>
      %parallel_loop3A_433 = arith.constant 2 : i32
      %parallel_loop3A_434 = arith.index_cast %parallel_loop3A_433 : i32 to index
      %parallel_loop3A_435 = arith.index_cast %parallel_loop3A_218 : i32 to index
      %parallel_loop3A_436 = arith.constant 224 : index
      %parallel_loop3A_437 = tpu.vector_load %arg8[%parallel_loop3A_434, %parallel_loop3A_435, %parallel_loop3A_436] {strides = array<i32>} : memref<3x32x512xf32, #tpu.memory_space<vmem>>, vector<1x1x16xf32>,
      %parallel_loop3A_438 = vector.shape_cast %parallel_loop3A_437 : vector<1x1x16xf32> to vector<16xf32>
      %parallel_loop3A_439 = arith.constant 2 : i32
      %parallel_loop3A_440 = arith.index_cast %parallel_loop3A_439 : i32 to index
      %parallel_loop3A_441 = arith.index_cast %parallel_loop3A_218 : i32 to index
      %parallel_loop3A_442 = arith.constant 224 : index
      %parallel_loop3A_443 = tpu.vector_load %arg7[%parallel_loop3A_440, %parallel_loop3A_441, %parallel_loop3A_442] {strides = array<i32>} : memref<3x32x512xf32, #tpu.memory_space<vmem>>, vector<1x1x16xf32>,
      %parallel_loop3A_444 = vector.shape_cast %parallel_loop3A_443 : vector<1x1x16xf32> to vector<16xf32>
      %parallel_loop3A_445 = arith.subf %parallel_loop3A_438, %parallel_loop3A_444 : vector<16xf32>
      %parallel_loop3A_446 = arith.mulf %parallel_loop3A_445, %parallel_loop3A_445 : vector<16xf32>
      %parallel_loop3A_447 = arith.addf %parallel_loop3A_387, %parallel_loop3A_446 : vector<16xf32>
      %parallel_loop3A_448 = arith.constant 2 : i32
      %parallel_loop3A_449 = arith.index_cast %parallel_loop3A_448 : i32 to index
      %parallel_loop3A_450 = arith.index_cast %parallel_loop3A_218 : i32 to index
      %parallel_loop3A_451 = arith.constant 240 : index
      %parallel_loop3A_452 = tpu.vector_load %arg8[%parallel_loop3A_449, %parallel_loop3A_450, %parallel_loop3A_451] {strides = array<i32>} : memref<3x32x512xf32, #tpu.memory_space<vmem>>, vector<1x1x16xf32>,
      %parallel_loop3A_453 = vector.shape_cast %parallel_loop3A_452 : vector<1x1x16xf32> to vector<16xf32>
      %parallel_loop3A_454 = arith.constant 2 : i32
      %parallel_loop3A_455 = arith.index_cast %parallel_loop3A_454 : i32 to index
      %parallel_loop3A_456 = arith.index_cast %parallel_loop3A_218 : i32 to index
      %parallel_loop3A_457 = arith.constant 240 : index
      %parallel_loop3A_458 = tpu.vector_load %arg7[%parallel_loop3A_455, %parallel_loop3A_456, %parallel_loop3A_457] {strides = array<i32>} : memref<3x32x512xf32, #tpu.memory_space<vmem>>, vector<1x1x16xf32>,
      %parallel_loop3A_459 = vector.shape_cast %parallel_loop3A_458 : vector<1x1x16xf32> to vector<16xf32>
      %parallel_loop3A_460 = arith.subf %parallel_loop3A_453, %parallel_loop3A_459 : vector<16xf32>
      %parallel_loop3A_461 = arith.mulf %parallel_loop3A_460, %parallel_loop3A_460 : vector<16xf32>
      %parallel_loop3A_462 = arith.addf %parallel_loop3A_402, %parallel_loop3A_461 : vector<16xf32>
      %parallel_loop3A_463 = arith.constant 2 : i32
      %parallel_loop3A_464 = arith.index_cast %parallel_loop3A_463 : i32 to index
      %parallel_loop3A_465 = arith.index_cast %parallel_loop3A_218 : i32 to index
      %parallel_loop3A_466 = arith.constant 256 : index
      %parallel_loop3A_467 = tpu.vector_load %arg8[%parallel_loop3A_464, %parallel_loop3A_465, %parallel_loop3A_466] {strides = array<i32>} : memref<3x32x512xf32, #tpu.memory_space<vmem>>, vector<1x1x16xf32>,
      %parallel_loop3A_468 = vector.shape_cast %parallel_loop3A_467 : vector<1x1x16xf32> to vector<16xf32>
      %parallel_loop3A_469 = arith.constant 2 : i32
      %parallel_loop3A_470 = arith.index_cast %parallel_loop3A_469 : i32 to index
      %parallel_loop3A_471 = arith.index_cast %parallel_loop3A_218 : i32 to index
      %parallel_loop3A_472 = arith.constant 256 : index
      %parallel_loop3A_473 = tpu.vector_load %arg7[%parallel_loop3A_470, %parallel_loop3A_471, %parallel_loop3A_472] {strides = array<i32>} : memref<3x32x512xf32, #tpu.memory_space<vmem>>, vector<1x1x16xf32>,
      %parallel_loop3A_474 = vector.shape_cast %parallel_loop3A_473 : vector<1x1x16xf32> to vector<16xf32>
      %parallel_loop3A_475 = arith.subf %parallel_loop3A_468, %parallel_loop3A_474 : vector<16xf32>
      %parallel_loop3A_476 = arith.mulf %parallel_loop3A_475, %parallel_loop3A_475 : vector<16xf32>
      %parallel_loop3A_477 = arith.addf %parallel_loop3A_417, %parallel_loop3A_476 : vector<16xf32>
      %parallel_loop3A_478 = arith.constant 2 : i32
      %parallel_loop3A_479 = arith.index_cast %parallel_loop3A_478 : i32 to index
      %parallel_loop3A_480 = arith.index_cast %parallel_loop3A_218 : i32 to index
      %parallel_loop3A_481 = arith.constant 272 : index
      %parallel_loop3A_482 = tpu.vector_load %arg8[%parallel_loop3A_479, %parallel_loop3A_480, %parallel_loop3A_481] {strides = array<i32>} : memref<3x32x512xf32, #tpu.memory_space<vmem>>, vector<1x1x16xf32>,
      %parallel_loop3A_483 = vector.shape_cast %parallel_loop3A_482 : vector<1x1x16xf32> to vector<16xf32>
      %parallel_loop3A_484 = arith.constant 2 : i32
      %parallel_loop3A_485 = arith.index_cast %parallel_loop3A_484 : i32 to index
      %parallel_loop3A_486 = arith.index_cast %parallel_loop3A_218 : i32 to index
      %parallel_loop3A_487 = arith.constant 272 : index
      %parallel_loop3A_488 = tpu.vector_load %arg7[%parallel_loop3A_485, %parallel_loop3A_486, %parallel_loop3A_487] {strides = array<i32>} : memref<3x32x512xf32, #tpu.memory_space<vmem>>, vector<1x1x16xf32>,
      %parallel_loop3A_489 = vector.shape_cast %parallel_loop3A_488 : vector<1x1x16xf32> to vector<16xf32>
      %parallel_loop3A_490 = arith.subf %parallel_loop3A_483, %parallel_loop3A_489 : vector<16xf32>
      %parallel_loop3A_491 = arith.mulf %parallel_loop3A_490, %parallel_loop3A_490 : vector<16xf32>
      %parallel_loop3A_492 = arith.addf %parallel_loop3A_432, %parallel_loop3A_491 : vector<16xf32>
      %parallel_loop3A_493 = arith.constant 2 : i32
      %parallel_loop3A_494 = arith.index_cast %parallel_loop3A_493 : i32 to index
      %parallel_loop3A_495 = arith.index_cast %parallel_loop3A_218 : i32 to index
      %parallel_loop3A_496 = arith.constant 288 : index
      %parallel_loop3A_497 = tpu.vector_load %arg8[%parallel_loop3A_494, %parallel_loop3A_495, %parallel_loop3A_496] {strides = array<i32>} : memref<3x32x512xf32, #tpu.memory_space<vmem>>, vector<1x1x16xf32>,
      %parallel_loop3A_498 = vector.shape_cast %parallel_loop3A_497 : vector<1x1x16xf32> to vector<16xf32>
      %parallel_loop3A_499 = arith.constant 2 : i32
      %parallel_loop3A_500 = arith.index_cast %parallel_loop3A_499 : i32 to index
      %parallel_loop3A_501 = arith.index_cast %parallel_loop3A_218 : i32 to index
      %parallel_loop3A_502 = arith.constant 288 : index
      %parallel_loop3A_503 = tpu.vector_load %arg7[%parallel_loop3A_500, %parallel_loop3A_501, %parallel_loop3A_502] {strides = array<i32>} : memref<3x32x512xf32, #tpu.memory_space<vmem>>, vector<1x1x16xf32>,
      %parallel_loop3A_504 = vector.shape_cast %parallel_loop3A_503 : vector<1x1x16xf32> to vector<16xf32>
      %parallel_loop3A_505 = arith.subf %parallel_loop3A_498, %parallel_loop3A_504 : vector<16xf32>
      %parallel_loop3A_506 = arith.mulf %parallel_loop3A_505, %parallel_loop3A_505 : vector<16xf32>
      %parallel_loop3A_507 = arith.addf %parallel_loop3A_447, %parallel_loop3A_506 : vector<16xf32>
      %parallel_loop3A_508 = arith.constant 2 : i32
      %parallel_loop3A_509 = arith.index_cast %parallel_loop3A_508 : i32 to index
      %parallel_loop3A_510 = arith.index_cast %parallel_loop3A_218 : i32 to index
      %parallel_loop3A_511 = arith.constant 304 : index
      %parallel_loop3A_512 = tpu.vector_load %arg8[%parallel_loop3A_509, %parallel_loop3A_510, %parallel_loop3A_511] {strides = array<i32>} : memref<3x32x512xf32, #tpu.memory_space<vmem>>, vector<1x1x16xf32>,
      %parallel_loop3A_513 = vector.shape_cast %parallel_loop3A_512 : vector<1x1x16xf32> to vector<16xf32>
      %parallel_loop3A_514 = arith.constant 2 : i32
      %parallel_loop3A_515 = arith.index_cast %parallel_loop3A_514 : i32 to index
      %parallel_loop3A_516 = arith.index_cast %parallel_loop3A_218 : i32 to index
      %parallel_loop3A_517 = arith.constant 304 : index
      %parallel_loop3A_518 = tpu.vector_load %arg7[%parallel_loop3A_515, %parallel_loop3A_516, %parallel_loop3A_517] {strides = array<i32>} : memref<3x32x512xf32, #tpu.memory_space<vmem>>, vector<1x1x16xf32>,
      %parallel_loop3A_519 = vector.shape_cast %parallel_loop3A_518 : vector<1x1x16xf32> to vector<16xf32>
      %parallel_loop3A_520 = arith.subf %parallel_loop3A_513, %parallel_loop3A_519 : vector<16xf32>
      %parallel_loop3A_521 = arith.mulf %parallel_loop3A_520, %parallel_loop3A_520 : vector<16xf32>
      %parallel_loop3A_522 = arith.addf %parallel_loop3A_462, %parallel_loop3A_521 : vector<16xf32>
      %parallel_loop3A_523 = arith.constant 2 : i32
      %parallel_loop3A_524 = arith.index_cast %parallel_loop3A_523 : i32 to index
      %parallel_loop3A_525 = arith.index_cast %parallel_loop3A_218 : i32 to index
      %parallel_loop3A_526 = arith.constant 320 : index
      %parallel_loop3A_527 = tpu.vector_load %arg8[%parallel_loop3A_524, %parallel_loop3A_525, %parallel_loop3A_526] {strides = array<i32>} : memref<3x32x512xf32, #tpu.memory_space<vmem>>, vector<1x1x16xf32>,
      %parallel_loop3A_528 = vector.shape_cast %parallel_loop3A_527 : vector<1x1x16xf32> to vector<16xf32>
      %parallel_loop3A_529 = arith.constant 2 : i32
      %parallel_loop3A_530 = arith.index_cast %parallel_loop3A_529 : i32 to index
      %parallel_loop3A_531 = arith.index_cast %parallel_loop3A_218 : i32 to index
      %parallel_loop3A_532 = arith.constant 320 : index
      %parallel_loop3A_533 = tpu.vector_load %arg7[%parallel_loop3A_530, %parallel_loop3A_531, %parallel_loop3A_532] {strides = array<i32>} : memref<3x32x512xf32, #tpu.memory_space<vmem>>, vector<1x1x16xf32>,
      %parallel_loop3A_534 = vector.shape_cast %parallel_loop3A_533 : vector<1x1x16xf32> to vector<16xf32>
      %parallel_loop3A_535 = arith.subf %parallel_loop3A_528, %parallel_loop3A_534 : vector<16xf32>
      %parallel_loop3A_536 = arith.mulf %parallel_loop3A_535, %parallel_loop3A_535 : vector<16xf32>
      %parallel_loop3A_537 = arith.addf %parallel_loop3A_477, %parallel_loop3A_536 : vector<16xf32>
      %parallel_loop3A_538 = arith.constant 2 : i32
      %parallel_loop3A_539 = arith.index_cast %parallel_loop3A_538 : i32 to index
      %parallel_loop3A_540 = arith.index_cast %parallel_loop3A_218 : i32 to index
      %parallel_loop3A_541 = arith.constant 336 : index
      %parallel_loop3A_542 = tpu.vector_load %arg8[%parallel_loop3A_539, %parallel_loop3A_540, %parallel_loop3A_541] {strides = array<i32>} : memref<3x32x512xf32, #tpu.memory_space<vmem>>, vector<1x1x16xf32>,
      %parallel_loop3A_543 = vector.shape_cast %parallel_loop3A_542 : vector<1x1x16xf32> to vector<16xf32>
      %parallel_loop3A_544 = arith.constant 2 : i32
      %parallel_loop3A_545 = arith.index_cast %parallel_loop3A_544 : i32 to index
      %parallel_loop3A_546 = arith.index_cast %parallel_loop3A_218 : i32 to index
      %parallel_loop3A_547 = arith.constant 336 : index
      %parallel_loop3A_548 = tpu.vector_load %arg7[%parallel_loop3A_545, %parallel_loop3A_546, %parallel_loop3A_547] {strides = array<i32>} : memref<3x32x512xf32, #tpu.memory_space<vmem>>, vector<1x1x16xf32>,
      %parallel_loop3A_549 = vector.shape_cast %parallel_loop3A_548 : vector<1x1x16xf32> to vector<16xf32>
      %parallel_loop3A_550 = arith.subf %parallel_loop3A_543, %parallel_loop3A_549 : vector<16xf32>
      %parallel_loop3A_551 = arith.mulf %parallel_loop3A_550, %parallel_loop3A_550 : vector<16xf32>
      %parallel_loop3A_552 = arith.addf %parallel_loop3A_492, %parallel_loop3A_551 : vector<16xf32>
      %parallel_loop3A_553 = arith.constant 2 : i32
      %parallel_loop3A_554 = arith.index_cast %parallel_loop3A_553 : i32 to index
      %parallel_loop3A_555 = arith.index_cast %parallel_loop3A_218 : i32 to index
      %parallel_loop3A_556 = arith.constant 352 : index
      %parallel_loop3A_557 = tpu.vector_load %arg8[%parallel_loop3A_554, %parallel_loop3A_555, %parallel_loop3A_556] {strides = array<i32>} : memref<3x32x512xf32, #tpu.memory_space<vmem>>, vector<1x1x16xf32>,
      %parallel_loop3A_558 = vector.shape_cast %parallel_loop3A_557 : vector<1x1x16xf32> to vector<16xf32>
      %parallel_loop3A_559 = arith.constant 2 : i32
      %parallel_loop3A_560 = arith.index_cast %parallel_loop3A_559 : i32 to index
      %parallel_loop3A_561 = arith.index_cast %parallel_loop3A_218 : i32 to index
      %parallel_loop3A_562 = arith.constant 352 : index
      %parallel_loop3A_563 = tpu.vector_load %arg7[%parallel_loop3A_560, %parallel_loop3A_561, %parallel_loop3A_562] {strides = array<i32>} : memref<3x32x512xf32, #tpu.memory_space<vmem>>, vector<1x1x16xf32>,
      %parallel_loop3A_564 = vector.shape_cast %parallel_loop3A_563 : vector<1x1x16xf32> to vector<16xf32>
      %parallel_loop3A_565 = arith.subf %parallel_loop3A_558, %parallel_loop3A_564 : vector<16xf32>
      %parallel_loop3A_566 = arith.mulf %parallel_loop3A_565, %parallel_loop3A_565 : vector<16xf32>
      %parallel_loop3A_567 = arith.addf %parallel_loop3A_507, %parallel_loop3A_566 : vector<16xf32>
      %parallel_loop3A_568 = arith.constant 2 : i32
      %parallel_loop3A_569 = arith.index_cast %parallel_loop3A_568 : i32 to index
      %parallel_loop3A_570 = arith.index_cast %parallel_loop3A_218 : i32 to index
      %parallel_loop3A_571 = arith.constant 368 : index
      %parallel_loop3A_572 = tpu.vector_load %arg8[%parallel_loop3A_569, %parallel_loop3A_570, %parallel_loop3A_571] {strides = array<i32>} : memref<3x32x512xf32, #tpu.memory_space<vmem>>, vector<1x1x16xf32>,
      %parallel_loop3A_573 = vector.shape_cast %parallel_loop3A_572 : vector<1x1x16xf32> to vector<16xf32>
      %parallel_loop3A_574 = arith.constant 2 : i32
      %parallel_loop3A_575 = arith.index_cast %parallel_loop3A_574 : i32 to index
      %parallel_loop3A_576 = arith.index_cast %parallel_loop3A_218 : i32 to index
      %parallel_loop3A_577 = arith.constant 368 : index
      %parallel_loop3A_578 = tpu.vector_load %arg7[%parallel_loop3A_575, %parallel_loop3A_576, %parallel_loop3A_577] {strides = array<i32>} : memref<3x32x512xf32, #tpu.memory_space<vmem>>, vector<1x1x16xf32>,
      %parallel_loop3A_579 = vector.shape_cast %parallel_loop3A_578 : vector<1x1x16xf32> to vector<16xf32>
      %parallel_loop3A_580 = arith.subf %parallel_loop3A_573, %parallel_loop3A_579 : vector<16xf32>
      %parallel_loop3A_581 = arith.mulf %parallel_loop3A_580, %parallel_loop3A_580 : vector<16xf32>
      %parallel_loop3A_582 = arith.addf %parallel_loop3A_522, %parallel_loop3A_581 : vector<16xf32>
      %parallel_loop3A_583 = arith.constant 2 : i32
      %parallel_loop3A_584 = arith.index_cast %parallel_loop3A_583 : i32 to index
      %parallel_loop3A_585 = arith.index_cast %parallel_loop3A_218 : i32 to index
      %parallel_loop3A_586 = arith.constant 384 : index
      %parallel_loop3A_587 = tpu.vector_load %arg8[%parallel_loop3A_584, %parallel_loop3A_585, %parallel_loop3A_586] {strides = array<i32>} : memref<3x32x512xf32, #tpu.memory_space<vmem>>, vector<1x1x16xf32>,
      %parallel_loop3A_588 = vector.shape_cast %parallel_loop3A_587 : vector<1x1x16xf32> to vector<16xf32>
      %parallel_loop3A_589 = arith.constant 2 : i32
      %parallel_loop3A_590 = arith.index_cast %parallel_loop3A_589 : i32 to index
      %parallel_loop3A_591 = arith.index_cast %parallel_loop3A_218 : i32 to index
      %parallel_loop3A_592 = arith.constant 384 : index
      %parallel_loop3A_593 = tpu.vector_load %arg7[%parallel_loop3A_590, %parallel_loop3A_591, %parallel_loop3A_592] {strides = array<i32>} : memref<3x32x512xf32, #tpu.memory_space<vmem>>, vector<1x1x16xf32>,
      %parallel_loop3A_594 = vector.shape_cast %parallel_loop3A_593 : vector<1x1x16xf32> to vector<16xf32>
      %parallel_loop3A_595 = arith.subf %parallel_loop3A_588, %parallel_loop3A_594 : vector<16xf32>
      %parallel_loop3A_596 = arith.mulf %parallel_loop3A_595, %parallel_loop3A_595 : vector<16xf32>
      %parallel_loop3A_597 = arith.addf %parallel_loop3A_537, %parallel_loop3A_596 : vector<16xf32>
      %parallel_loop3A_598 = arith.constant 2 : i32
      %parallel_loop3A_599 = arith.index_cast %parallel_loop3A_598 : i32 to index
      %parallel_loop3A_600 = arith.index_cast %parallel_loop3A_218 : i32 to index
      %parallel_loop3A_601 = arith.constant 400 : index
      %parallel_loop3A_602 = tpu.vector_load %arg8[%parallel_loop3A_599, %parallel_loop3A_600, %parallel_loop3A_601] {strides = array<i32>} : memref<3x32x512xf32, #tpu.memory_space<vmem>>, vector<1x1x16xf32>,
      %parallel_loop3A_603 = vector.shape_cast %parallel_loop3A_602 : vector<1x1x16xf32> to vector<16xf32>
      %parallel_loop3A_604 = arith.constant 2 : i32
      %parallel_loop3A_605 = arith.index_cast %parallel_loop3A_604 : i32 to index
      %parallel_loop3A_606 = arith.index_cast %parallel_loop3A_218 : i32 to index
      %parallel_loop3A_607 = arith.constant 400 : index
      %parallel_loop3A_608 = tpu.vector_load %arg7[%parallel_loop3A_605, %parallel_loop3A_606, %parallel_loop3A_607] {strides = array<i32>} : memref<3x32x512xf32, #tpu.memory_space<vmem>>, vector<1x1x16xf32>,
      %parallel_loop3A_609 = vector.shape_cast %parallel_loop3A_608 : vector<1x1x16xf32> to vector<16xf32>
      %parallel_loop3A_610 = arith.subf %parallel_loop3A_603, %parallel_loop3A_609 : vector<16xf32>
      %parallel_loop3A_611 = arith.mulf %parallel_loop3A_610, %parallel_loop3A_610 : vector<16xf32>
      %parallel_loop3A_612 = arith.addf %parallel_loop3A_552, %parallel_loop3A_611 : vector<16xf32>
      %parallel_loop3A_613 = arith.constant 2 : i32
      %parallel_loop3A_614 = arith.index_cast %parallel_loop3A_613 : i32 to index
      %parallel_loop3A_615 = arith.index_cast %parallel_loop3A_218 : i32 to index
      %parallel_loop3A_616 = arith.constant 416 : index
      %parallel_loop3A_617 = tpu.vector_load %arg8[%parallel_loop3A_614, %parallel_loop3A_615, %parallel_loop3A_616] {strides = array<i32>} : memref<3x32x512xf32, #tpu.memory_space<vmem>>, vector<1x1x16xf32>,
      %parallel_loop3A_618 = vector.shape_cast %parallel_loop3A_617 : vector<1x1x16xf32> to vector<16xf32>
      %parallel_loop3A_619 = arith.constant 2 : i32
      %parallel_loop3A_620 = arith.index_cast %parallel_loop3A_619 : i32 to index
      %parallel_loop3A_621 = arith.index_cast %parallel_loop3A_218 : i32 to index
      %parallel_loop3A_622 = arith.constant 416 : index
      %parallel_loop3A_623 = tpu.vector_load %arg7[%parallel_loop3A_620, %parallel_loop3A_621, %parallel_loop3A_622] {strides = array<i32>} : memref<3x32x512xf32, #tpu.memory_space<vmem>>, vector<1x1x16xf32>,
      %parallel_loop3A_624 = vector.shape_cast %parallel_loop3A_623 : vector<1x1x16xf32> to vector<16xf32>
      %parallel_loop3A_625 = arith.subf %parallel_loop3A_618, %parallel_loop3A_624 : vector<16xf32>
      %parallel_loop3A_626 = arith.mulf %parallel_loop3A_625, %parallel_loop3A_625 : vector<16xf32>
      %parallel_loop3A_627 = arith.addf %parallel_loop3A_567, %parallel_loop3A_626 : vector<16xf32>
      %parallel_loop3A_628 = arith.constant 2 : i32
      %parallel_loop3A_629 = arith.index_cast %parallel_loop3A_628 : i32 to index
      %parallel_loop3A_630 = arith.index_cast %parallel_loop3A_218 : i32 to index
      %parallel_loop3A_631 = arith.constant 432 : index
      %parallel_loop3A_632 = tpu.vector_load %arg8[%parallel_loop3A_629, %parallel_loop3A_630, %parallel_loop3A_631] {strides = array<i32>} : memref<3x32x512xf32, #tpu.memory_space<vmem>>, vector<1x1x16xf32>,
      %parallel_loop3A_633 = vector.shape_cast %parallel_loop3A_632 : vector<1x1x16xf32> to vector<16xf32>
      %parallel_loop3A_634 = arith.constant 2 : i32
      %parallel_loop3A_635 = arith.index_cast %parallel_loop3A_634 : i32 to index
      %parallel_loop3A_636 = arith.index_cast %parallel_loop3A_218 : i32 to index
      %parallel_loop3A_637 = arith.constant 432 : index
      %parallel_loop3A_638 = tpu.vector_load %arg7[%parallel_loop3A_635, %parallel_loop3A_636, %parallel_loop3A_637] {strides = array<i32>} : memref<3x32x512xf32, #tpu.memory_space<vmem>>, vector<1x1x16xf32>,
      %parallel_loop3A_639 = vector.shape_cast %parallel_loop3A_638 : vector<1x1x16xf32> to vector<16xf32>
      %parallel_loop3A_640 = arith.subf %parallel_loop3A_633, %parallel_loop3A_639 : vector<16xf32>
      %parallel_loop3A_641 = arith.mulf %parallel_loop3A_640, %parallel_loop3A_640 : vector<16xf32>
      %parallel_loop3A_642 = arith.addf %parallel_loop3A_582, %parallel_loop3A_641 : vector<16xf32>
      %parallel_loop3A_643 = arith.constant 2 : i32
      %parallel_loop3A_644 = arith.index_cast %parallel_loop3A_643 : i32 to index
      %parallel_loop3A_645 = arith.index_cast %parallel_loop3A_218 : i32 to index
      %parallel_loop3A_646 = arith.constant 448 : index
      %parallel_loop3A_647 = tpu.vector_load %arg8[%parallel_loop3A_644, %parallel_loop3A_645, %parallel_loop3A_646] {strides = array<i32>} : memref<3x32x512xf32, #tpu.memory_space<vmem>>, vector<1x1x16xf32>,
      %parallel_loop3A_648 = vector.shape_cast %parallel_loop3A_647 : vector<1x1x16xf32> to vector<16xf32>
      %parallel_loop3A_649 = arith.constant 2 : i32
      %parallel_loop3A_650 = arith.index_cast %parallel_loop3A_649 : i32 to index
      %parallel_loop3A_651 = arith.index_cast %parallel_loop3A_218 : i32 to index
      %parallel_loop3A_652 = arith.constant 448 : index
      %parallel_loop3A_653 = tpu.vector_load %arg7[%parallel_loop3A_650, %parallel_loop3A_651, %parallel_loop3A_652] {strides = array<i32>} : memref<3x32x512xf32, #tpu.memory_space<vmem>>, vector<1x1x16xf32>,
      %parallel_loop3A_654 = vector.shape_cast %parallel_loop3A_653 : vector<1x1x16xf32> to vector<16xf32>
      %parallel_loop3A_655 = arith.subf %parallel_loop3A_648, %parallel_loop3A_654 : vector<16xf32>
      %parallel_loop3A_656 = arith.mulf %parallel_loop3A_655, %parallel_loop3A_655 : vector<16xf32>
      %parallel_loop3A_657 = arith.addf %parallel_loop3A_597, %parallel_loop3A_656 : vector<16xf32>
      %parallel_loop3A_658 = arith.constant 2 : i32
      %parallel_loop3A_659 = arith.index_cast %parallel_loop3A_658 : i32 to index
      %parallel_loop3A_660 = arith.index_cast %parallel_loop3A_218 : i32 to index
      %parallel_loop3A_661 = arith.constant 464 : index
      %parallel_loop3A_662 = tpu.vector_load %arg8[%parallel_loop3A_659, %parallel_loop3A_660, %parallel_loop3A_661] {strides = array<i32>} : memref<3x32x512xf32, #tpu.memory_space<vmem>>, vector<1x1x16xf32>,
      %parallel_loop3A_663 = vector.shape_cast %parallel_loop3A_662 : vector<1x1x16xf32> to vector<16xf32>
      %parallel_loop3A_664 = arith.constant 2 : i32
      %parallel_loop3A_665 = arith.index_cast %parallel_loop3A_664 : i32 to index
      %parallel_loop3A_666 = arith.index_cast %parallel_loop3A_218 : i32 to index
      %parallel_loop3A_667 = arith.constant 464 : index
      %parallel_loop3A_668 = tpu.vector_load %arg7[%parallel_loop3A_665, %parallel_loop3A_666, %parallel_loop3A_667] {strides = array<i32>} : memref<3x32x512xf32, #tpu.memory_space<vmem>>, vector<1x1x16xf32>,
      %parallel_loop3A_669 = vector.shape_cast %parallel_loop3A_668 : vector<1x1x16xf32> to vector<16xf32>
      %parallel_loop3A_670 = arith.subf %parallel_loop3A_663, %parallel_loop3A_669 : vector<16xf32>
      %parallel_loop3A_671 = arith.mulf %parallel_loop3A_670, %parallel_loop3A_670 : vector<16xf32>
      %parallel_loop3A_672 = arith.addf %parallel_loop3A_612, %parallel_loop3A_671 : vector<16xf32>
      %parallel_loop3A_673 = arith.constant 2 : i32
      %parallel_loop3A_674 = arith.index_cast %parallel_loop3A_673 : i32 to index
      %parallel_loop3A_675 = arith.index_cast %parallel_loop3A_218 : i32 to index
      %parallel_loop3A_676 = arith.constant 480 : index
      %parallel_loop3A_677 = tpu.vector_load %arg8[%parallel_loop3A_674, %parallel_loop3A_675, %parallel_loop3A_676] {strides = array<i32>} : memref<3x32x512xf32, #tpu.memory_space<vmem>>, vector<1x1x16xf32>,
      %parallel_loop3A_678 = vector.shape_cast %parallel_loop3A_677 : vector<1x1x16xf32> to vector<16xf32>
      %parallel_loop3A_679 = arith.constant 2 : i32
      %parallel_loop3A_680 = arith.index_cast %parallel_loop3A_679 : i32 to index
      %parallel_loop3A_681 = arith.index_cast %parallel_loop3A_218 : i32 to index
      %parallel_loop3A_682 = arith.constant 480 : index
      %parallel_loop3A_683 = tpu.vector_load %arg7[%parallel_loop3A_680, %parallel_loop3A_681, %parallel_loop3A_682] {strides = array<i32>} : memref<3x32x512xf32, #tpu.memory_space<vmem>>, vector<1x1x16xf32>,
      %parallel_loop3A_684 = vector.shape_cast %parallel_loop3A_683 : vector<1x1x16xf32> to vector<16xf32>
      %parallel_loop3A_685 = arith.subf %parallel_loop3A_678, %parallel_loop3A_684 : vector<16xf32>
      %parallel_loop3A_686 = arith.mulf %parallel_loop3A_685, %parallel_loop3A_685 : vector<16xf32>
      %parallel_loop3A_687 = arith.addf %parallel_loop3A_627, %parallel_loop3A_686 : vector<16xf32>
      %parallel_loop3A_688 = arith.constant 2 : i32
      %parallel_loop3A_689 = arith.index_cast %parallel_loop3A_688 : i32 to index
      %parallel_loop3A_690 = arith.index_cast %parallel_loop3A_218 : i32 to index
      %parallel_loop3A_691 = arith.constant 496 : index
      %parallel_loop3A_692 = tpu.vector_load %arg8[%parallel_loop3A_689, %parallel_loop3A_690, %parallel_loop3A_691] {strides = array<i32>} : memref<3x32x512xf32, #tpu.memory_space<vmem>>, vector<1x1x16xf32>,
      %parallel_loop3A_693 = vector.shape_cast %parallel_loop3A_692 : vector<1x1x16xf32> to vector<16xf32>
      %parallel_loop3A_694 = arith.constant 2 : i32
      %parallel_loop3A_695 = arith.index_cast %parallel_loop3A_694 : i32 to index
      %parallel_loop3A_696 = arith.index_cast %parallel_loop3A_218 : i32 to index
      %parallel_loop3A_697 = arith.constant 496 : index
      %parallel_loop3A_698 = tpu.vector_load %arg7[%parallel_loop3A_695, %parallel_loop3A_696, %parallel_loop3A_697] {strides = array<i32>} : memref<3x32x512xf32, #tpu.memory_space<vmem>>, vector<1x1x16xf32>,
      %parallel_loop3A_699 = vector.shape_cast %parallel_loop3A_698 : vector<1x1x16xf32> to vector<16xf32>
      %parallel_loop3A_700 = arith.subf %parallel_loop3A_693, %parallel_loop3A_699 : vector<16xf32>
      %parallel_loop3A_701 = arith.mulf %parallel_loop3A_700, %parallel_loop3A_700 : vector<16xf32>
      %parallel_loop3A_702 = arith.addf %parallel_loop3A_642, %parallel_loop3A_701 : vector<16xf32>
      scf.yield %parallel_loop3A_657, %parallel_loop3A_672, %parallel_loop3A_687, %parallel_loop3A_702 : vector<16xf32>, vector<16xf32>, vector<16xf32>, vector<16xf32>
    } {sc.loop_unroll_factor = 2 : i64, sc.parallel_access}
    %dma_wait3A_182 = arith.constant 0 : i32
    %dma_wait3A_183 = arith.constant 0 : i32
    %dma_wait3A_184 = arith.constant 0 : i32
    %dma_wait3A_185 = tpu.memref_slice %arg7[%dma_wait3A_182, %dma_wait3A_183, %dma_wait3A_184] : memref<3x32x512xf32, #tpu.memory_space<vmem>> -> memref<1x32x512xf32, #tpu.memory_space<vmem>>
    %dma_wait3A_186 = tpu.memref_squeeze %dma_wait3A_185 : memref<1x32x512xf32, #tpu.memory_space<vmem>> -> memref<32x512xf32, #tpu.memory_space<vmem>>
    %dma_wait3A_187 = arith.constant 96 : i32
    %dma_wait3A_188 = tpu.memref_slice %arg6[%dma_wait3A_187] : memref<128xi32, #tpu.memory_space<vmem>> -> memref<32xi32, #tpu.memory_space<vmem>>
    %dma_wait3A_189 = arith.constant 0 : i32
    %dma_wait3A_190 = arith.constant 0 : i32
    %dma_wait3A_191 = tpu.memref_slice %arg3[%dma_wait3A_189, %dma_wait3A_190] : memref<10000x512xf32, #tpu.memory_space<hbm>> -> memref<10000x512xf32, #tpu.memory_space<hbm>>
    tpu.wait_indirect_dma semaphore(%arg10 : memref<!tpu.dma_semaphore, #tpu.memory_space<semaphore_mem>>) src(%dma_wait3A_191 : memref<10000x512xf32, #tpu.memory_space<hbm>>) dst(%dma_wait3A_186 : memref<32x512xf32, #tpu.memory_space<vmem>>)
    %dma_wait3A_192 = arith.constant 0 : i32
    %dma_wait3A_193 = arith.constant 0 : i32
    %dma_wait3A_194 = arith.constant 0 : i32
    %dma_wait3A_195 = tpu.memref_slice %arg8[%dma_wait3A_192, %dma_wait3A_193, %dma_wait3A_194] : memref<3x32x512xf32, #tpu.memory_space<vmem>> -> memref<1x32x512xf32, #tpu.memory_space<vmem>>
    %dma_wait3A_196 = tpu.memref_squeeze %dma_wait3A_195 : memref<1x32x512xf32, #tpu.memory_space<vmem>> -> memref<32x512xf32, #tpu.memory_space<vmem>>
    %dma_wait3A_197 = arith.constant 0 : i32
    %dma_wait3A_198 = tpu.memref_slice %arg2[%add3A_114, %dma_wait3A_197] : memref<4096x512xf32, #tpu.memory_space<hbm>> -> memref<32x512xf32, #tpu.memory_space<hbm>>
    %dma_wait3A_199 = arith.constant 0 : i32
    %dma_wait3A_200 = arith.constant 0 : i32
    %dma_wait3A_201 = tpu.memref_slice %arg8[%dma_wait3A_192, %dma_wait3A_199, %dma_wait3A_200] : memref<3x32x512xf32, #tpu.memory_space<vmem>> -> memref<1x32x512xf32, #tpu.memory_space<vmem>>
    %dma_wait3A_202 = tpu.memref_squeeze %dma_wait3A_201 : memref<1x32x512xf32, #tpu.memory_space<vmem>> -> memref<32x512xf32, #tpu.memory_space<vmem>>
    %dma_wait3A_203 = arith.constant 0 : i32
    %dma_wait3A_204 = tpu.memref_slice %arg2[%add3A_114, %dma_wait3A_203] : memref<4096x512xf32, #tpu.memory_space<hbm>> -> memref<32x512xf32, #tpu.memory_space<hbm>>
    tpu.wait_dma2 semaphore(%arg13 : memref<!tpu.dma_semaphore, #tpu.memory_space<semaphore_mem>>) src(%dma_wait3A_204 : memref<32x512xf32, #tpu.memory_space<hbm>>) dst(%dma_wait3A_202 : memref<32x512xf32, #tpu.memory_space<vmem>>)
    %parallel_loop3A_205 = arith.constant 0 : i32
    %parallel_loop3A_206 = arith.constant 32 : i32
    %parallel_loop3A_207 = arith.constant 1 : i32
    %parallel_loop3A_208:4 = scf.for %parallel_loop3A_218 = %parallel_loop3A_205 to %parallel_loop3A_206 step %parallel_loop3A_207 iter_args(%parallel_loop3A_219 = %parallel_loop3A_181#0, %parallel_loop3A_220 = %parallel_loop3A_181#1, %parallel_loop3A_221 = %parallel_loop3A_181#2, %parallel_loop3A_222 = %parallel_loop3A_181#3) -> (vector<16xf32>, vector<16xf32>, vector<16xf32>, vector<16xf32>)  : i32 {
      %parallel_loop3A_223 = arith.constant 0 : i32
      %parallel_loop3A_224 = arith.index_cast %parallel_loop3A_223 : i32 to index
      %parallel_loop3A_225 = arith.index_cast %parallel_loop3A_218 : i32 to index
      %parallel_loop3A_226 = arith.constant 0 : index
      %parallel_loop3A_227 = tpu.vector_load %arg8[%parallel_loop3A_224, %parallel_loop3A_225, %parallel_loop3A_226] {strides = array<i32>} : memref<3x32x512xf32, #tpu.memory_space<vmem>>, vector<1x1x16xf32>,
      %parallel_loop3A_228 = vector.shape_cast %parallel_loop3A_227 : vector<1x1x16xf32> to vector<16xf32>
      %parallel_loop3A_229 = arith.constant 0 : i32
      %parallel_loop3A_230 = arith.index_cast %parallel_loop3A_229 : i32 to index
      %parallel_loop3A_231 = arith.index_cast %parallel_loop3A_218 : i32 to index
      %parallel_loop3A_232 = arith.constant 0 : index
      %parallel_loop3A_233 = tpu.vector_load %arg7[%parallel_loop3A_230, %parallel_loop3A_231, %parallel_loop3A_232] {strides = array<i32>} : memref<3x32x512xf32, #tpu.memory_space<vmem>>, vector<1x1x16xf32>,
      %parallel_loop3A_234 = vector.shape_cast %parallel_loop3A_233 : vector<1x1x16xf32> to vector<16xf32>
      %parallel_loop3A_235 = arith.subf %parallel_loop3A_228, %parallel_loop3A_234 : vector<16xf32>
      %parallel_loop3A_236 = arith.mulf %parallel_loop3A_235, %parallel_loop3A_235 : vector<16xf32>
      %parallel_loop3A_237 = arith.addf %parallel_loop3A_219, %parallel_loop3A_236 : vector<16xf32>
      %parallel_loop3A_238 = arith.constant 0 : i32
      %parallel_loop3A_239 = arith.index_cast %parallel_loop3A_238 : i32 to index
      %parallel_loop3A_240 = arith.index_cast %parallel_loop3A_218 : i32 to index
      %parallel_loop3A_241 = arith.constant 16 : index
      %parallel_loop3A_242 = tpu.vector_load %arg8[%parallel_loop3A_239, %parallel_loop3A_240, %parallel_loop3A_241] {strides = array<i32>} : memref<3x32x512xf32, #tpu.memory_space<vmem>>, vector<1x1x16xf32>,
      %parallel_loop3A_243 = vector.shape_cast %parallel_loop3A_242 : vector<1x1x16xf32> to vector<16xf32>
      %parallel_loop3A_244 = arith.constant 0 : i32
      %parallel_loop3A_245 = arith.index_cast %parallel_loop3A_244 : i32 to index
      %parallel_loop3A_246 = arith.index_cast %parallel_loop3A_218 : i32 to index
      %parallel_loop3A_247 = arith.constant 16 : index
      %parallel_loop3A_248 = tpu.vector_load %arg7[%parallel_loop3A_245, %parallel_loop3A_246, %parallel_loop3A_247] {strides = array<i32>} : memref<3x32x512xf32, #tpu.memory_space<vmem>>, vector<1x1x16xf32>,
      %parallel_loop3A_249 = vector.shape_cast %parallel_loop3A_248 : vector<1x1x16xf32> to vector<16xf32>
      %parallel_loop3A_250 = arith.subf %parallel_loop3A_243, %parallel_loop3A_249 : vector<16xf32>
      %parallel_loop3A_251 = arith.mulf %parallel_loop3A_250, %parallel_loop3A_250 : vector<16xf32>
      %parallel_loop3A_252 = arith.addf %parallel_loop3A_220, %parallel_loop3A_251 : vector<16xf32>
      %parallel_loop3A_253 = arith.constant 0 : i32
      %parallel_loop3A_254 = arith.index_cast %parallel_loop3A_253 : i32 to index
      %parallel_loop3A_255 = arith.index_cast %parallel_loop3A_218 : i32 to index
      %parallel_loop3A_256 = arith.constant 32 : index
      %parallel_loop3A_257 = tpu.vector_load %arg8[%parallel_loop3A_254, %parallel_loop3A_255, %parallel_loop3A_256] {strides = array<i32>} : memref<3x32x512xf32, #tpu.memory_space<vmem>>, vector<1x1x16xf32>,
      %parallel_loop3A_258 = vector.shape_cast %parallel_loop3A_257 : vector<1x1x16xf32> to vector<16xf32>
      %parallel_loop3A_259 = arith.constant 0 : i32
      %parallel_loop3A_260 = arith.index_cast %parallel_loop3A_259 : i32 to index
      %parallel_loop3A_261 = arith.index_cast %parallel_loop3A_218 : i32 to index
      %parallel_loop3A_262 = arith.constant 32 : index
      %parallel_loop3A_263 = tpu.vector_load %arg7[%parallel_loop3A_260, %parallel_loop3A_261, %parallel_loop3A_262] {strides = array<i32>} : memref<3x32x512xf32, #tpu.memory_space<vmem>>, vector<1x1x16xf32>,
      %parallel_loop3A_264 = vector.shape_cast %parallel_loop3A_263 : vector<1x1x16xf32> to vector<16xf32>
      %parallel_loop3A_265 = arith.subf %parallel_loop3A_258, %parallel_loop3A_264 : vector<16xf32>
      %parallel_loop3A_266 = arith.mulf %parallel_loop3A_265, %parallel_loop3A_265 : vector<16xf32>
      %parallel_loop3A_267 = arith.addf %parallel_loop3A_221, %parallel_loop3A_266 : vector<16xf32>
      %parallel_loop3A_268 = arith.constant 0 : i32
      %parallel_loop3A_269 = arith.index_cast %parallel_loop3A_268 : i32 to index
      %parallel_loop3A_270 = arith.index_cast %parallel_loop3A_218 : i32 to index
      %parallel_loop3A_271 = arith.constant 48 : index
      %parallel_loop3A_272 = tpu.vector_load %arg8[%parallel_loop3A_269, %parallel_loop3A_270, %parallel_loop3A_271] {strides = array<i32>} : memref<3x32x512xf32, #tpu.memory_space<vmem>>, vector<1x1x16xf32>,
      %parallel_loop3A_273 = vector.shape_cast %parallel_loop3A_272 : vector<1x1x16xf32> to vector<16xf32>
      %parallel_loop3A_274 = arith.constant 0 : i32
      %parallel_loop3A_275 = arith.index_cast %parallel_loop3A_274 : i32 to index
      %parallel_loop3A_276 = arith.index_cast %parallel_loop3A_218 : i32 to index
      %parallel_loop3A_277 = arith.constant 48 : index
      %parallel_loop3A_278 = tpu.vector_load %arg7[%parallel_loop3A_275, %parallel_loop3A_276, %parallel_loop3A_277] {strides = array<i32>} : memref<3x32x512xf32, #tpu.memory_space<vmem>>, vector<1x1x16xf32>,
      %parallel_loop3A_279 = vector.shape_cast %parallel_loop3A_278 : vector<1x1x16xf32> to vector<16xf32>
      %parallel_loop3A_280 = arith.subf %parallel_loop3A_273, %parallel_loop3A_279 : vector<16xf32>
      %parallel_loop3A_281 = arith.mulf %parallel_loop3A_280, %parallel_loop3A_280 : vector<16xf32>
      %parallel_loop3A_282 = arith.addf %parallel_loop3A_222, %parallel_loop3A_281 : vector<16xf32>
      %parallel_loop3A_283 = arith.constant 0 : i32
      %parallel_loop3A_284 = arith.index_cast %parallel_loop3A_283 : i32 to index
      %parallel_loop3A_285 = arith.index_cast %parallel_loop3A_218 : i32 to index
      %parallel_loop3A_286 = arith.constant 64 : index
      %parallel_loop3A_287 = tpu.vector_load %arg8[%parallel_loop3A_284, %parallel_loop3A_285, %parallel_loop3A_286] {strides = array<i32>} : memref<3x32x512xf32, #tpu.memory_space<vmem>>, vector<1x1x16xf32>,
      %parallel_loop3A_288 = vector.shape_cast %parallel_loop3A_287 : vector<1x1x16xf32> to vector<16xf32>
      %parallel_loop3A_289 = arith.constant 0 : i32
      %parallel_loop3A_290 = arith.index_cast %parallel_loop3A_289 : i32 to index
      %parallel_loop3A_291 = arith.index_cast %parallel_loop3A_218 : i32 to index
      %parallel_loop3A_292 = arith.constant 64 : index
      %parallel_loop3A_293 = tpu.vector_load %arg7[%parallel_loop3A_290, %parallel_loop3A_291, %parallel_loop3A_292] {strides = array<i32>} : memref<3x32x512xf32, #tpu.memory_space<vmem>>, vector<1x1x16xf32>,
      %parallel_loop3A_294 = vector.shape_cast %parallel_loop3A_293 : vector<1x1x16xf32> to vector<16xf32>
      %parallel_loop3A_295 = arith.subf %parallel_loop3A_288, %parallel_loop3A_294 : vector<16xf32>
      %parallel_loop3A_296 = arith.mulf %parallel_loop3A_295, %parallel_loop3A_295 : vector<16xf32>
      %parallel_loop3A_297 = arith.addf %parallel_loop3A_237, %parallel_loop3A_296 : vector<16xf32>
      %parallel_loop3A_298 = arith.constant 0 : i32
      %parallel_loop3A_299 = arith.index_cast %parallel_loop3A_298 : i32 to index
      %parallel_loop3A_300 = arith.index_cast %parallel_loop3A_218 : i32 to index
      %parallel_loop3A_301 = arith.constant 80 : index
      %parallel_loop3A_302 = tpu.vector_load %arg8[%parallel_loop3A_299, %parallel_loop3A_300, %parallel_loop3A_301] {strides = array<i32>} : memref<3x32x512xf32, #tpu.memory_space<vmem>>, vector<1x1x16xf32>,
      %parallel_loop3A_303 = vector.shape_cast %parallel_loop3A_302 : vector<1x1x16xf32> to vector<16xf32>
      %parallel_loop3A_304 = arith.constant 0 : i32
      %parallel_loop3A_305 = arith.index_cast %parallel_loop3A_304 : i32 to index
      %parallel_loop3A_306 = arith.index_cast %parallel_loop3A_218 : i32 to index
      %parallel_loop3A_307 = arith.constant 80 : index
      %parallel_loop3A_308 = tpu.vector_load %arg7[%parallel_loop3A_305, %parallel_loop3A_306, %parallel_loop3A_307] {strides = array<i32>} : memref<3x32x512xf32, #tpu.memory_space<vmem>>, vector<1x1x16xf32>,
      %parallel_loop3A_309 = vector.shape_cast %parallel_loop3A_308 : vector<1x1x16xf32> to vector<16xf32>
      %parallel_loop3A_310 = arith.subf %parallel_loop3A_303, %parallel_loop3A_309 : vector<16xf32>
      %parallel_loop3A_311 = arith.mulf %parallel_loop3A_310, %parallel_loop3A_310 : vector<16xf32>
      %parallel_loop3A_312 = arith.addf %parallel_loop3A_252, %parallel_loop3A_311 : vector<16xf32>
      %parallel_loop3A_313 = arith.constant 0 : i32
      %parallel_loop3A_314 = arith.index_cast %parallel_loop3A_313 : i32 to index
      %parallel_loop3A_315 = arith.index_cast %parallel_loop3A_218 : i32 to index
      %parallel_loop3A_316 = arith.constant 96 : index
      %parallel_loop3A_317 = tpu.vector_load %arg8[%parallel_loop3A_314, %parallel_loop3A_315, %parallel_loop3A_316] {strides = array<i32>} : memref<3x32x512xf32, #tpu.memory_space<vmem>>, vector<1x1x16xf32>,
      %parallel_loop3A_318 = vector.shape_cast %parallel_loop3A_317 : vector<1x1x16xf32> to vector<16xf32>
      %parallel_loop3A_319 = arith.constant 0 : i32
      %parallel_loop3A_320 = arith.index_cast %parallel_loop3A_319 : i32 to index
      %parallel_loop3A_321 = arith.index_cast %parallel_loop3A_218 : i32 to index
      %parallel_loop3A_322 = arith.constant 96 : index
      %parallel_loop3A_323 = tpu.vector_load %arg7[%parallel_loop3A_320, %parallel_loop3A_321, %parallel_loop3A_322] {strides = array<i32>} : memref<3x32x512xf32, #tpu.memory_space<vmem>>, vector<1x1x16xf32>,
      %parallel_loop3A_324 = vector.shape_cast %parallel_loop3A_323 : vector<1x1x16xf32> to vector<16xf32>
      %parallel_loop3A_325 = arith.subf %parallel_loop3A_318, %parallel_loop3A_324 : vector<16xf32>
      %parallel_loop3A_326 = arith.mulf %parallel_loop3A_325, %parallel_loop3A_325 : vector<16xf32>
      %parallel_loop3A_327 = arith.addf %parallel_loop3A_267, %parallel_loop3A_326 : vector<16xf32>
      %parallel_loop3A_328 = arith.constant 0 : i32
      %parallel_loop3A_329 = arith.index_cast %parallel_loop3A_328 : i32 to index
      %parallel_loop3A_330 = arith.index_cast %parallel_loop3A_218 : i32 to index
      %parallel_loop3A_331 = arith.constant 112 : index
      %parallel_loop3A_332 = tpu.vector_load %arg8[%parallel_loop3A_329, %parallel_loop3A_330, %parallel_loop3A_331] {strides = array<i32>} : memref<3x32x512xf32, #tpu.memory_space<vmem>>, vector<1x1x16xf32>,
      %parallel_loop3A_333 = vector.shape_cast %parallel_loop3A_332 : vector<1x1x16xf32> to vector<16xf32>
      %parallel_loop3A_334 = arith.constant 0 : i32
      %parallel_loop3A_335 = arith.index_cast %parallel_loop3A_334 : i32 to index
      %parallel_loop3A_336 = arith.index_cast %parallel_loop3A_218 : i32 to index
      %parallel_loop3A_337 = arith.constant 112 : index
      %parallel_loop3A_338 = tpu.vector_load %arg7[%parallel_loop3A_335, %parallel_loop3A_336, %parallel_loop3A_337] {strides = array<i32>} : memref<3x32x512xf32, #tpu.memory_space<vmem>>, vector<1x1x16xf32>,
      %parallel_loop3A_339 = vector.shape_cast %parallel_loop3A_338 : vector<1x1x16xf32> to vector<16xf32>
      %parallel_loop3A_340 = arith.subf %parallel_loop3A_333, %parallel_loop3A_339 : vector<16xf32>
      %parallel_loop3A_341 = arith.mulf %parallel_loop3A_340, %parallel_loop3A_340 : vector<16xf32>
      %parallel_loop3A_342 = arith.addf %parallel_loop3A_282, %parallel_loop3A_341 : vector<16xf32>
      %parallel_loop3A_343 = arith.constant 0 : i32
      %parallel_loop3A_344 = arith.index_cast %parallel_loop3A_343 : i32 to index
      %parallel_loop3A_345 = arith.index_cast %parallel_loop3A_218 : i32 to index
      %parallel_loop3A_346 = arith.constant 128 : index
      %parallel_loop3A_347 = tpu.vector_load %arg8[%parallel_loop3A_344, %parallel_loop3A_345, %parallel_loop3A_346] {strides = array<i32>} : memref<3x32x512xf32, #tpu.memory_space<vmem>>, vector<1x1x16xf32>,
      %parallel_loop3A_348 = vector.shape_cast %parallel_loop3A_347 : vector<1x1x16xf32> to vector<16xf32>
      %parallel_loop3A_349 = arith.constant 0 : i32
      %parallel_loop3A_350 = arith.index_cast %parallel_loop3A_349 : i32 to index
      %parallel_loop3A_351 = arith.index_cast %parallel_loop3A_218 : i32 to index
      %parallel_loop3A_352 = arith.constant 128 : index
      %parallel_loop3A_353 = tpu.vector_load %arg7[%parallel_loop3A_350, %parallel_loop3A_351, %parallel_loop3A_352] {strides = array<i32>} : memref<3x32x512xf32, #tpu.memory_space<vmem>>, vector<1x1x16xf32>,
      %parallel_loop3A_354 = vector.shape_cast %parallel_loop3A_353 : vector<1x1x16xf32> to vector<16xf32>
      %parallel_loop3A_355 = arith.subf %parallel_loop3A_348, %parallel_loop3A_354 : vector<16xf32>
      %parallel_loop3A_356 = arith.mulf %parallel_loop3A_355, %parallel_loop3A_355 : vector<16xf32>
      %parallel_loop3A_357 = arith.addf %parallel_loop3A_297, %parallel_loop3A_356 : vector<16xf32>
      %parallel_loop3A_358 = arith.constant 0 : i32
      %parallel_loop3A_359 = arith.index_cast %parallel_loop3A_358 : i32 to index
      %parallel_loop3A_360 = arith.index_cast %parallel_loop3A_218 : i32 to index
      %parallel_loop3A_361 = arith.constant 144 : index
      %parallel_loop3A_362 = tpu.vector_load %arg8[%parallel_loop3A_359, %parallel_loop3A_360, %parallel_loop3A_361] {strides = array<i32>} : memref<3x32x512xf32, #tpu.memory_space<vmem>>, vector<1x1x16xf32>,
      %parallel_loop3A_363 = vector.shape_cast %parallel_loop3A_362 : vector<1x1x16xf32> to vector<16xf32>
      %parallel_loop3A_364 = arith.constant 0 : i32
      %parallel_loop3A_365 = arith.index_cast %parallel_loop3A_364 : i32 to index
      %parallel_loop3A_366 = arith.index_cast %parallel_loop3A_218 : i32 to index
      %parallel_loop3A_367 = arith.constant 144 : index
      %parallel_loop3A_368 = tpu.vector_load %arg7[%parallel_loop3A_365, %parallel_loop3A_366, %parallel_loop3A_367] {strides = array<i32>} : memref<3x32x512xf32, #tpu.memory_space<vmem>>, vector<1x1x16xf32>,
      %parallel_loop3A_369 = vector.shape_cast %parallel_loop3A_368 : vector<1x1x16xf32> to vector<16xf32>
      %parallel_loop3A_370 = arith.subf %parallel_loop3A_363, %parallel_loop3A_369 : vector<16xf32>
      %parallel_loop3A_371 = arith.mulf %parallel_loop3A_370, %parallel_loop3A_370 : vector<16xf32>
      %parallel_loop3A_372 = arith.addf %parallel_loop3A_312, %parallel_loop3A_371 : vector<16xf32>
      %parallel_loop3A_373 = arith.constant 0 : i32
      %parallel_loop3A_374 = arith.index_cast %parallel_loop3A_373 : i32 to index
      %parallel_loop3A_375 = arith.index_cast %parallel_loop3A_218 : i32 to index
      %parallel_loop3A_376 = arith.constant 160 : index
      %parallel_loop3A_377 = tpu.vector_load %arg8[%parallel_loop3A_374, %parallel_loop3A_375, %parallel_loop3A_376] {strides = array<i32>} : memref<3x32x512xf32, #tpu.memory_space<vmem>>, vector<1x1x16xf32>,
      %parallel_loop3A_378 = vector.shape_cast %parallel_loop3A_377 : vector<1x1x16xf32> to vector<16xf32>
      %parallel_loop3A_379 = arith.constant 0 : i32
      %parallel_loop3A_380 = arith.index_cast %parallel_loop3A_379 : i32 to index
      %parallel_loop3A_381 = arith.index_cast %parallel_loop3A_218 : i32 to index
      %parallel_loop3A_382 = arith.constant 160 : index
      %parallel_loop3A_383 = tpu.vector_load %arg7[%parallel_loop3A_380, %parallel_loop3A_381, %parallel_loop3A_382] {strides = array<i32>} : memref<3x32x512xf32, #tpu.memory_space<vmem>>, vector<1x1x16xf32>,
      %parallel_loop3A_384 = vector.shape_cast %parallel_loop3A_383 : vector<1x1x16xf32> to vector<16xf32>
      %parallel_loop3A_385 = arith.subf %parallel_loop3A_378, %parallel_loop3A_384 : vector<16xf32>
      %parallel_loop3A_386 = arith.mulf %parallel_loop3A_385, %parallel_loop3A_385 : vector<16xf32>
      %parallel_loop3A_387 = arith.addf %parallel_loop3A_327, %parallel_loop3A_386 : vector<16xf32>
      %parallel_loop3A_388 = arith.constant 0 : i32
      %parallel_loop3A_389 = arith.index_cast %parallel_loop3A_388 : i32 to index
      %parallel_loop3A_390 = arith.index_cast %parallel_loop3A_218 : i32 to index
      %parallel_loop3A_391 = arith.constant 176 : index
      %parallel_loop3A_392 = tpu.vector_load %arg8[%parallel_loop3A_389, %parallel_loop3A_390, %parallel_loop3A_391] {strides = array<i32>} : memref<3x32x512xf32, #tpu.memory_space<vmem>>, vector<1x1x16xf32>,
      %parallel_loop3A_393 = vector.shape_cast %parallel_loop3A_392 : vector<1x1x16xf32> to vector<16xf32>
      %parallel_loop3A_394 = arith.constant 0 : i32
      %parallel_loop3A_395 = arith.index_cast %parallel_loop3A_394 : i32 to index
      %parallel_loop3A_396 = arith.index_cast %parallel_loop3A_218 : i32 to index
      %parallel_loop3A_397 = arith.constant 176 : index
      %parallel_loop3A_398 = tpu.vector_load %arg7[%parallel_loop3A_395, %parallel_loop3A_396, %parallel_loop3A_397] {strides = array<i32>} : memref<3x32x512xf32, #tpu.memory_space<vmem>>, vector<1x1x16xf32>,
      %parallel_loop3A_399 = vector.shape_cast %parallel_loop3A_398 : vector<1x1x16xf32> to vector<16xf32>
      %parallel_loop3A_400 = arith.subf %parallel_loop3A_393, %parallel_loop3A_399 : vector<16xf32>
      %parallel_loop3A_401 = arith.mulf %parallel_loop3A_400, %parallel_loop3A_400 : vector<16xf32>
      %parallel_loop3A_402 = arith.addf %parallel_loop3A_342, %parallel_loop3A_401 : vector<16xf32>
      %parallel_loop3A_403 = arith.constant 0 : i32
      %parallel_loop3A_404 = arith.index_cast %parallel_loop3A_403 : i32 to index
      %parallel_loop3A_405 = arith.index_cast %parallel_loop3A_218 : i32 to index
      %parallel_loop3A_406 = arith.constant 192 : index
      %parallel_loop3A_407 = tpu.vector_load %arg8[%parallel_loop3A_404, %parallel_loop3A_405, %parallel_loop3A_406] {strides = array<i32>} : memref<3x32x512xf32, #tpu.memory_space<vmem>>, vector<1x1x16xf32>,
      %parallel_loop3A_408 = vector.shape_cast %parallel_loop3A_407 : vector<1x1x16xf32> to vector<16xf32>
      %parallel_loop3A_409 = arith.constant 0 : i32
      %parallel_loop3A_410 = arith.index_cast %parallel_loop3A_409 : i32 to index
      %parallel_loop3A_411 = arith.index_cast %parallel_loop3A_218 : i32 to index
      %parallel_loop3A_412 = arith.constant 192 : index
      %parallel_loop3A_413 = tpu.vector_load %arg7[%parallel_loop3A_410, %parallel_loop3A_411, %parallel_loop3A_412] {strides = array<i32>} : memref<3x32x512xf32, #tpu.memory_space<vmem>>, vector<1x1x16xf32>,
      %parallel_loop3A_414 = vector.shape_cast %parallel_loop3A_413 : vector<1x1x16xf32> to vector<16xf32>
      %parallel_loop3A_415 = arith.subf %parallel_loop3A_408, %parallel_loop3A_414 : vector<16xf32>
      %parallel_loop3A_416 = arith.mulf %parallel_loop3A_415, %parallel_loop3A_415 : vector<16xf32>
      %parallel_loop3A_417 = arith.addf %parallel_loop3A_357, %parallel_loop3A_416 : vector<16xf32>
      %parallel_loop3A_418 = arith.constant 0 : i32
      %parallel_loop3A_419 = arith.index_cast %parallel_loop3A_418 : i32 to index
      %parallel_loop3A_420 = arith.index_cast %parallel_loop3A_218 : i32 to index
      %parallel_loop3A_421 = arith.constant 208 : index
      %parallel_loop3A_422 = tpu.vector_load %arg8[%parallel_loop3A_419, %parallel_loop3A_420, %parallel_loop3A_421] {strides = array<i32>} : memref<3x32x512xf32, #tpu.memory_space<vmem>>, vector<1x1x16xf32>,
      %parallel_loop3A_423 = vector.shape_cast %parallel_loop3A_422 : vector<1x1x16xf32> to vector<16xf32>
      %parallel_loop3A_424 = arith.constant 0 : i32
      %parallel_loop3A_425 = arith.index_cast %parallel_loop3A_424 : i32 to index
      %parallel_loop3A_426 = arith.index_cast %parallel_loop3A_218 : i32 to index
      %parallel_loop3A_427 = arith.constant 208 : index
      %parallel_loop3A_428 = tpu.vector_load %arg7[%parallel_loop3A_425, %parallel_loop3A_426, %parallel_loop3A_427] {strides = array<i32>} : memref<3x32x512xf32, #tpu.memory_space<vmem>>, vector<1x1x16xf32>,
      %parallel_loop3A_429 = vector.shape_cast %parallel_loop3A_428 : vector<1x1x16xf32> to vector<16xf32>
      %parallel_loop3A_430 = arith.subf %parallel_loop3A_423, %parallel_loop3A_429 : vector<16xf32>
      %parallel_loop3A_431 = arith.mulf %parallel_loop3A_430, %parallel_loop3A_430 : vector<16xf32>
      %parallel_loop3A_432 = arith.addf %parallel_loop3A_372, %parallel_loop3A_431 : vector<16xf32>
      %parallel_loop3A_433 = arith.constant 0 : i32
      %parallel_loop3A_434 = arith.index_cast %parallel_loop3A_433 : i32 to index
      %parallel_loop3A_435 = arith.index_cast %parallel_loop3A_218 : i32 to index
      %parallel_loop3A_436 = arith.constant 224 : index
      %parallel_loop3A_437 = tpu.vector_load %arg8[%parallel_loop3A_434, %parallel_loop3A_435, %parallel_loop3A_436] {strides = array<i32>} : memref<3x32x512xf32, #tpu.memory_space<vmem>>, vector<1x1x16xf32>,
      %parallel_loop3A_438 = vector.shape_cast %parallel_loop3A_437 : vector<1x1x16xf32> to vector<16xf32>
      %parallel_loop3A_439 = arith.constant 0 : i32
      %parallel_loop3A_440 = arith.index_cast %parallel_loop3A_439 : i32 to index
      %parallel_loop3A_441 = arith.index_cast %parallel_loop3A_218 : i32 to index
      %parallel_loop3A_442 = arith.constant 224 : index
      %parallel_loop3A_443 = tpu.vector_load %arg7[%parallel_loop3A_440, %parallel_loop3A_441, %parallel_loop3A_442] {strides = array<i32>} : memref<3x32x512xf32, #tpu.memory_space<vmem>>, vector<1x1x16xf32>,
      %parallel_loop3A_444 = vector.shape_cast %parallel_loop3A_443 : vector<1x1x16xf32> to vector<16xf32>
      %parallel_loop3A_445 = arith.subf %parallel_loop3A_438, %parallel_loop3A_444 : vector<16xf32>
      %parallel_loop3A_446 = arith.mulf %parallel_loop3A_445, %parallel_loop3A_445 : vector<16xf32>
      %parallel_loop3A_447 = arith.addf %parallel_loop3A_387, %parallel_loop3A_446 : vector<16xf32>
      %parallel_loop3A_448 = arith.constant 0 : i32
      %parallel_loop3A_449 = arith.index_cast %parallel_loop3A_448 : i32 to index
      %parallel_loop3A_450 = arith.index_cast %parallel_loop3A_218 : i32 to index
      %parallel_loop3A_451 = arith.constant 240 : index
      %parallel_loop3A_452 = tpu.vector_load %arg8[%parallel_loop3A_449, %parallel_loop3A_450, %parallel_loop3A_451] {strides = array<i32>} : memref<3x32x512xf32, #tpu.memory_space<vmem>>, vector<1x1x16xf32>,
      %parallel_loop3A_453 = vector.shape_cast %parallel_loop3A_452 : vector<1x1x16xf32> to vector<16xf32>
      %parallel_loop3A_454 = arith.constant 0 : i32
      %parallel_loop3A_455 = arith.index_cast %parallel_loop3A_454 : i32 to index
      %parallel_loop3A_456 = arith.index_cast %parallel_loop3A_218 : i32 to index
      %parallel_loop3A_457 = arith.constant 240 : index
      %parallel_loop3A_458 = tpu.vector_load %arg7[%parallel_loop3A_455, %parallel_loop3A_456, %parallel_loop3A_457] {strides = array<i32>} : memref<3x32x512xf32, #tpu.memory_space<vmem>>, vector<1x1x16xf32>,
      %parallel_loop3A_459 = vector.shape_cast %parallel_loop3A_458 : vector<1x1x16xf32> to vector<16xf32>
      %parallel_loop3A_460 = arith.subf %parallel_loop3A_453, %parallel_loop3A_459 : vector<16xf32>
      %parallel_loop3A_461 = arith.mulf %parallel_loop3A_460, %parallel_loop3A_460 : vector<16xf32>
      %parallel_loop3A_462 = arith.addf %parallel_loop3A_402, %parallel_loop3A_461 : vector<16xf32>
      %parallel_loop3A_463 = arith.constant 0 : i32
      %parallel_loop3A_464 = arith.index_cast %parallel_loop3A_463 : i32 to index
      %parallel_loop3A_465 = arith.index_cast %parallel_loop3A_218 : i32 to index
      %parallel_loop3A_466 = arith.constant 256 : index
      %parallel_loop3A_467 = tpu.vector_load %arg8[%parallel_loop3A_464, %parallel_loop3A_465, %parallel_loop3A_466] {strides = array<i32>} : memref<3x32x512xf32, #tpu.memory_space<vmem>>, vector<1x1x16xf32>,
      %parallel_loop3A_468 = vector.shape_cast %parallel_loop3A_467 : vector<1x1x16xf32> to vector<16xf32>
      %parallel_loop3A_469 = arith.constant 0 : i32
      %parallel_loop3A_470 = arith.index_cast %parallel_loop3A_469 : i32 to index
      %parallel_loop3A_471 = arith.index_cast %parallel_loop3A_218 : i32 to index
      %parallel_loop3A_472 = arith.constant 256 : index
      %parallel_loop3A_473 = tpu.vector_load %arg7[%parallel_loop3A_470, %parallel_loop3A_471, %parallel_loop3A_472] {strides = array<i32>} : memref<3x32x512xf32, #tpu.memory_space<vmem>>, vector<1x1x16xf32>,
      %parallel_loop3A_474 = vector.shape_cast %parallel_loop3A_473 : vector<1x1x16xf32> to vector<16xf32>
      %parallel_loop3A_475 = arith.subf %parallel_loop3A_468, %parallel_loop3A_474 : vector<16xf32>
      %parallel_loop3A_476 = arith.mulf %parallel_loop3A_475, %parallel_loop3A_475 : vector<16xf32>
      %parallel_loop3A_477 = arith.addf %parallel_loop3A_417, %parallel_loop3A_476 : vector<16xf32>
      %parallel_loop3A_478 = arith.constant 0 : i32
      %parallel_loop3A_479 = arith.index_cast %parallel_loop3A_478 : i32 to index
      %parallel_loop3A_480 = arith.index_cast %parallel_loop3A_218 : i32 to index
      %parallel_loop3A_481 = arith.constant 272 : index
      %parallel_loop3A_482 = tpu.vector_load %arg8[%parallel_loop3A_479, %parallel_loop3A_480, %parallel_loop3A_481] {strides = array<i32>} : memref<3x32x512xf32, #tpu.memory_space<vmem>>, vector<1x1x16xf32>,
      %parallel_loop3A_483 = vector.shape_cast %parallel_loop3A_482 : vector<1x1x16xf32> to vector<16xf32>
      %parallel_loop3A_484 = arith.constant 0 : i32
      %parallel_loop3A_485 = arith.index_cast %parallel_loop3A_484 : i32 to index
      %parallel_loop3A_486 = arith.index_cast %parallel_loop3A_218 : i32 to index
      %parallel_loop3A_487 = arith.constant 272 : index
      %parallel_loop3A_488 = tpu.vector_load %arg7[%parallel_loop3A_485, %parallel_loop3A_486, %parallel_loop3A_487] {strides = array<i32>} : memref<3x32x512xf32, #tpu.memory_space<vmem>>, vector<1x1x16xf32>,
      %parallel_loop3A_489 = vector.shape_cast %parallel_loop3A_488 : vector<1x1x16xf32> to vector<16xf32>
      %parallel_loop3A_490 = arith.subf %parallel_loop3A_483, %parallel_loop3A_489 : vector<16xf32>
      %parallel_loop3A_491 = arith.mulf %parallel_loop3A_490, %parallel_loop3A_490 : vector<16xf32>
      %parallel_loop3A_492 = arith.addf %parallel_loop3A_432, %parallel_loop3A_491 : vector<16xf32>
      %parallel_loop3A_493 = arith.constant 0 : i32
      %parallel_loop3A_494 = arith.index_cast %parallel_loop3A_493 : i32 to index
      %parallel_loop3A_495 = arith.index_cast %parallel_loop3A_218 : i32 to index
      %parallel_loop3A_496 = arith.constant 288 : index
      %parallel_loop3A_497 = tpu.vector_load %arg8[%parallel_loop3A_494, %parallel_loop3A_495, %parallel_loop3A_496] {strides = array<i32>} : memref<3x32x512xf32, #tpu.memory_space<vmem>>, vector<1x1x16xf32>,
      %parallel_loop3A_498 = vector.shape_cast %parallel_loop3A_497 : vector<1x1x16xf32> to vector<16xf32>
      %parallel_loop3A_499 = arith.constant 0 : i32
      %parallel_loop3A_500 = arith.index_cast %parallel_loop3A_499 : i32 to index
      %parallel_loop3A_501 = arith.index_cast %parallel_loop3A_218 : i32 to index
      %parallel_loop3A_502 = arith.constant 288 : index
      %parallel_loop3A_503 = tpu.vector_load %arg7[%parallel_loop3A_500, %parallel_loop3A_501, %parallel_loop3A_502] {strides = array<i32>} : memref<3x32x512xf32, #tpu.memory_space<vmem>>, vector<1x1x16xf32>,
      %parallel_loop3A_504 = vector.shape_cast %parallel_loop3A_503 : vector<1x1x16xf32> to vector<16xf32>
      %parallel_loop3A_505 = arith.subf %parallel_loop3A_498, %parallel_loop3A_504 : vector<16xf32>
      %parallel_loop3A_506 = arith.mulf %parallel_loop3A_505, %parallel_loop3A_505 : vector<16xf32>
      %parallel_loop3A_507 = arith.addf %parallel_loop3A_447, %parallel_loop3A_506 : vector<16xf32>
      %parallel_loop3A_508 = arith.constant 0 : i32
      %parallel_loop3A_509 = arith.index_cast %parallel_loop3A_508 : i32 to index
      %parallel_loop3A_510 = arith.index_cast %parallel_loop3A_218 : i32 to index
      %parallel_loop3A_511 = arith.constant 304 : index
      %parallel_loop3A_512 = tpu.vector_load %arg8[%parallel_loop3A_509, %parallel_loop3A_510, %parallel_loop3A_511] {strides = array<i32>} : memref<3x32x512xf32, #tpu.memory_space<vmem>>, vector<1x1x16xf32>,
      %parallel_loop3A_513 = vector.shape_cast %parallel_loop3A_512 : vector<1x1x16xf32> to vector<16xf32>
      %parallel_loop3A_514 = arith.constant 0 : i32
      %parallel_loop3A_515 = arith.index_cast %parallel_loop3A_514 : i32 to index
      %parallel_loop3A_516 = arith.index_cast %parallel_loop3A_218 : i32 to index
      %parallel_loop3A_517 = arith.constant 304 : index
      %parallel_loop3A_518 = tpu.vector_load %arg7[%parallel_loop3A_515, %parallel_loop3A_516, %parallel_loop3A_517] {strides = array<i32>} : memref<3x32x512xf32, #tpu.memory_space<vmem>>, vector<1x1x16xf32>,
      %parallel_loop3A_519 = vector.shape_cast %parallel_loop3A_518 : vector<1x1x16xf32> to vector<16xf32>
      %parallel_loop3A_520 = arith.subf %parallel_loop3A_513, %parallel_loop3A_519 : vector<16xf32>
      %parallel_loop3A_521 = arith.mulf %parallel_loop3A_520, %parallel_loop3A_520 : vector<16xf32>
      %parallel_loop3A_522 = arith.addf %parallel_loop3A_462, %parallel_loop3A_521 : vector<16xf32>
      %parallel_loop3A_523 = arith.constant 0 : i32
      %parallel_loop3A_524 = arith.index_cast %parallel_loop3A_523 : i32 to index
      %parallel_loop3A_525 = arith.index_cast %parallel_loop3A_218 : i32 to index
      %parallel_loop3A_526 = arith.constant 320 : index
      %parallel_loop3A_527 = tpu.vector_load %arg8[%parallel_loop3A_524, %parallel_loop3A_525, %parallel_loop3A_526] {strides = array<i32>} : memref<3x32x512xf32, #tpu.memory_space<vmem>>, vector<1x1x16xf32>,
      %parallel_loop3A_528 = vector.shape_cast %parallel_loop3A_527 : vector<1x1x16xf32> to vector<16xf32>
      %parallel_loop3A_529 = arith.constant 0 : i32
      %parallel_loop3A_530 = arith.index_cast %parallel_loop3A_529 : i32 to index
      %parallel_loop3A_531 = arith.index_cast %parallel_loop3A_218 : i32 to index
      %parallel_loop3A_532 = arith.constant 320 : index
      %parallel_loop3A_533 = tpu.vector_load %arg7[%parallel_loop3A_530, %parallel_loop3A_531, %parallel_loop3A_532] {strides = array<i32>} : memref<3x32x512xf32, #tpu.memory_space<vmem>>, vector<1x1x16xf32>,
      %parallel_loop3A_534 = vector.shape_cast %parallel_loop3A_533 : vector<1x1x16xf32> to vector<16xf32>
      %parallel_loop3A_535 = arith.subf %parallel_loop3A_528, %parallel_loop3A_534 : vector<16xf32>
      %parallel_loop3A_536 = arith.mulf %parallel_loop3A_535, %parallel_loop3A_535 : vector<16xf32>
      %parallel_loop3A_537 = arith.addf %parallel_loop3A_477, %parallel_loop3A_536 : vector<16xf32>
      %parallel_loop3A_538 = arith.constant 0 : i32
      %parallel_loop3A_539 = arith.index_cast %parallel_loop3A_538 : i32 to index
      %parallel_loop3A_540 = arith.index_cast %parallel_loop3A_218 : i32 to index
      %parallel_loop3A_541 = arith.constant 336 : index
      %parallel_loop3A_542 = tpu.vector_load %arg8[%parallel_loop3A_539, %parallel_loop3A_540, %parallel_loop3A_541] {strides = array<i32>} : memref<3x32x512xf32, #tpu.memory_space<vmem>>, vector<1x1x16xf32>,
      %parallel_loop3A_543 = vector.shape_cast %parallel_loop3A_542 : vector<1x1x16xf32> to vector<16xf32>
      %parallel_loop3A_544 = arith.constant 0 : i32
      %parallel_loop3A_545 = arith.index_cast %parallel_loop3A_544 : i32 to index
      %parallel_loop3A_546 = arith.index_cast %parallel_loop3A_218 : i32 to index
      %parallel_loop3A_547 = arith.constant 336 : index
      %parallel_loop3A_548 = tpu.vector_load %arg7[%parallel_loop3A_545, %parallel_loop3A_546, %parallel_loop3A_547] {strides = array<i32>} : memref<3x32x512xf32, #tpu.memory_space<vmem>>, vector<1x1x16xf32>,
      %parallel_loop3A_549 = vector.shape_cast %parallel_loop3A_548 : vector<1x1x16xf32> to vector<16xf32>
      %parallel_loop3A_550 = arith.subf %parallel_loop3A_543, %parallel_loop3A_549 : vector<16xf32>
      %parallel_loop3A_551 = arith.mulf %parallel_loop3A_550, %parallel_loop3A_550 : vector<16xf32>
      %parallel_loop3A_552 = arith.addf %parallel_loop3A_492, %parallel_loop3A_551 : vector<16xf32>
      %parallel_loop3A_553 = arith.constant 0 : i32
      %parallel_loop3A_554 = arith.index_cast %parallel_loop3A_553 : i32 to index
      %parallel_loop3A_555 = arith.index_cast %parallel_loop3A_218 : i32 to index
      %parallel_loop3A_556 = arith.constant 352 : index
      %parallel_loop3A_557 = tpu.vector_load %arg8[%parallel_loop3A_554, %parallel_loop3A_555, %parallel_loop3A_556] {strides = array<i32>} : memref<3x32x512xf32, #tpu.memory_space<vmem>>, vector<1x1x16xf32>,
      %parallel_loop3A_558 = vector.shape_cast %parallel_loop3A_557 : vector<1x1x16xf32> to vector<16xf32>
      %parallel_loop3A_559 = arith.constant 0 : i32
      %parallel_loop3A_560 = arith.index_cast %parallel_loop3A_559 : i32 to index
      %parallel_loop3A_561 = arith.index_cast %parallel_loop3A_218 : i32 to index
      %parallel_loop3A_562 = arith.constant 352 : index
      %parallel_loop3A_563 = tpu.vector_load %arg7[%parallel_loop3A_560, %parallel_loop3A_561, %parallel_loop3A_562] {strides = array<i32>} : memref<3x32x512xf32, #tpu.memory_space<vmem>>, vector<1x1x16xf32>,
      %parallel_loop3A_564 = vector.shape_cast %parallel_loop3A_563 : vector<1x1x16xf32> to vector<16xf32>
      %parallel_loop3A_565 = arith.subf %parallel_loop3A_558, %parallel_loop3A_564 : vector<16xf32>
      %parallel_loop3A_566 = arith.mulf %parallel_loop3A_565, %parallel_loop3A_565 : vector<16xf32>
      %parallel_loop3A_567 = arith.addf %parallel_loop3A_507, %parallel_loop3A_566 : vector<16xf32>
      %parallel_loop3A_568 = arith.constant 0 : i32
      %parallel_loop3A_569 = arith.index_cast %parallel_loop3A_568 : i32 to index
      %parallel_loop3A_570 = arith.index_cast %parallel_loop3A_218 : i32 to index
      %parallel_loop3A_571 = arith.constant 368 : index
      %parallel_loop3A_572 = tpu.vector_load %arg8[%parallel_loop3A_569, %parallel_loop3A_570, %parallel_loop3A_571] {strides = array<i32>} : memref<3x32x512xf32, #tpu.memory_space<vmem>>, vector<1x1x16xf32>,
      %parallel_loop3A_573 = vector.shape_cast %parallel_loop3A_572 : vector<1x1x16xf32> to vector<16xf32>
      %parallel_loop3A_574 = arith.constant 0 : i32
      %parallel_loop3A_575 = arith.index_cast %parallel_loop3A_574 : i32 to index
      %parallel_loop3A_576 = arith.index_cast %parallel_loop3A_218 : i32 to index
      %parallel_loop3A_577 = arith.constant 368 : index
      %parallel_loop3A_578 = tpu.vector_load %arg7[%parallel_loop3A_575, %parallel_loop3A_576, %parallel_loop3A_577] {strides = array<i32>} : memref<3x32x512xf32, #tpu.memory_space<vmem>>, vector<1x1x16xf32>,
      %parallel_loop3A_579 = vector.shape_cast %parallel_loop3A_578 : vector<1x1x16xf32> to vector<16xf32>
      %parallel_loop3A_580 = arith.subf %parallel_loop3A_573, %parallel_loop3A_579 : vector<16xf32>
      %parallel_loop3A_581 = arith.mulf %parallel_loop3A_580, %parallel_loop3A_580 : vector<16xf32>
      %parallel_loop3A_582 = arith.addf %parallel_loop3A_522, %parallel_loop3A_581 : vector<16xf32>
      %parallel_loop3A_583 = arith.constant 0 : i32
      %parallel_loop3A_584 = arith.index_cast %parallel_loop3A_583 : i32 to index
      %parallel_loop3A_585 = arith.index_cast %parallel_loop3A_218 : i32 to index
      %parallel_loop3A_586 = arith.constant 384 : index
      %parallel_loop3A_587 = tpu.vector_load %arg8[%parallel_loop3A_584, %parallel_loop3A_585, %parallel_loop3A_586] {strides = array<i32>} : memref<3x32x512xf32, #tpu.memory_space<vmem>>, vector<1x1x16xf32>,
      %parallel_loop3A_588 = vector.shape_cast %parallel_loop3A_587 : vector<1x1x16xf32> to vector<16xf32>
      %parallel_loop3A_589 = arith.constant 0 : i32
      %parallel_loop3A_590 = arith.index_cast %parallel_loop3A_589 : i32 to index
      %parallel_loop3A_591 = arith.index_cast %parallel_loop3A_218 : i32 to index
      %parallel_loop3A_592 = arith.constant 384 : index
      %parallel_loop3A_593 = tpu.vector_load %arg7[%parallel_loop3A_590, %parallel_loop3A_591, %parallel_loop3A_592] {strides = array<i32>} : memref<3x32x512xf32, #tpu.memory_space<vmem>>, vector<1x1x16xf32>,
      %parallel_loop3A_594 = vector.shape_cast %parallel_loop3A_593 : vector<1x1x16xf32> to vector<16xf32>
      %parallel_loop3A_595 = arith.subf %parallel_loop3A_588, %parallel_loop3A_594 : vector<16xf32>
      %parallel_loop3A_596 = arith.mulf %parallel_loop3A_595, %parallel_loop3A_595 : vector<16xf32>
      %parallel_loop3A_597 = arith.addf %parallel_loop3A_537, %parallel_loop3A_596 : vector<16xf32>
      %parallel_loop3A_598 = arith.constant 0 : i32
      %parallel_loop3A_599 = arith.index_cast %parallel_loop3A_598 : i32 to index
      %parallel_loop3A_600 = arith.index_cast %parallel_loop3A_218 : i32 to index
      %parallel_loop3A_601 = arith.constant 400 : index
      %parallel_loop3A_602 = tpu.vector_load %arg8[%parallel_loop3A_599, %parallel_loop3A_600, %parallel_loop3A_601] {strides = array<i32>} : memref<3x32x512xf32, #tpu.memory_space<vmem>>, vector<1x1x16xf32>,
      %parallel_loop3A_603 = vector.shape_cast %parallel_loop3A_602 : vector<1x1x16xf32> to vector<16xf32>
      %parallel_loop3A_604 = arith.constant 0 : i32
      %parallel_loop3A_605 = arith.index_cast %parallel_loop3A_604 : i32 to index
      %parallel_loop3A_606 = arith.index_cast %parallel_loop3A_218 : i32 to index
      %parallel_loop3A_607 = arith.constant 400 : index
      %parallel_loop3A_608 = tpu.vector_load %arg7[%parallel_loop3A_605, %parallel_loop3A_606, %parallel_loop3A_607] {strides = array<i32>} : memref<3x32x512xf32, #tpu.memory_space<vmem>>, vector<1x1x16xf32>,
      %parallel_loop3A_609 = vector.shape_cast %parallel_loop3A_608 : vector<1x1x16xf32> to vector<16xf32>
      %parallel_loop3A_610 = arith.subf %parallel_loop3A_603, %parallel_loop3A_609 : vector<16xf32>
      %parallel_loop3A_611 = arith.mulf %parallel_loop3A_610, %parallel_loop3A_610 : vector<16xf32>
      %parallel_loop3A_612 = arith.addf %parallel_loop3A_552, %parallel_loop3A_611 : vector<16xf32>
      %parallel_loop3A_613 = arith.constant 0 : i32
      %parallel_loop3A_614 = arith.index_cast %parallel_loop3A_613 : i32 to index
      %parallel_loop3A_615 = arith.index_cast %parallel_loop3A_218 : i32 to index
      %parallel_loop3A_616 = arith.constant 416 : index
      %parallel_loop3A_617 = tpu.vector_load %arg8[%parallel_loop3A_614, %parallel_loop3A_615, %parallel_loop3A_616] {strides = array<i32>} : memref<3x32x512xf32, #tpu.memory_space<vmem>>, vector<1x1x16xf32>,
      %parallel_loop3A_618 = vector.shape_cast %parallel_loop3A_617 : vector<1x1x16xf32> to vector<16xf32>
      %parallel_loop3A_619 = arith.constant 0 : i32
      %parallel_loop3A_620 = arith.index_cast %parallel_loop3A_619 : i32 to index
      %parallel_loop3A_621 = arith.index_cast %parallel_loop3A_218 : i32 to index
      %parallel_loop3A_622 = arith.constant 416 : index
      %parallel_loop3A_623 = tpu.vector_load %arg7[%parallel_loop3A_620, %parallel_loop3A_621, %parallel_loop3A_622] {strides = array<i32>} : memref<3x32x512xf32, #tpu.memory_space<vmem>>, vector<1x1x16xf32>,
      %parallel_loop3A_624 = vector.shape_cast %parallel_loop3A_623 : vector<1x1x16xf32> to vector<16xf32>
      %parallel_loop3A_625 = arith.subf %parallel_loop3A_618, %parallel_loop3A_624 : vector<16xf32>
      %parallel_loop3A_626 = arith.mulf %parallel_loop3A_625, %parallel_loop3A_625 : vector<16xf32>
      %parallel_loop3A_627 = arith.addf %parallel_loop3A_567, %parallel_loop3A_626 : vector<16xf32>
      %parallel_loop3A_628 = arith.constant 0 : i32
      %parallel_loop3A_629 = arith.index_cast %parallel_loop3A_628 : i32 to index
      %parallel_loop3A_630 = arith.index_cast %parallel_loop3A_218 : i32 to index
      %parallel_loop3A_631 = arith.constant 432 : index
      %parallel_loop3A_632 = tpu.vector_load %arg8[%parallel_loop3A_629, %parallel_loop3A_630, %parallel_loop3A_631] {strides = array<i32>} : memref<3x32x512xf32, #tpu.memory_space<vmem>>, vector<1x1x16xf32>,
      %parallel_loop3A_633 = vector.shape_cast %parallel_loop3A_632 : vector<1x1x16xf32> to vector<16xf32>
      %parallel_loop3A_634 = arith.constant 0 : i32
      %parallel_loop3A_635 = arith.index_cast %parallel_loop3A_634 : i32 to index
      %parallel_loop3A_636 = arith.index_cast %parallel_loop3A_218 : i32 to index
      %parallel_loop3A_637 = arith.constant 432 : index
      %parallel_loop3A_638 = tpu.vector_load %arg7[%parallel_loop3A_635, %parallel_loop3A_636, %parallel_loop3A_637] {strides = array<i32>} : memref<3x32x512xf32, #tpu.memory_space<vmem>>, vector<1x1x16xf32>,
      %parallel_loop3A_639 = vector.shape_cast %parallel_loop3A_638 : vector<1x1x16xf32> to vector<16xf32>
      %parallel_loop3A_640 = arith.subf %parallel_loop3A_633, %parallel_loop3A_639 : vector<16xf32>
      %parallel_loop3A_641 = arith.mulf %parallel_loop3A_640, %parallel_loop3A_640 : vector<16xf32>
      %parallel_loop3A_642 = arith.addf %parallel_loop3A_582, %parallel_loop3A_641 : vector<16xf32>
      %parallel_loop3A_643 = arith.constant 0 : i32
      %parallel_loop3A_644 = arith.index_cast %parallel_loop3A_643 : i32 to index
      %parallel_loop3A_645 = arith.index_cast %parallel_loop3A_218 : i32 to index
      %parallel_loop3A_646 = arith.constant 448 : index
      %parallel_loop3A_647 = tpu.vector_load %arg8[%parallel_loop3A_644, %parallel_loop3A_645, %parallel_loop3A_646] {strides = array<i32>} : memref<3x32x512xf32, #tpu.memory_space<vmem>>, vector<1x1x16xf32>,
      %parallel_loop3A_648 = vector.shape_cast %parallel_loop3A_647 : vector<1x1x16xf32> to vector<16xf32>
      %parallel_loop3A_649 = arith.constant 0 : i32
      %parallel_loop3A_650 = arith.index_cast %parallel_loop3A_649 : i32 to index
      %parallel_loop3A_651 = arith.index_cast %parallel_loop3A_218 : i32 to index
      %parallel_loop3A_652 = arith.constant 448 : index
      %parallel_loop3A_653 = tpu.vector_load %arg7[%parallel_loop3A_650, %parallel_loop3A_651, %parallel_loop3A_652] {strides = array<i32>} : memref<3x32x512xf32, #tpu.memory_space<vmem>>, vector<1x1x16xf32>,
      %parallel_loop3A_654 = vector.shape_cast %parallel_loop3A_653 : vector<1x1x16xf32> to vector<16xf32>
      %parallel_loop3A_655 = arith.subf %parallel_loop3A_648, %parallel_loop3A_654 : vector<16xf32>
      %parallel_loop3A_656 = arith.mulf %parallel_loop3A_655, %parallel_loop3A_655 : vector<16xf32>
      %parallel_loop3A_657 = arith.addf %parallel_loop3A_597, %parallel_loop3A_656 : vector<16xf32>
      %parallel_loop3A_658 = arith.constant 0 : i32
      %parallel_loop3A_659 = arith.index_cast %parallel_loop3A_658 : i32 to index
      %parallel_loop3A_660 = arith.index_cast %parallel_loop3A_218 : i32 to index
      %parallel_loop3A_661 = arith.constant 464 : index
      %parallel_loop3A_662 = tpu.vector_load %arg8[%parallel_loop3A_659, %parallel_loop3A_660, %parallel_loop3A_661] {strides = array<i32>} : memref<3x32x512xf32, #tpu.memory_space<vmem>>, vector<1x1x16xf32>,
      %parallel_loop3A_663 = vector.shape_cast %parallel_loop3A_662 : vector<1x1x16xf32> to vector<16xf32>
      %parallel_loop3A_664 = arith.constant 0 : i32
      %parallel_loop3A_665 = arith.index_cast %parallel_loop3A_664 : i32 to index
      %parallel_loop3A_666 = arith.index_cast %parallel_loop3A_218 : i32 to index
      %parallel_loop3A_667 = arith.constant 464 : index
      %parallel_loop3A_668 = tpu.vector_load %arg7[%parallel_loop3A_665, %parallel_loop3A_666, %parallel_loop3A_667] {strides = array<i32>} : memref<3x32x512xf32, #tpu.memory_space<vmem>>, vector<1x1x16xf32>,
      %parallel_loop3A_669 = vector.shape_cast %parallel_loop3A_668 : vector<1x1x16xf32> to vector<16xf32>
      %parallel_loop3A_670 = arith.subf %parallel_loop3A_663, %parallel_loop3A_669 : vector<16xf32>
      %parallel_loop3A_671 = arith.mulf %parallel_loop3A_670, %parallel_loop3A_670 : vector<16xf32>
      %parallel_loop3A_672 = arith.addf %parallel_loop3A_612, %parallel_loop3A_671 : vector<16xf32>
      %parallel_loop3A_673 = arith.constant 0 : i32
      %parallel_loop3A_674 = arith.index_cast %parallel_loop3A_673 : i32 to index
      %parallel_loop3A_675 = arith.index_cast %parallel_loop3A_218 : i32 to index
      %parallel_loop3A_676 = arith.constant 480 : index
      %parallel_loop3A_677 = tpu.vector_load %arg8[%parallel_loop3A_674, %parallel_loop3A_675, %parallel_loop3A_676] {strides = array<i32>} : memref<3x32x512xf32, #tpu.memory_space<vmem>>, vector<1x1x16xf32>,
      %parallel_loop3A_678 = vector.shape_cast %parallel_loop3A_677 : vector<1x1x16xf32> to vector<16xf32>
      %parallel_loop3A_679 = arith.constant 0 : i32
      %parallel_loop3A_680 = arith.index_cast %parallel_loop3A_679 : i32 to index
      %parallel_loop3A_681 = arith.index_cast %parallel_loop3A_218 : i32 to index
      %parallel_loop3A_682 = arith.constant 480 : index
      %parallel_loop3A_683 = tpu.vector_load %arg7[%parallel_loop3A_680, %parallel_loop3A_681, %parallel_loop3A_682] {strides = array<i32>} : memref<3x32x512xf32, #tpu.memory_space<vmem>>, vector<1x1x16xf32>,
      %parallel_loop3A_684 = vector.shape_cast %parallel_loop3A_683 : vector<1x1x16xf32> to vector<16xf32>
      %parallel_loop3A_685 = arith.subf %parallel_loop3A_678, %parallel_loop3A_684 : vector<16xf32>
      %parallel_loop3A_686 = arith.mulf %parallel_loop3A_685, %parallel_loop3A_685 : vector<16xf32>
      %parallel_loop3A_687 = arith.addf %parallel_loop3A_627, %parallel_loop3A_686 : vector<16xf32>
      %parallel_loop3A_688 = arith.constant 0 : i32
      %parallel_loop3A_689 = arith.index_cast %parallel_loop3A_688 : i32 to index
      %parallel_loop3A_690 = arith.index_cast %parallel_loop3A_218 : i32 to index
      %parallel_loop3A_691 = arith.constant 496 : index
      %parallel_loop3A_692 = tpu.vector_load %arg8[%parallel_loop3A_689, %parallel_loop3A_690, %parallel_loop3A_691] {strides = array<i32>} : memref<3x32x512xf32, #tpu.memory_space<vmem>>, vector<1x1x16xf32>,
      %parallel_loop3A_693 = vector.shape_cast %parallel_loop3A_692 : vector<1x1x16xf32> to vector<16xf32>
      %parallel_loop3A_694 = arith.constant 0 : i32
      %parallel_loop3A_695 = arith.index_cast %parallel_loop3A_694 : i32 to index
      %parallel_loop3A_696 = arith.index_cast %parallel_loop3A_218 : i32 to index
      %parallel_loop3A_697 = arith.constant 496 : index
      %parallel_loop3A_698 = tpu.vector_load %arg7[%parallel_loop3A_695, %parallel_loop3A_696, %parallel_loop3A_697] {strides = array<i32>} : memref<3x32x512xf32, #tpu.memory_space<vmem>>, vector<1x1x16xf32>,
      %parallel_loop3A_699 = vector.shape_cast %parallel_loop3A_698 : vector<1x1x16xf32> to vector<16xf32>
      %parallel_loop3A_700 = arith.subf %parallel_loop3A_693, %parallel_loop3A_699 : vector<16xf32>
      %parallel_loop3A_701 = arith.mulf %parallel_loop3A_700, %parallel_loop3A_700 : vector<16xf32>
      %parallel_loop3A_702 = arith.addf %parallel_loop3A_642, %parallel_loop3A_701 : vector<16xf32>
      scf.yield %parallel_loop3A_657, %parallel_loop3A_672, %parallel_loop3A_687, %parallel_loop3A_702 : vector<16xf32>, vector<16xf32>, vector<16xf32>, vector<16xf32>
    } {sc.loop_unroll_factor = 2 : i64, sc.parallel_access}
    %add3A_209 = arith.addf %parallel_loop3A_208#0, %parallel_loop3A_208#1 : vector<16xf32>
    %add3A_210 = arith.addf %parallel_loop3A_208#2, %parallel_loop3A_208#3 : vector<16xf32>
    %add3A_211 = arith.addf %add3A_209, %add3A_210 : vector<16xf32>
    %mul3A_212 = arith.constant 1.22070313E-4 : f32
    %mul3A_213 = vector.broadcast %mul3A_212 : f32 to vector<16xf32>
    %mul3A_214 = arith.mulf %add3A_211, %mul3A_213 : vector<16xf32>
    %swap3A = arith.constant 0 : index
    %swap3A_215 = tpu.vector_load %arg9[%swap3A] {strides = array<i32>} : memref<16xf32, #tpu.memory_space<vmem>>, vector<16xf32>,
    %swap3A_216 = vector.shape_cast %swap3A_215 : vector<16xf32> to vector<16xf32>
    %swap3A_217 = vector.shape_cast %mul3A_214 : vector<16xf32> to vector<16xf32>
    tpu.vector_store %arg9[%swap3A], %swap3A_217 {strides = array<i32>} : memref<16xf32, #tpu.memory_space<vmem>>, vector<16xf32>,
    "tpu.region"() ({
      %run_scoped3A = tpu.sem_alloc : memref<!tpu.dma_semaphore, #tpu.memory_space<semaphore_mem>>
      %dma_start3A_218 = arith.constant 0 : i32
      %dma_start3A_219 = tpu.memref_slice %arg5[%add3A, %dma_start3A_218] : memref<32x16xf32, #tpu.memory_space<hbm>> -> memref<1x16xf32, #tpu.memory_space<hbm>>
      %dma_start3A_220 = tpu.memref_squeeze %dma_start3A_219 : memref<1x16xf32, #tpu.memory_space<hbm>> -> memref<16xf32, #tpu.memory_space<hbm>>
      %dma_start3A_221 = arith.constant 0 : i32
      %dma_start3A_222 = tpu.memref_slice %arg5[%add3A, %dma_start3A_221] : memref<32x16xf32, #tpu.memory_space<hbm>> -> memref<1x16xf32, #tpu.memory_space<hbm>>
      %dma_start3A_223 = tpu.memref_squeeze %dma_start3A_222 : memref<1x16xf32, #tpu.memory_space<hbm>> -> memref<16xf32, #tpu.memory_space<hbm>>
      tpu.enqueue_dma source(%arg9 : memref<16xf32, #tpu.memory_space<vmem>>) target(%dma_start3A_223 : memref<16xf32, #tpu.memory_space<hbm>>) target_semaphore(%run_scoped3A : memref<!tpu.dma_semaphore, #tpu.memory_space<semaphore_mem>>)
      %dma_wait3A_224 = arith.constant 0 : i32
      %dma_wait3A_225 = tpu.memref_slice %arg5[%add3A, %dma_wait3A_224] : memref<32x16xf32, #tpu.memory_space<hbm>> -> memref<1x16xf32, #tpu.memory_space<hbm>>
      %dma_wait3A_226 = tpu.memref_squeeze %dma_wait3A_225 : memref<1x16xf32, #tpu.memory_space<hbm>> -> memref<16xf32, #tpu.memory_space<hbm>>
      %dma_wait3A_227 = arith.constant 0 : i32
      %dma_wait3A_228 = tpu.memref_slice %arg5[%add3A, %dma_wait3A_227] : memref<32x16xf32, #tpu.memory_space<hbm>> -> memref<1x16xf32, #tpu.memory_space<hbm>>
      %dma_wait3A_229 = tpu.memref_squeeze %dma_wait3A_228 : memref<1x16xf32, #tpu.memory_space<hbm>> -> memref<16xf32, #tpu.memory_space<hbm>>
      tpu.wait_dma2 semaphore(%run_scoped3A : memref<!tpu.dma_semaphore, #tpu.memory_space<semaphore_mem>>) src(%arg9 : memref<16xf32, #tpu.memory_space<vmem>>) dst(%dma_wait3A_229 : memref<16xf32, #tpu.memory_space<hbm>>)
      tpu.yield
    }) : () -> ()
    return
  }
}

</mosaic_0001>

<sc_bundles>
// kernel: kernel.3.cloned.1.call-start
scs
__scs_entry_jumppad:
0x0: {  	(pc) =	sbr.rel $0x88, $3  }
0x1: {  	(tag) =	ssettag $0x0;
	lr =	simm.s32 $0x1  }
0x2: {  	[smem:$0x3F9E] =	sst lr;
	_ =	strace $0xD0000000  }
0x3: {  	_ = 	snop  }
0x4: {  	_ = 	snop  }
0x5: {  	_ = 	snop  }
0x6: {  	_ = 	snop  }
0x7: {  	_ = 	snop  }
__scs_overlays_trampoline_lowered:
0x8: {  	[smem:$0x3FAD] =	sst s0  }
0x9: {  	[smem:$0x3FAE] =	sst s1  }
0xa: {  	[smem:$0x3FAF] =	sst s2  }
0xb: {  	[smem:$0x3FB0] =	sst s3  }
0xc: {  	[smem:$0x3FB1] =	sst s4  }
0xd: {  	[smem:$0x3FB2] =	sst s5  }
0xe: {  	[smem:$0x3FB3] =	sst s6  }
0xf: {  	[smem:$0x3FB4] =	sst s7  }
0x10: {  	[smem:$0x3FB5] =	sst s8  }
0x11: {  	[smem:$0x3FB6] =	sst s9;
	s0 =	simm.s32 @!p0 $0x0  }
0x12: {  	s1 =	sld [smem:$0x3F9C];
	s0 =	simm.s32 @p0 $0x1  }
0x13: {  	[smem:$0x3FB7] =	sst s0;
	s0 =	simm.s32 @!p1 $0x0  }
0x14: {  	s2 =	sld [smem:$0x3F9B];
	s0 =	simm.s32 @p1 $0x1  }
0x15: {  	[smem:$0x3FB8] =	sst s0;
	s0 =	simm.s32 @!p2 $0x0  }
0x16: {  	s3 =	sld [smem:$0x3FDB];
	s0 =	simm.s32 @p2 $0x1  }
0x17: {  	s4 =	simm.s32 $0x1BF5;
	[smem:$0x3FBA] =	sst s0  }
0x18: {  	s0 =	sld [smem:$0x3F9D];
	_ =	swait.ge [sflag:s4], $0x0  }
0x19: {  	s7 =	sld [smem:$0x3F9E]  }
0x1a: {  	s8 =	sadd.s32 $0xFFFFE003, lr  }
0x1b: {  	s9 =	sadd.s32 $0xFFFFFEF7, lr;
	s5 =	simm.s32 $0xFFFFFFFF;
	p2 =	slt.u32 s8, $0xFFFFF086  }
0x1c: {  	p1 =	slt.u32 s9, $0xF7A;
	s5 =	simm.s32 @!p2 $0x0  }
0x1d: {  	s5 =	simm.s32 @p1 $0x1;
	p0 =	seq.s32 s7, s2  }
0x1e: {  	s7 =	smul.u32 @!p0 $0xF7A, s2;
	p2 =	seq.s32 @!p0 s5, $0x0  }
0x1f: {  	s9 =	smul.u32 $0xF7A, s1;
	s8 =	simm.s32 @!p0 $0x1BF5;
	p2 =	por !p2, p0  }
0x20: {  	[sflag:s8] =	ssyncset.s32 @!p0 $0xFFFFF086;
	s6 =	sadd.s32 @!p0 s3, s7;
	s7 =	simm.s32 @!p0 $0x108  }
0x21: {  	s3 =	sadd.s32 s3, s9;
	s6 =	sadd.s32 @!p0 $0x88, s6;
	s7 =	simm.s32 @p2 $0x1082  }
0x22: {  	[simem:s7], [sflag:s8] =	dma.local @!p0 [hbm:s6], $0xF7A  }
0x23: {  	s9 =	sor.u32 $0xD0000000, s2;
	s6 =	simm.s32 $0x108;
	_ =	swait.ge @!p0 [sflag:s8], $0x0  }
0x24: {  	s3 =	sadd.s32 $0x88, s3;
	s6 =	simm.s32 @!p1 $0x1082;
	[sflag:s4] =	ssyncset.s32 $0xFFFFF086  }
0x25: {  	[simem:s6], [sflag:s4] =	dma.local [hbm:s3], $0xF7A  }
0x26: {  	[smem:$0x3F9E] =	sst s1;
	(tag) =	ssettag s2;
	_ =	strace s9  }
0x27: {  	s1 =	sld [smem:$0x3FAE]  }
0x28: {  	s2 =	sld [smem:$0x3FAF]  }
0x29: {  	s4 =	sld [smem:$0x3FB1]  }
0x2a: {  	p0 =	seq.s32 s5, $0x0;
	s5 =	sld [smem:$0x3FB2]  }
0x2b: {  	s6 =	sld [smem:$0x3FB3]  }
0x2c: {  	s7 =	sld [smem:$0x3FB4]  }
0x2d: {  	s3 =	simm.s32 $0x108;
	s8 =	sld [smem:$0x3FB5]  }
0x2e: {  	s3 =	simm.s32 @!p0 $0x1082;
	s9 =	sld [smem:$0x3FB6]  }
0x2f: {  	lr =	sadd.s32 s0, s3;
	s0 =	sld [smem:$0x3FAD]  }
0x30: {  	s3 =	sld [smem:$0x3FB0]  }
0x31: {  	[smem:$0x3FB9] =	sst s10  }
0x32: {  	s10 =	sld [smem:$0x3FB7];
	_ =	sdelay $0x3  }
0x33: {  	p0 =	seq.s32 s10, $0x1;
	s10 =	sld [smem:$0x3FB9];
	_ =	sdelay $0x3  }
0x34: {  	[smem:$0x3FB9] =	sst s10  }
0x35: {  	s10 =	sld [smem:$0x3FB8];
	_ =	sdelay $0x3  }
0x36: {  	p1 =	seq.s32 s10, $0x1;
	s10 =	sld [smem:$0x3FB9];
	_ =	sdelay $0x3  }
0x37: {  	[smem:$0x3FB9] =	sst s10  }
0x38: {  	s10 =	sld [smem:$0x3FBA]  }
0x39: {  	_ = 	snop;
	(pc) =	sbr.ind lr, $3  }
0x3a: {  	_ = 	snop  }
0x3b: {  	_ = 	snop  }
0x3c: {  	p2 =	seq.s32 s10, $0x1;
	s10 =	sld [smem:$0x3FB9]  }
0x3d: {  	_ =	shalt  }
0x3e: {  	_ =	shalt  }
0x3f: {  	_ =	shalt  }
0x40: {  	_ =	shalt  }
0x41: {  	_ =	shalt  }
0x42: {  	_ =	shalt  }
0x43: {  	_ =	shalt  }
0x44: {  	_ =	shalt  }
0x45: {  	_ =	shalt  }
0x46: {  	_ =	shalt  }
0x47: {  	_ =	shalt  }
0x48: {  	_ =	shalt  }
0x49: {  	_ =	shalt  }
0x4a: {  	_ =	shalt  }
0x4b: {  	_ =	shalt  }
0x4c: {  	_ =	shalt  }
0x4d: {  	_ =	shalt  }
0x4e: {  	_ =	shalt  }
0x4f: {  	_ =	shalt  }
0x50: {  	_ =	shalt  }
0x51: {  	_ =	shalt  }
0x52: {  	_ =	shalt  }
0x53: {  	_ =	shalt  }
0x54: {  	_ =	shalt  }
0x55: {  	_ =	shalt  }
0x56: {  	_ =	shalt  }
0x57: {  	_ =	shalt  }
0x58: {  	_ =	shalt  }
0x59: {  	_ =	shalt  }
0x5a: {  	_ =	shalt  }
0x5b: {  	_ =	shalt  }
0x5c: {  	_ =	shalt  }
0x5d: {  	_ =	shalt  }
0x5e: {  	_ =	shalt  }
0x5f: {  	_ =	shalt  }
0x60: {  	_ =	shalt  }
0x61: {  	_ =	shalt  }
0x62: {  	_ =	shalt  }
0x63: {  	_ =	shalt  }
0x64: {  	_ =	shalt  }
0x65: {  	_ =	shalt  }
0x66: {  	_ =	shalt  }
0x67: {  	_ =	shalt  }
0x68: {  	_ =	shalt  }
0x69: {  	_ =	shalt  }
0x6a: {  	_ =	shalt  }
0x6b: {  	_ =	shalt  }
0x6c: {  	_ =	shalt  }
0x6d: {  	_ =	shalt  }
0x6e: {  	_ =	shalt  }
0x6f: {  	_ =	shalt  }
0x70: {  	_ =	shalt  }
0x71: {  	_ =	shalt  }
0x72: {  	_ =	shalt  }
0x73: {  	_ =	shalt  }
0x74: {  	_ =	shalt  }
0x75: {  	_ =	shalt  }
0x76: {  	_ =	shalt  }
0x77: {  	_ =	shalt  }
0x78: {  	_ =	shalt  }
0x79: {  	_ =	shalt  }
0x7a: {  	_ =	shalt  }
0x7b: {  	_ =	shalt  }
0x7c: {  	_ =	shalt  }
0x7d: {  	_ =	shalt  }
0x7e: {  	_ =	shalt  }
0x7f: {  	_ =	shalt  }
0x80: {  	_ =	shalt  }
0x81: {  	_ =	shalt  }
0x82: {  	_ =	shalt  }
0x83: {  	_ =	shalt  }
0x84: {  	_ =	shalt  }
0x85: {  	_ =	shalt  }
0x86: {  	_ =	shalt  }
0x87: {  	_ =	shalt  }
.Lfunc_end0:
.L_simem_size_0:
called_computation_lowered:
.L_overlay_start_0:
0x88: {  	s2 =	sld [smem:$0x3FD9]  }
0x89: {  	s3 =	sld [smem:$0x3FFE];
	_ =	sdelay $0x1  }
0x8a: {  	s1 =	srdreg.scid  }
0x8b: {  	s0 =	sand.u32 $0x1, s1  }
0x8c: {  	s17 =	sshll.u32 s0, $0xA;
	s2 =	sadd.s32 s3, s2  }
0x8d: {  	s2 =	sadd.s32 s2, s17  }
0x8e: {  	[smem:$0x3FC5] =	sst s2  }
0x8f: {  	_ = 	snop  }
0x90: {  	s2 =	sld [smem:$0x3FC9]  }
0x91: {  	s18 =	sld [smem:$0x3FC8]  }
0x92: {  	s4 =	sld [smem:$0x3FC7];
	(tm) =	ssettm $0x1  }
0x93: {  	s5 =	sld [smem:$0x3FFB];
	_ =	sdelay $0x3  }
0x94: {  	_ =	strace s5  }
0x95: {  	s5 =	sld [smem:$0x3FFC];
	_ =	sdelay $0x3  }
0x96: {  	_ =	strace s5  }
0x97: {  	s5 =	sld [smem:$0x3FFD];
	_ =	sdelay $0x3  }
0x98: {  	_ =	strace s5  }
0x99: {  	_ =	strace $0x8FFFFFFF  }
0x9a: {  	s19 =	sld [smem:$0x3FDB];
	_ =	sdelay $0x1  }
0x9b: {  	s6 =	simm.s32 $_scs_section_size  }
0x9c: {  	s7 =	simm.s32 $_size__tile_overlayer_lowered;
	s8 =	simm.s32 $_tile_overlayer_lowered  }
0x9d: {  	s22 =	simm.s32 $0x1BFF;
	s21 =	sshll.u32 s8, $0x1;
	s5 =	sadd.s32 s6, s19  }
0x9e: {  	s9 =	simm.s32 $0x0;
	s20 =	sshll.u32 s7, $0x1;
	s7 =	sadd.s32 s21, s5  }
0x9f: {  	[timem:s9], [sflag:s22] =	dma.local [hbm:s7], s20  }
0xa0: {  	_ =	swait.ge [sflag:s22], s20  }
0xa1: {  	s6 =	ssub.s32 $0x0, s20;
	[sflag:s22] =	ssyncset.done $0x0  }
0xa2: {  	[sflag:s22] =	ssyncadd.s32 s6;
	_ =	sdelay $0x1  }
0xa3: {  	s23 =	simm.s32 $0x1B8B  }
0xa4: {  	_ =	swait.ge [sflag:s23], $0x1  }
0xa5: {  	[sflag:s23] =	ssyncset.done $0x0  }
0xa6: {  	s25 =	simm.s32 $0x1B8E;
	s24 =	sld [smem:$0x3FFE];
	[sflag:s23] =	ssyncadd.s32 $0xFFFFFFFF  }
0xa7: {  	s26 =	simm.s32 $execute0_lowered;
	[smem:$0x3FD2] =	sst s25  }
0xa8: {  	s7 =	sshll.u32 s26, $0x1;
	_ =	strace $0x80000046;
	[dreg:$0x1] =	wrdreg $0xFFFFFFFF  }
0xa9: {  	s28 =	simm.s32 $_size_execute0_lowered;
	s5 =	sadd.s32 s5, s7;
	[dreg:$0x0] =	wrdreg $0x0  }
0xaa: {  	s7 =	sshll.u32 s28, $0x1;
	[dreg:$0x2] =	wrdreg s5  }
0xab: {  	[dreg:$0x3] =	wrdreg s7  }
0xac: {  	[dreg:$0x4] =	wrdreg $0xC0  }
0xad: {  	_ =	task [dreg:s9], $0x5FFFF  }
0xae: {  	[dreg:$0x1] =	wrdreg $0xFFFFFFFF  }
0xaf: {  	[dreg:$0x0] =	wrdreg $0x60  }
0xb0: {  	[dreg:$0x2] =	wrdreg s2  }
0xb1: {  	[dreg:$0x3] =	wrdreg s18  }
0xb2: {  	[dreg:$0x4] =	wrdreg s4  }
0xb3: {  	[dreg:$0x5] =	wrdreg s24  }
0xb4: {  	[dreg:$0x6] =	wrdreg $0x9  }
0xb5: {  	_ =	task.clear_ibuf [dreg:s9], $0x7FFFF;
	_ =	strace $0x90000046  }
0xb6: {  	s29 =	simm.s32 $0x9;
	_ =	strace $0x80000048  }
0xb7: {  	_ =	swait.ge [sflag:s29], $0x1  }
0xb8: {  	[sflag:s29] =	ssyncadd.s32 $0xFFFFFFFF  }
0xb9: {  	_ =	strace $0x90000048  }
0xba: {  	_ =	sfence  }
0xbb: {  	s30 =	sld [smem:$0x0];
	_ =	sdelay $0x2  }
0xbc: {  	s31 =	sshll.u32 s1, $0xD;
	s1 =	sshrl.u32 s1, $0x2  }
0xbd: {  	s3 =	sand.u32 $0x4000, s31;
	s1 =	sadd.s32 s1, s30  }
0xbe: {  	s0 =	sor.u32 s3, s0;
	s1 =	sshll.u32 s1, $0x11  }
0xbf: {  	s0 =	sor.u32 s1, s0  }
0xc0: {  	s0 =	sadd.s32 $0x8F2B, s0  }
0xc1: {  	[sflag:s0] =	ssyncadd.remote.s32 $0x1  }
0xc2: {  	_ =	sfence.sel $0xFFFF  }
0xc3: {  	[dreg:$0x0] =	wrdreg $0xFFFFFFFF;
	(pc) =	sbr.abs _section_cstart, $3  }
0xc4: {  	[dreg:$0x1] =	wrdreg $0xFFFFFFFF  }
0xc5: {  	_ =	task.clear_ibuf [dreg:s9], $0x2FFFF;
	_ =	strace $0x9FFFFFFF  }
0xc6: {  	(tm) =	ssettm $0x7FFFFFFF  }
0xc7: {  	_ =	shalt  }
tec
execute0_lowered:
.L_overlay_start_1:
0x0: {  	(tag) =	ssettag $0x1  }
0x1: {  	s0 =	rddreg [dreg:$0x0]  }
0x2: {  	s1 =	rddreg [dreg:$0x1]  }
0x3: {  	s2 =	rddreg [dreg:$0x2]  }
0x4: {  	s10 =	rddreg [dreg:$0x3];
	s3 =	simm.s32 $0x0  }
0x5: {  	s4 =	srdreg.scid;
	s5 =	stileid.u32;
	s14 =	simm.s32 $0x880  }
0x6: {  	s15 =	simm.s32 $0x1080;
	s16 =	simm.s32 $0x1880;
	s17 =	simm.s32 $0x2080  }
0x7: {  	s18 =	simm.s32 $0x2880;
	s19 =	simm.s32 $0x3080;
	s20 =	simm.s32 $0x3880  }
0x8: {  	s21 =	simm.s32 $0xC080;
	s30 =	simm.s32 $0x1;
	s31 =	simm.s32 $0x4  }
0x9: {  	s22 =	simm.s32 $0x3;
	s23 =	simm.s32 $0x6;
	s25 =	simm.s32 $0x0  }
0xa: {  	[smem:$0x7FF] =	sst s3;
	s4 =	sand.u32 $0x1, s4;
	s5 =	sshll.u32 s5, $0x1  }
0xb: {  	_ =	strace $0x80000047;
	s6 =	ssub.s32 $0x2, s4;
	s4 =	sor.u32 s4, s5  }
0xc: {  	v2 =	vlaneseq.u32;
	s29 =	sshrl.u32 s6, $0x1;
	s11 =	sshll.u32 s4, $0x4;
	s7 =	sshll.u32 s4, $0xD  }
0xd: {  	v0 =	vand.u32 $0x7, v2;
	v1 =	vshrl.u32 v2, $0x3;
	s12 =	ssub.s32 s6, s29;
	s4 =	sadd.s32 s2, s11;
	s5 =	sadd.s32 s0, s7  }
0xe: {  	v2 =	vor.u32 $0x8, v2;
	v1 =	vmul.u32 $0x8, v1;
	[tilespmem:$0x1FFD0] =	vst v0;
	s6 =	sadd.s32 $0x100, s1;
	s10 =	sadd.s32 s10, s11;
	s0 =	simm.s32 $0x2  }
0xf: {  	[tilespmem:$0x1FFF0] =	vst v2;
	s2 =	simm.s32 $0x5;
	s7 =	sadd.s32 $0x800, s5;
	s8 =	sadd.s32 $0x1000, s5  }
0x10: {  	vm0 =	vmmov $0xffff;
	[tilespmem:$0x1FFE0] =	vst v1;
	s9 =	sadd.s32 $0x1800, s5;
	s11 =	smax.u32 s12, $0x1;
	s12 =	simm.s32 $0x7  }
.LBB2_1:
0x11: {  	[tilespmem:s3], [sflag:$0x7] =	stream.linear.gather [hbm4b:s4+s3], $0x80, $0x38;
	[tilespmem:$0x18100] =	vst v63  }
0x12: {  	_ =	swait.ge [sflag:s12], $0x80  }
0x13: {  	[sflag:s12] =	ssyncset.done $0x0  }
0x14: {  	[sflag:s12] =	ssyncadd.s32 $0xFFFFFF80  }
0x15: {  	v3 =	vld [tilespmem:$0x0];
	_ =	sdelay $0x4  }
0x16: {  	v4 =	vshll.u32 v3, $0x2  }
0x17: {  	v3 =	vand.u32 $0x7, v3;
	v4 =	vand.u32 $0xFFFFFFE0, v4  }
0x18: {  	v3 =	vor.u32 v3, v4  }
0x19: {  	v4 =	vperm.xlane v3, v0;
	_ =	sdelay $0x1  }
0x1a: {  	v4 =	vadd.s32 v1, v4;
	_ =	sdelay $0x1  }
0x1b: {  	v3 =	vperm.xlane v3, v2;
	_ =	sdelay $0x1  }
0x1c: {  	s13 =	simm.s32 $0x80;
	v3 =	vadd.s32 v1, v3  }
0x1d: {  	[tilespmem:s13], [sflag:$0x1] =	stream.indirect_vreg.gather [hbm4b:s1+s3], $0x80, v4, vm0, $0xb8;
	[tilespmem:$0x18100] =	vst v63  }
0x1e: {  	_ = 	snop  }
0x1f: {  	[tilespmem:s14], [sflag:$0x1] =	stream.indirect_vreg.gather [hbm4b:s6+s3], $0x80, v4, vm0, $0xb8;
	[tilespmem:$0x18100] =	vst v63  }
0x20: {  	_ = 	snop  }
0x21: {  	[tilespmem:s15], [sflag:$0x1] =	stream.indirect_vreg.gather [hbm4b:s1+s3], $0x80, v3, vm0, $0xb8;
	[tilespmem:$0x18100] =	vst v63  }
0x22: {  	_ = 	snop  }
0x23: {  	[tilespmem:s16], [sflag:$0x1] =	stream.indirect_vreg.gather [hbm4b:s6+s3], $0x80, v3, vm0, $0xb8;
	[tilespmem:$0x18100] =	vst v63  }
0x24: {  	v3 =	vld [tilespmem:$0x10];
	_ =	sdelay $0x4  }
0x25: {  	v4 =	vshll.u32 v3, $0x2  }
0x26: {  	v3 =	vand.u32 $0x7, v3;
	v4 =	vand.u32 $0xFFFFFFE0, v4  }
0x27: {  	v3 =	vor.u32 v3, v4  }
0x28: {  	v4 =	vperm.xlane v3, v0;
	_ =	sdelay $0x1  }
0x29: {  	v4 =	vadd.s32 v1, v4;
	_ =	sdelay $0x1  }
0x2a: {  	v3 =	vperm.xlane v3, v2;
	_ =	sdelay $0x1  }
0x2b: {  	v3 =	vadd.s32 v1, v3  }
0x2c: {  	[tilespmem:s17], [sflag:$0x1] =	stream.indirect_vreg.gather [hbm4b:s1+s3], $0x80, v4, vm0, $0xb8;
	[tilespmem:$0x18100] =	vst v63  }
0x2d: {  	_ = 	snop  }
0x2e: {  	[tilespmem:s18], [sflag:$0x1] =	stream.indirect_vreg.gather [hbm4b:s6+s3], $0x80, v4, vm0, $0xb8;
	[tilespmem:$0x18100] =	vst v63  }
0x2f: {  	_ = 	snop  }
0x30: {  	[tilespmem:s19], [sflag:$0x1] =	stream.indirect_vreg.gather [hbm4b:s1+s3], $0x80, v3, vm0, $0xb8;
	[tilespmem:$0x18100] =	vst v63  }
0x31: {  	_ = 	snop  }
0x32: {  	[tilespmem:s20], [sflag:$0x1] =	stream.indirect_vreg.gather [hbm4b:s6+s3], $0x80, v3, vm0, $0xb8;
	[tilespmem:$0x18100] =	vst v63  }
0x33: {  	_ = 	snop  }
0x34: {  	[tilespmem:s21], [sflag:$0x4] =	stream.linear.gather [hbm4b:s5+s3], $0x4000, $0x38;
	[tilespmem:$0x18100] =	vst v63  }
0x35: {  	v3 =	vld [tilespmem:$0x20];
	_ =	sdelay $0x4  }
0x36: {  	v4 =	vshll.u32 v3, $0x2  }
0x37: {  	v3 =	vand.u32 $0x7, v3;
	v4 =	vand.u32 $0xFFFFFFE0, v4  }
0x38: {  	v3 =	vor.u32 v3, v4  }
0x39: {  	v4 =	vperm.xlane v3, v0;
	_ =	sdelay $0x1  }
0x3a: {  	v4 =	vadd.s32 v1, v4;
	_ =	sdelay $0x1  }
0x3b: {  	v3 =	vperm.xlane v3, v2;
	_ =	sdelay $0x1  }
0x3c: {  	s24 =	simm.s32 $0x4080;
	v3 =	vadd.s32 v1, v3  }
0x3d: {  	[tilespmem:s24], [sflag:$0x2] =	stream.indirect_vreg.gather [hbm4b:s1+s3], $0x80, v4, vm0, $0xb8;
	[tilespmem:$0x18100] =	vst v63  }
0x3e: {  	s26 =	simm.s32 $0x4880  }
0x3f: {  	[tilespmem:s26], [sflag:$0x2] =	stream.indirect_vreg.gather [hbm4b:s6+s3], $0x80, v4, vm0, $0xb8;
	[tilespmem:$0x18100] =	vst v63  }
0x40: {  	s24 =	simm.s32 $0x5080  }
0x41: {  	[tilespmem:s24], [sflag:$0x2] =	stream.indirect_vreg.gather [hbm4b:s1+s3], $0x80, v3, vm0, $0xb8;
	[tilespmem:$0x18100] =	vst v63  }
0x42: {  	s26 =	simm.s32 $0x5880  }
0x43: {  	[tilespmem:s26], [sflag:$0x2] =	stream.indirect_vreg.gather [hbm4b:s6+s3], $0x80, v3, vm0, $0xb8;
	[tilespmem:$0x18100] =	vst v63  }
0x44: {  	v3 =	vld [tilespmem:$0x30];
	_ =	sdelay $0x4  }
0x45: {  	v4 =	vshll.u32 v3, $0x2  }
0x46: {  	v3 =	vand.u32 $0x7, v3;
	v4 =	vand.u32 $0xFFFFFFE0, v4  }
0x47: {  	v3 =	vor.u32 v3, v4  }
0x48: {  	v4 =	vperm.xlane v3, v0;
	_ =	sdelay $0x1  }
0x49: {  	v4 =	vadd.s32 v1, v4;
	_ =	sdelay $0x1  }
0x4a: {  	v3 =	vperm.xlane v3, v2;
	_ =	sdelay $0x1  }
0x4b: {  	s24 =	simm.s32 $0x6080;
	v3 =	vadd.s32 v1, v3  }
0x4c: {  	[tilespmem:s24], [sflag:$0x2] =	stream.indirect_vreg.gather [hbm4b:s1+s3], $0x80, v4, vm0, $0xb8;
	[tilespmem:$0x18100] =	vst v63  }
0x4d: {  	s26 =	simm.s32 $0x6880  }
0x4e: {  	[tilespmem:s26], [sflag:$0x2] =	stream.indirect_vreg.gather [hbm4b:s6+s3], $0x80, v4, vm0, $0xb8;
	[tilespmem:$0x18100] =	vst v63  }
0x4f: {  	s24 =	simm.s32 $0x7080  }
0x50: {  	[tilespmem:s24], [sflag:$0x2] =	stream.indirect_vreg.gather [hbm4b:s1+s3], $0x80, v3, vm0, $0xb8;
	[tilespmem:$0x18100] =	vst v63  }
0x51: {  	s26 =	simm.s32 $0x7880  }
0x52: {  	[tilespmem:s26], [sflag:$0x2] =	stream.indirect_vreg.gather [hbm4b:s6+s3], $0x80, v3, vm0, $0xb8;
	[tilespmem:$0x18100] =	vst v63  }
0x53: {  	s24 =	simm.s32 $0x10080  }
0x54: {  	[tilespmem:s24], [sflag:$0x5] =	stream.linear.gather [hbm4b:s7+s3], $0x4000, $0x38;
	[tilespmem:$0x18100] =	vst v63  }
0x55: {  	v3 =	vld [tilespmem:$0x40];
	_ =	sdelay $0x4  }
0x56: {  	v4 =	vshll.u32 v3, $0x2  }
0x57: {  	v3 =	vand.u32 $0x7, v3;
	v4 =	vand.u32 $0xFFFFFFE0, v4  }
0x58: {  	v3 =	vor.u32 v3, v4  }
0x59: {  	v4 =	vperm.xlane v3, v0;
	_ =	sdelay $0x1  }
0x5a: {  	v4 =	vadd.s32 v1, v4;
	_ =	sdelay $0x1  }
0x5b: {  	v3 =	vperm.xlane v3, v2;
	_ =	sdelay $0x1  }
0x5c: {  	s26 =	simm.s32 $0x8080;
	v3 =	vadd.s32 v1, v3  }
0x5d: {  	[tilespmem:s26], [sflag:$0x3] =	stream.indirect_vreg.gather [hbm4b:s1+s3], $0x80, v4, vm0, $0xb8;
	[tilespmem:$0x18100] =	vst v63  }
0x5e: {  	s24 =	simm.s32 $0x8880  }
0x5f: {  	[tilespmem:s24], [sflag:$0x3] =	stream.indirect_vreg.gather [hbm4b:s6+s3], $0x80, v4, vm0, $0xb8;
	[tilespmem:$0x18100] =	vst v63  }
0x60: {  	s26 =	simm.s32 $0x9080  }
0x61: {  	[tilespmem:s26], [sflag:$0x3] =	stream.indirect_vreg.gather [hbm4b:s1+s3], $0x80, v3, vm0, $0xb8;
	[tilespmem:$0x18100] =	vst v63  }
0x62: {  	s24 =	simm.s32 $0x9880  }
0x63: {  	[tilespmem:s24], [sflag:$0x3] =	stream.indirect_vreg.gather [hbm4b:s6+s3], $0x80, v3, vm0, $0xb8;
	[tilespmem:$0x18100] =	vst v63  }
0x64: {  	v3 =	vld [tilespmem:$0x50];
	_ =	sdelay $0x4  }
0x65: {  	v4 =	vshll.u32 v3, $0x2  }
0x66: {  	v3 =	vand.u32 $0x7, v3;
	v4 =	vand.u32 $0xFFFFFFE0, v4  }
0x67: {  	v3 =	vor.u32 v3, v4  }
0x68: {  	v4 =	vperm.xlane v3, v0;
	_ =	sdelay $0x1  }
0x69: {  	v4 =	vadd.s32 v1, v4;
	_ =	sdelay $0x1  }
0x6a: {  	v3 =	vperm.xlane v3, v2;
	_ =	sdelay $0x1  }
0x6b: {  	s26 =	simm.s32 $0xA080;
	v3 =	vadd.s32 v1, v3  }
0x6c: {  	[tilespmem:s26], [sflag:$0x3] =	stream.indirect_vreg.gather [hbm4b:s1+s3], $0x80, v4, vm0, $0xb8;
	[tilespmem:$0x18100] =	vst v63  }
0x6d: {  	s24 =	simm.s32 $0xA880  }
0x6e: {  	[tilespmem:s24], [sflag:$0x3] =	stream.indirect_vreg.gather [hbm4b:s6+s3], $0x80, v4, vm0, $0xb8;
	[tilespmem:$0x18100] =	vst v63  }
0x6f: {  	s26 =	simm.s32 $0xB080  }
0x70: {  	[tilespmem:s26], [sflag:$0x3] =	stream.indirect_vreg.gather [hbm4b:s1+s3], $0x80, v3, vm0, $0xb8;
	[tilespmem:$0x18100] =	vst v63  }
0x71: {  	s24 =	simm.s32 $0xB880  }
0x72: {  	[tilespmem:s24], [sflag:$0x3] =	stream.indirect_vreg.gather [hbm4b:s6+s3], $0x80, v3, vm0, $0xb8;
	[tilespmem:$0x18100] =	vst v63  }
0x73: {  	s26 =	simm.s32 $0x14080  }
0x74: {  	[tilespmem:s26], [sflag:$0x6] =	stream.linear.gather [hbm4b:s8+s3], $0x4000, $0x38;
	[tilespmem:$0x18100] =	vst v63  }
0x75: {  	_ =	swait.ge [sflag:s30], $0x4000  }
0x76: {  	[sflag:s30] =	ssyncset.done $0x0  }
0x77: {  	[sflag:s30] =	ssyncadd.s32 $0xFFFFC000  }
0x78: {  	_ =	swait.ge [sflag:s31], $0x4000  }
0x79: {  	s24 =	sand.u32 $0x3000, s3;
	s26 =	sand.u32 $0x380, s3;
	[sflag:s31] =	ssyncset.done $0x0  }
0x7a: {  	s26 =	sor.u32 s26, s24;
	[sflag:s31] =	ssyncadd.s32 $0xFFFFC000  }
0x7b: {  	v3 =	vld [tilespmem:s26+$0xCCC0]  }
0x7c: {  	v4 =	vld [tilespmem:s26+$0xCC0]  }
0x7d: {  	v5 =	vld [tilespmem:s26+$0xCCD0]  }
0x7e: {  	v6 =	vld [tilespmem:s26+$0xCD0]  }
0x7f: {  	v7 =	vld [tilespmem:s26+$0xCCE0]  }
0x80: {  	v8 =	vld [tilespmem:s26+$0xCE0]  }
0x81: {  	v9 =	vld [tilespmem:s26+$0xCCF0]  }
0x82: {  	v10 =	vld [tilespmem:s26+$0xCF0]  }
0x83: {  	v11 =	vld [tilespmem:s26+$0xCC80]  }
0x84: {  	v12 =	vld [tilespmem:s26+$0xC80]  }
0x85: {  	v13 =	vld [tilespmem:s26+$0xCC90]  }
0x86: {  	v14 =	vld [tilespmem:s26+$0xC90]  }
0x87: {  	v19 =	vld [tilespmem:s26+$0xCCA0]  }
0x88: {  	v20 =	vld [tilespmem:s26+$0xCA0]  }
0x89: {  	v22 =	vld [tilespmem:s26+$0xCCB0]  }
0x8a: {  	v23 =	vld [tilespmem:s26+$0xCB0]  }
0x8b: {  	v21 =	vld [tilespmem:s26+$0xC8C0]  }
0x8c: {  	v24 =	vld [tilespmem:s26+$0x8C0]  }
0x8d: {  	v26 =	vld [tilespmem:s26+$0xC8D0]  }
0x8e: {  	v27 =	vld [tilespmem:s26+$0x8D0]  }
0x8f: {  	v28 =	vld [tilespmem:s26+$0xC8E0]  }
0x90: {  	v30 =	vld [tilespmem:s26+$0x8E0]  }
0x91: {  	v36 =	vld [tilespmem:s26+$0xC8F0]  }
0x92: {  	v37 =	vld [tilespmem:s26+$0x8F0]  }
0x93: {  	v38 =	vld [tilespmem:s26+$0xC880]  }
0x94: {  	v39 =	vld [tilespmem:s26+$0x880]  }
0x95: {  	v40 =	vld [tilespmem:s26+$0xC890]  }
0x96: {  	v41 =	vld [tilespmem:s26+$0x890]  }
0x97: {  	v42 =	vld [tilespmem:s26+$0xC8A0]  }
0x98: {  	v43 =	vld [tilespmem:s26+$0x8A0]  }
0x99: {  	v44 =	vld [tilespmem:s26+$0xC8B0]  }
0x9a: {  	v45 =	vld [tilespmem:s26+$0x8B0]  }
0x9b: {  	v46 =	vld [tilespmem:s26+$0xC4C0]  }
0x9c: {  	v47 =	vld [tilespmem:s26+$0x4C0]  }
0x9d: {  	v48 =	vld [tilespmem:s26+$0xC4D0]  }
0x9e: {  	v49 =	vld [tilespmem:s26+$0x4D0]  }
0x9f: {  	v50 =	vld [tilespmem:s26+$0xC4E0]  }
0xa0: {  	v51 =	vld [tilespmem:s26+$0x4E0]  }
0xa1: {  	v52 =	vld [tilespmem:s26+$0xC4F0]  }
0xa2: {  	v53 =	vld [tilespmem:s26+$0x4F0]  }
0xa3: {  	v54 =	vld [tilespmem:s26+$0xC480]  }
0xa4: {  	v55 =	vld [tilespmem:s26+$0x480]  }
0xa5: {  	v56 =	vld [tilespmem:s26+$0xC490]  }
0xa6: {  	v57 =	vld [tilespmem:s26+$0x490]  }
0xa7: {  	v58 =	vld [tilespmem:s26+$0xC4A0]  }
0xa8: {  	v59 =	vld [tilespmem:s26+$0x4A0]  }
0xa9: {  	v31 =	vld [tilespmem:s26+$0xC4B0]  }
0xaa: {  	v33 =	vld [tilespmem:s26+$0x4B0];
	v15 =	vsub.f32 v3, v4  }
0xab: {  	v29 =	vld [tilespmem:s26+$0xC0C0];
	v16 =	vsub.f32 v5, v6;
	v4 =	vsub.f32 v7, v8  }
0xac: {  	v34 =	vld [tilespmem:s26+$0xC0];
	v17 =	vsub.f32 v11, v12;
	v3 =	vsub.f32 v9, v10  }
0xad: {  	v32 =	vld [tilespmem:s26+$0xC0D0];
	v18 =	vsub.f32 v13, v14;
	v6 =	vsub.f32 v19, v20  }
0xae: {  	v35 =	vld [tilespmem:s26+$0xD0];
	v21 =	vsub.f32 v21, v24;
	v5 =	vsub.f32 v22, v23  }
0xaf: {  	v25 =	vld [tilespmem:s26+$0xC0E0];
	v22 =	vsub.f32 v26, v27;
	v8 =	vsub.f32 v28, v30  }
0xb0: {  	v26 =	vld [tilespmem:s26+$0xE0];
	v23 =	vsub.f32 v38, v39;
	v7 =	vsub.f32 v36, v37  }
0xb1: {  	v38 =	vld [tilespmem:s26+$0xC080];
	v24 =	vsub.f32 v40, v41;
	v14 =	vsub.f32 v42, v43  }
0xb2: {  	v40 =	vld [tilespmem:s26+$0x80];
	v28 =	vsub.f32 v46, v47;
	v13 =	vsub.f32 v44, v45  }
0xb3: {  	v39 =	vld [tilespmem:s26+$0xC090];
	v30 =	vsub.f32 v48, v49;
	v20 =	vsub.f32 v50, v51  }
0xb4: {  	v41 =	vld [tilespmem:s26+$0x90];
	v36 =	vsub.f32 v54, v55;
	v19 =	vsub.f32 v52, v53  }
0xb5: {  	v11 =	vimm.f32 $0.0e+00;
	v42 =	vld [tilespmem:s26+$0xC0A0];
	v37 =	vsub.f32 v56, v57;
	v27 =	vsub.f32 v58, v59  }
0xb6: {  	s28 =	simm.s32 $0x200;
	s29 =	simm.s32 $0x0;
	v49 =	vld [tilespmem:s26+$0xA0];
	v12 =	vimm.f32 $0.0e+00;
	v10 =	vimm.f32 $0.0e+00;
	v9 =	vimm.f32 $0.0e+00  }
.LBB2_2:
0xb7: {  	p0 =	sne.s32 s28, $0x3E00;
	v43 =	vld [tilespmem:s26+$0xC0B0];
	v31 =	vsub.f32 v31, v33;
	v33 =	vmul.f32 v15, v15;
	v44 =	vmul.f32 v16, v16  }
0xb8: {  	v29 =	vsub.f32 v29, v34;
	v34 =	vmul.f32 v17, v17;
	v46 =	vmul.f32 v18, v18;
	s29 =	sadd.s32 $0x80, s29;
	v45 =	vld [tilespmem:s26+$0xB0]  }
0xb9: {  	s24 =	sand.u32 $0x3000, s28;
	v18 =	vsub.f32 v32, v35;
	v35 =	vmul.f32 v21, v21;
	v47 =	vmul.f32 v22, v22;
	s13 =	sand.u32 $0x380, s29;
	v32 =	vld [tilespmem:s26+$0xC0F0]  }
0xba: {  	v21 =	vsub.f32 v38, v40;
	v38 =	vmul.f32 v23, v23;
	v40 =	vmul.f32 v24, v24;
	v22 =	vld [tilespmem:s26+$0xF0];
	s26 =	sor.u32 s13, s24  }
0xbb: {  	v28 =	vmul.f32 v28, v28;
	v30 =	vmul.f32 v30, v30;
	v23 =	vsub.f32 v39, v41;
	v15 =	vld [tilespmem:s26+$0xCCC0]  }
0xbc: {  	v36 =	vmul.f32 v36, v36;
	v37 =	vmul.f32 v37, v37;
	v24 =	vsub.f32 v42, v49;
	v16 =	vld [tilespmem:s26+$0xCC0]  }
0xbd: {  	v29 =	vmul.f32 v29, v29;
	v41 =	vmul.f32 v18, v18;
	v17 =	vld [tilespmem:s26+$0xCCD0];
	v39 =	vsub.f32 v43, v45  }
0xbe: {  	v25 =	vsub.f32 v25, v26;
	v42 =	vmul.f32 v21, v21;
	v23 =	vmul.f32 v23, v23;
	v18 =	vld [tilespmem:s26+$0xCD0]  }
0xbf: {  	v24 =	vmul.f32 v24, v24;
	v21 =	vld [tilespmem:s26+$0xCCE0];
	v26 =	vmul.f32 v39, v39;
	v32 =	vsub.f32 v32, v22  }
0xc0: {  	v25 =	vmul.f32 v25, v25;
	v11 =	vadd.f32 v42, v11;
	v12 =	vadd.f32 v23, v12;
	v22 =	vld [tilespmem:s26+$0xCE0]  }
0xc1: {  	v10 =	vadd.f32 v24, v10;
	v23 =	vld [tilespmem:s26+$0xCCF0];
	v9 =	vadd.f32 v26, v9;
	v26 =	vmul.f32 v32, v32  }
0xc2: {  	v27 =	vmul.f32 v27, v27;
	v11 =	vadd.f32 v29, v11;
	v12 =	vadd.f32 v41, v12;
	v24 =	vld [tilespmem:s26+$0xCF0]  }
0xc3: {  	v10 =	vadd.f32 v25, v10;
	v25 =	vmul.f32 v31, v31;
	v39 =	vld [tilespmem:s26+$0xCC80];
	v9 =	vadd.f32 v26, v9  }
0xc4: {  	v20 =	vmul.f32 v20, v20;
	v11 =	vadd.f32 v36, v11;
	v12 =	vadd.f32 v37, v12;
	v26 =	vld [tilespmem:s26+$0xC80]  }
0xc5: {  	v19 =	vmul.f32 v19, v19;
	v10 =	vadd.f32 v27, v10;
	v36 =	vld [tilespmem:s26+$0xCC90];
	v9 =	vadd.f32 v25, v9  }
0xc6: {  	v14 =	vmul.f32 v14, v14;
	v11 =	vadd.f32 v28, v11;
	v12 =	vadd.f32 v30, v12;
	v25 =	vld [tilespmem:s26+$0xC90]  }
0xc7: {  	v13 =	vmul.f32 v13, v13;
	v10 =	vadd.f32 v20, v10;
	v27 =	vld [tilespmem:s26+$0xCCA0];
	v9 =	vadd.f32 v19, v9  }
0xc8: {  	v8 =	vmul.f32 v8, v8;
	v11 =	vadd.f32 v38, v11;
	v12 =	vadd.f32 v40, v12;
	v19 =	vld [tilespmem:s26+$0xCA0]  }
0xc9: {  	v7 =	vmul.f32 v7, v7;
	v10 =	vadd.f32 v14, v10;
	v20 =	vld [tilespmem:s26+$0xCCB0];
	v9 =	vadd.f32 v13, v9  }
0xca: {  	v6 =	vmul.f32 v6, v6;
	v11 =	vadd.f32 v35, v11;
	v12 =	vadd.f32 v47, v12;
	v13 =	vld [tilespmem:s26+$0xCB0]  }
0xcb: {  	v5 =	vmul.f32 v5, v5;
	v8 =	vadd.f32 v8, v10;
	v14 =	vld [tilespmem:s26+$0xC8C0];
	v7 =	vadd.f32 v7, v9  }
0xcc: {  	v4 =	vmul.f32 v4, v4;
	v10 =	vadd.f32 v46, v12;
	v9 =	vadd.f32 v34, v11;
	v28 =	vld [tilespmem:s26+$0x8C0]  }
0xcd: {  	v3 =	vmul.f32 v3, v3;
	v6 =	vadd.f32 v6, v8;
	v30 =	vld [tilespmem:s26+$0xC8D0];
	v5 =	vadd.f32 v5, v7  }
0xce: {  	v12 =	vadd.f32 v44, v10;
	v11 =	vadd.f32 v33, v9;
	v7 =	vld [tilespmem:s26+$0x8D0]  }
0xcf: {  	v10 =	vadd.f32 v4, v6;
	v8 =	vld [tilespmem:s26+$0xC8E0];
	v9 =	vadd.f32 v3, v5  }
0xd0: {  	v37 =	vld [tilespmem:s26+$0x8E0]  }
0xd1: {  	v40 =	vld [tilespmem:s26+$0xC8F0]  }
0xd2: {  	v41 =	vld [tilespmem:s26+$0x8F0]  }
0xd3: {  	v42 =	vld [tilespmem:s26+$0xC880]  }
0xd4: {  	v43 =	vld [tilespmem:s26+$0x880]  }
0xd5: {  	v44 =	vld [tilespmem:s26+$0xC890]  }
0xd6: {  	v45 =	vld [tilespmem:s26+$0x890]  }
0xd7: {  	v46 =	vld [tilespmem:s26+$0xC8A0]  }
0xd8: {  	v47 =	vld [tilespmem:s26+$0x8A0]  }
0xd9: {  	v48 =	vld [tilespmem:s26+$0xC8B0]  }
0xda: {  	v49 =	vld [tilespmem:s26+$0x8B0]  }
0xdb: {  	v50 =	vld [tilespmem:s26+$0xC4C0]  }
0xdc: {  	v51 =	vld [tilespmem:s26+$0x4C0]  }
0xdd: {  	v52 =	vld [tilespmem:s26+$0xC4D0]  }
0xde: {  	v53 =	vld [tilespmem:s26+$0x4D0]  }
0xdf: {  	v54 =	vld [tilespmem:s26+$0xC4E0]  }
0xe0: {  	v55 =	vld [tilespmem:s26+$0x4E0]  }
0xe1: {  	v56 =	vld [tilespmem:s26+$0xC4F0]  }
0xe2: {  	v57 =	vld [tilespmem:s26+$0x4F0]  }
0xe3: {  	v58 =	vld [tilespmem:s26+$0xC480]  }
0xe4: {  	v59 =	vld [tilespmem:s26+$0x480]  }
0xe5: {  	v60 =	vld [tilespmem:s26+$0xC490]  }
0xe6: {  	v61 =	vld [tilespmem:s26+$0x490]  }
0xe7: {  	v62 =	vld [tilespmem:s26+$0xC4A0]  }
0xe8: {  	v63 =	vld [tilespmem:s26+$0x4A0]  }
0xe9: {  	v31 =	vld [tilespmem:s26+$0xC4B0]  }
0xea: {  	v33 =	vld [tilespmem:s26+$0x4B0]  }
0xeb: {  	v15 =	vsub.f32 v15, v16;
	v29 =	vld [tilespmem:s26+$0xC0C0]  }
0xec: {  	v16 =	vsub.f32 v17, v18;
	v4 =	vsub.f32 v21, v22;
	v34 =	vld [tilespmem:s26+$0xC0]  }
0xed: {  	v17 =	vsub.f32 v39, v26;
	v3 =	vsub.f32 v23, v24;
	v32 =	vld [tilespmem:s26+$0xC0D0]  }
0xee: {  	v18 =	vsub.f32 v36, v25;
	v6 =	vsub.f32 v27, v19;
	v35 =	vld [tilespmem:s26+$0xD0]  }
0xef: {  	v5 =	vsub.f32 v20, v13;
	v21 =	vsub.f32 v14, v28;
	v25 =	vld [tilespmem:s26+$0xC0E0]  }
0xf0: {  	v22 =	vsub.f32 v30, v7;
	v8 =	vsub.f32 v8, v37;
	v26 =	vld [tilespmem:s26+$0xE0]  }
0xf1: {  	v7 =	vsub.f32 v40, v41;
	v23 =	vsub.f32 v42, v43;
	v38 =	vld [tilespmem:s26+$0xC080]  }
.Ltmp0:
0xf2: {  	v24 =	vsub.f32 v44, v45;
	v14 =	vsub.f32 v46, v47;
	v40 =	vld [tilespmem:s26+$0x80];
	(pc) =	sbr.rel @p0 .LBB2_2-.Ltmp0, $4  }
0xf3: {  	v13 =	vsub.f32 v48, v49;
	v28 =	vsub.f32 v50, v51;
	v39 =	vld [tilespmem:s26+$0xC090]  }
0xf4: {  	v30 =	vsub.f32 v52, v53;
	v20 =	vsub.f32 v54, v55;
	v41 =	vld [tilespmem:s26+$0x90]  }
0xf5: {  	v19 =	vsub.f32 v56, v57;
	v36 =	vsub.f32 v58, v59;
	v42 =	vld [tilespmem:s26+$0xC0A0]  }
0xf6: {  	s28 =	sadd.s32 $0x200, s28;
	v37 =	vsub.f32 v60, v61;
	v27 =	vsub.f32 v62, v63;
	v49 =	vld [tilespmem:s26+$0xA0]  }
0xf7: {  	v43 =	vld [tilespmem:$0x60];
	_ =	sdelay $0x4  }
0xf8: {  	v44 =	vshll.u32 v43, $0x2  }
0xf9: {  	v43 =	vand.u32 $0x7, v43;
	v44 =	vand.u32 $0xFFFFFFE0, v44  }
0xfa: {  	v43 =	vor.u32 v43, v44  }
0xfb: {  	v44 =	vperm.xlane v43, v0;
	_ =	sdelay $0x1  }
0xfc: {  	v44 =	vadd.s32 v1, v44  }
0xfd: {  	v50 =	vld [tilespmem:s26+$0xC0B0]  }
0xfe: {  	v51 =	vld [tilespmem:s26+$0xB0];
	v43 =	vperm.xlane v43, v2  }
0xff: {  	v52 =	vld [tilespmem:s26+$0xC0F0]  }
0x100: {  	v53 =	vld [tilespmem:s26+$0xF0];
	s26 =	simm.s32 $0x0;
	s13 =	simm.s32 $0x80;
	v43 =	vadd.s32 v1, v43  }
0x101: {  	[tilespmem:s13], [sflag:$0x1] =	stream.indirect_vreg.gather [hbm4b:s1+s26], $0x80, v44, vm0, $0xb8;
	[tilespmem:$0x18100] =	vst v63  }
0x102: {  	_ = 	snop  }
0x103: {  	[tilespmem:s14], [sflag:$0x1] =	stream.indirect_vreg.gather [hbm4b:s6+s26], $0x80, v44, vm0, $0xb8;
	[tilespmem:$0x18100] =	vst v63  }
0x104: {  	_ = 	snop  }
0x105: {  	[tilespmem:s15], [sflag:$0x1] =	stream.indirect_vreg.gather [hbm4b:s1+s26], $0x80, v43, vm0, $0xb8;
	[tilespmem:$0x18100] =	vst v63  }
0x106: {  	_ = 	snop  }
0x107: {  	[tilespmem:s16], [sflag:$0x1] =	stream.indirect_vreg.gather [hbm4b:s6+s26], $0x80, v43, vm0, $0xb8;
	[tilespmem:$0x18100] =	vst v63  }
0x108: {  	v43 =	vld [tilespmem:$0x70];
	_ =	sdelay $0x4  }
0x109: {  	v63 =	vshll.u32 v43, $0x2  }
0x10a: {  	v43 =	vand.u32 $0x7, v43;
	v44 =	vand.u32 $0xFFFFFFE0, v63  }
0x10b: {  	v43 =	vor.u32 v43, v44  }
0x10c: {  	v44 =	vperm.xlane v43, v0;
	_ =	sdelay $0x1  }
0x10d: {  	v44 =	vadd.s32 v1, v44;
	_ =	sdelay $0x1  }
0x10e: {  	v43 =	vperm.xlane v43, v2;
	_ =	sdelay $0x1  }
0x10f: {  	v43 =	vadd.s32 v1, v43  }
0x110: {  	[tilespmem:s17], [sflag:$0x1] =	stream.indirect_vreg.gather [hbm4b:s1+s26], $0x80, v44, vm0, $0xb8;
	[tilespmem:$0x18100] =	vst v63  }
0x111: {  	_ = 	snop  }
0x112: {  	[tilespmem:s18], [sflag:$0x1] =	stream.indirect_vreg.gather [hbm4b:s6+s26], $0x80, v44, vm0, $0xb8;
	[tilespmem:$0x18100] =	vst v63  }
0x113: {  	_ = 	snop  }
0x114: {  	[tilespmem:s19], [sflag:$0x1] =	stream.indirect_vreg.gather [hbm4b:s1+s26], $0x80, v43, vm0, $0xb8;
	[tilespmem:$0x18100] =	vst v63  }
0x115: {  	_ = 	snop  }
0x116: {  	[tilespmem:s20], [sflag:$0x1] =	stream.indirect_vreg.gather [hbm4b:s6+s26], $0x80, v43, vm0, $0xb8;
	[tilespmem:$0x18100] =	vst v63  }
0x117: {  	_ = 	snop  }
0x118: {  	[tilespmem:s21], [sflag:$0x4] =	stream.linear.gather [hbm4b:s9+s26], $0x4000, $0x38;
	[tilespmem:$0x18100] =	vst v63  }
0x119: {  	_ =	swait.ge [sflag:s0], $0x4000  }
0x11a: {  	[sflag:s0] =	ssyncset.done $0x0  }
0x11b: {  	[sflag:s0] =	ssyncadd.s32 $0xFFFFC000  }
0x11c: {  	s24 =	sand.u32 $0xFFFFF000, s26;
	_ =	swait.ge [sflag:s2], $0x4000  }
0x11d: {  	s13 =	sadd.s32 $0x0, s24;
	[sflag:s2] =	ssyncset.done $0x0  }
0x11e: {  	s24 =	sor.u32 $0x4C40, s13;
	[sflag:s2] =	ssyncadd.s32 $0xFFFFC000  }
0x11f: {  	v0 =	vld [tilespmem:s24+$0xC080];
	_ =	sdelay $0x4  }
0x120: {  	[tilespmem:$0x1FF20] =	vst v0;
	v0 =	vld [tilespmem:s24+$0x80];
	_ =	sdelay $0x3  }
0x121: {  	s24 =	sor.u32 $0x4C50, s13  }
0x122: {  	[tilespmem:$0x1FF30] =	vst v0;
	v0 =	vld [tilespmem:s24+$0xC080];
	_ =	sdelay $0x2  }
0x123: {  	v43 =	vsub.f32 v38, v40;
	v38 =	vsub.f32 v50, v51  }
0x124: {  	v49 =	vsub.f32 v42, v49  }
0x125: {  	v25 =	vsub.f32 v25, v26;
	v26 =	vsub.f32 v52, v53;
	v53 =	vmul.f32 v38, v38;
	[tilespmem:$0x1FF40] =	vst v0;
	v0 =	vld [tilespmem:s24+$0x80]  }
0x126: {  	v32 =	vsub.f32 v32, v35;
	v35 =	vmul.f32 v49, v49  }
0x127: {  	v31 =	vsub.f32 v31, v33;
	v26 =	vmul.f32 v26, v26;
	v9 =	vadd.f32 v53, v9  }
0x128: {  	v25 =	vmul.f32 v25, v25;
	v10 =	vadd.f32 v35, v10  }
0x129: {  	v9 =	vadd.f32 v26, v9;
	v26 =	vmul.f32 v28, v28;
	v28 =	vmul.f32 v31, v31;
	s24 =	sor.u32 $0x4C60, s13  }
0x12a: {  	v27 =	vmul.f32 v27, v27;
	v10 =	vadd.f32 v25, v10;
	[tilespmem:$0x1FF50] =	vst v0;
	v0 =	vld [tilespmem:s24+$0xC080]  }
0x12b: {  	v19 =	vmul.f32 v19, v19;
	v9 =	vadd.f32 v28, v9  }
0x12c: {  	v20 =	vmul.f32 v20, v20;
	v10 =	vadd.f32 v27, v10  }
0x12d: {  	v13 =	vmul.f32 v13, v13;
	v9 =	vadd.f32 v19, v9  }
0x12e: {  	v14 =	vmul.f32 v14, v14;
	v10 =	vadd.f32 v20, v10  }
0x12f: {  	v29 =	vsub.f32 v29, v34;
	v7 =	vmul.f32 v7, v7;
	v9 =	vadd.f32 v13, v9;
	[tilespmem:$0x1FF60] =	vst v0;
	v0 =	vld [tilespmem:s24+$0x80]  }
0x130: {  	v8 =	vmul.f32 v8, v8;
	v6 =	vmul.f32 v6, v6;
	v10 =	vadd.f32 v14, v10  }
0x131: {  	v5 =	vmul.f32 v5, v5;
	v34 =	vsub.f32 v39, v41;
	v7 =	vadd.f32 v7, v9  }
0x132: {  	v4 =	vmul.f32 v4, v4;
	v8 =	vadd.f32 v8, v10;
	v33 =	vmul.f32 v43, v43  }
0x133: {  	v3 =	vmul.f32 v3, v3;
	v34 =	vmul.f32 v34, v34;
	v5 =	vadd.f32 v5, v7;
	s24 =	sor.u32 $0x4C70, s13  }
0x134: {  	v29 =	vmul.f32 v29, v29;
	v6 =	vadd.f32 v6, v8;
	v11 =	vadd.f32 v33, v11;
	[tilespmem:$0x1FF70] =	vst v0;
	v0 =	vld [tilespmem:s24+$0xC080]  }
0x135: {  	v32 =	vmul.f32 v32, v32;
	v12 =	vadd.f32 v34, v12;
	v8 =	vadd.f32 v3, v5;
	v3 =	vld [tilespmem:$0x1FF20]  }
0x136: {  	v11 =	vadd.f32 v29, v11;
	v29 =	vmul.f32 v36, v36;
	v7 =	vadd.f32 v4, v6;
	v4 =	vld [tilespmem:$0x1FF30]  }
0x137: {  	v12 =	vadd.f32 v32, v12;
	v25 =	vmul.f32 v37, v37  }
0x138: {  	v11 =	vadd.f32 v29, v11  }
0x139: {  	v12 =	vadd.f32 v25, v12;
	v25 =	vmul.f32 v30, v30;
	[tilespmem:$0x1FFA0] =	vst v0;
	v0 =	vld [tilespmem:s24+$0x80]  }
0x13a: {  	v23 =	vmul.f32 v23, v23;
	v24 =	vmul.f32 v24, v24;
	v11 =	vadd.f32 v26, v11  }
0x13b: {  	v12 =	vadd.f32 v25, v12;
	v10 =	vmul.f32 v15, v15;
	v15 =	vsub.f32 v3, v4;
	v3 =	vld [tilespmem:$0x1FF40]  }
0x13c: {  	v21 =	vmul.f32 v21, v21;
	v11 =	vadd.f32 v23, v11;
	v4 =	vld [tilespmem:$0x1FF50]  }
0x13d: {  	s28 =	sor.u32 $0x4C00, s13;
	v12 =	vadd.f32 v24, v12;
	v14 =	vmul.f32 v22, v22  }
0x13e: {  	v13 =	vmul.f32 v17, v17;
	v11 =	vadd.f32 v21, v11;
	[tilespmem:$0x1FFB0] =	vst v0;
	v0 =	vld [tilespmem:s28+$0xC080]  }
0x13f: {  	v12 =	vadd.f32 v14, v12;
	v14 =	vmul.f32 v18, v18  }
0x140: {  	v9 =	vadd.f32 v13, v11  }
0x141: {  	v11 =	vadd.f32 v14, v12;
	v12 =	vmul.f32 v16, v16;
	v16 =	vsub.f32 v3, v4;
	v3 =	vld [tilespmem:$0x1FF60]  }
0x142: {  	v4 =	vld [tilespmem:$0x1FF70]  }
0x143: {  	[tilespmem:$0x1FF80] =	vst v0;
	v0 =	vld [tilespmem:s28+$0x80];
	_ =	sdelay $0x1  }
0x144: {  	s24 =	sor.u32 $0x4C10, s13  }
0x145: {  	v59 =	vld [tilespmem:s24+$0x80]  }
0x146: {  	v4 =	vsub.f32 v3, v4;
	v3 =	vld [tilespmem:$0x1FF80]  }
0x147: {  	[tilespmem:$0x1FF90] =	vst v0;
	v0 =	vld [tilespmem:s24+$0xC080];
	s24 =	sor.u32 $0x4C20, s13  }
0x148: {  	v60 =	vld [tilespmem:s24+$0xC080]  }
0x149: {  	s13 =	sor.u32 $0x4C30, s13;
	v61 =	vld [tilespmem:s24+$0x80]  }
0x14a: {  	v62 =	vld [tilespmem:s13+$0xC080]  }
0x14b: {  	s28 =	sand.u32 $0x380, s26;
	s24 =	sand.u32 $0x3000, s26;
	v63 =	vld [tilespmem:s13+$0x80]  }
0x14c: {  	v5 =	vld [tilespmem:$0x1FF90];
	s28 =	sor.u32 s28, s24  }
0x14d: {  	v55 =	vld [tilespmem:s28+$0x108C0]  }
0x14e: {  	v44 =	vld [tilespmem:s28+$0x48C0]  }
0x14f: {  	v58 =	vld [tilespmem:s28+$0x108D0]  }
0x150: {  	v56 =	vld [tilespmem:s28+$0x48D0]  }
0x151: {  	v54 =	vld [tilespmem:s28+$0x108E0]  }
0x152: {  	v48 =	vld [tilespmem:s28+$0x48E0]  }
0x153: {  	v57 =	vld [tilespmem:s28+$0x108F0]  }
0x154: {  	v47 =	vld [tilespmem:s28+$0x48F0]  }
0x155: {  	v46 =	vld [tilespmem:s28+$0x10880]  }
0x156: {  	v45 =	vld [tilespmem:s28+$0x4880]  }
0x157: {  	v43 =	vld [tilespmem:s28+$0x10890]  }
0x158: {  	v49 =	vld [tilespmem:s28+$0x4890]  }
0x159: {  	v42 =	vld [tilespmem:s28+$0x108A0]  }
0x15a: {  	v50 =	vld [tilespmem:s28+$0x48A0]  }
0x15b: {  	v51 =	vld [tilespmem:s28+$0x108B0]  }
0x15c: {  	v41 =	vld [tilespmem:s28+$0x48B0]  }
0x15d: {  	v40 =	vld [tilespmem:s28+$0x104C0]  }
0x15e: {  	v39 =	vld [tilespmem:s28+$0x44C0]  }
0x15f: {  	v32 =	vld [tilespmem:s28+$0x104D0]  }
0x160: {  	v52 =	vld [tilespmem:s28+$0x44D0]  }
0x161: {  	v53 =	vld [tilespmem:s28+$0x104E0]  }
0x162: {  	v20 =	vld [tilespmem:s28+$0x44E0]  }
0x163: {  	v38 =	vld [tilespmem:s28+$0x104F0]  }
0x164: {  	v37 =	vld [tilespmem:s28+$0x44F0]  }
0x165: {  	v36 =	vld [tilespmem:s28+$0x10480]  }
0x166: {  	v19 =	vld [tilespmem:s28+$0x4480]  }
0x167: {  	v27 =	vld [tilespmem:s28+$0x10490]  }
0x168: {  	v2 =	vld [tilespmem:s28+$0x4490]  }
0x169: {  	v1 =	vld [tilespmem:s28+$0x104A0]  }
0x16a: {  	v28 =	vld [tilespmem:s28+$0x104B0]  }
0x16b: {  	v33 =	vld [tilespmem:s28+$0x44B0]  }
0x16c: {  	v29 =	vld [tilespmem:s28+$0x100C0]  }
0x16d: {  	v34 =	vld [tilespmem:s28+$0x40C0]  }
0x16e: {  	v31 =	vld [tilespmem:s28+$0x100D0]  }
0x16f: {  	v35 =	vld [tilespmem:s28+$0x40D0]  }
0x170: {  	v17 =	vsub.f32 v3, v5;
	v3 =	vld [tilespmem:$0x1FFA0]  }
0x171: {  	v10 =	vadd.f32 v10, v9;
	v5 =	vld [tilespmem:$0x1FFB0]  }
0x172: {  	v9 =	vadd.f32 v12, v11;
	v23 =	vld [tilespmem:s28+$0x100E0];
	v6 =	vsub.f32 v60, v61  }
0x173: {  	v26 =	vld [tilespmem:s28+$0x40E0];
	v21 =	vsub.f32 v55, v44;
	v22 =	vsub.f32 v58, v56  }
0x174: {  	[tilespmem:$0x1FFC0] =	vst v0;
	v0 =	vld [tilespmem:s28+$0x44A0];
	v12 =	vsub.f32 v54, v48;
	v24 =	vsub.f32 v46, v45  }
0x175: {  	v44 =	vld [tilespmem:s28+$0x10080];
	v11 =	vsub.f32 v57, v47;
	v25 =	vsub.f32 v43, v49  }
0x176: {  	v14 =	vsub.f32 v42, v50;
	v3 =	vsub.f32 v3, v5;
	v5 =	vld [tilespmem:$0x1FFC0]  }
0x177: {  	v46 =	vld [tilespmem:s28+$0x4080];
	v30 =	vsub.f32 v40, v39;
	v13 =	vsub.f32 v51, v41  }
0x178: {  	v45 =	vld [tilespmem:s28+$0x10090];
	v32 =	vsub.f32 v32, v52;
	v20 =	vsub.f32 v53, v20  }
0x179: {  	v48 =	vld [tilespmem:s28+$0x4090];
	v42 =	vsub.f32 v36, v19;
	v19 =	vsub.f32 v38, v37  }
0x17a: {  	v47 =	vld [tilespmem:s28+$0x100A0];
	v43 =	vsub.f32 v27, v2;
	v27 =	vsub.f32 v1, v0  }
0x17b: {  	s29 =	simm.s32 $0x200;
	v49 =	vld [tilespmem:s28+$0x40A0];
	v18 =	vsub.f32 v5, v59;
	v5 =	vsub.f32 v62, v63  }
.LBB2_4:
0x17c: {  	p0 =	sne.s32 s29, $0x3E00;
	v0 =	vld [tilespmem:s28+$0x100B0];
	v1 =	vsub.f32 v28, v33;
	v2 =	vmul.f32 v15, v15;
	v28 =	vmul.f32 v16, v16  }
0x17d: {  	s13 =	sand.u32 $0xFFFFF000, s29;
	v29 =	vsub.f32 v29, v34;
	v34 =	vmul.f32 v17, v17;
	v36 =	vmul.f32 v18, v18;
	s26 =	sadd.s32 $0x80, s26;
	v33 =	vld [tilespmem:s28+$0x40B0]  }
0x17e: {  	v18 =	vsub.f32 v31, v35;
	v35 =	vmul.f32 v21, v21;
	v37 =	vmul.f32 v22, v22;
	s24 =	sadd.s32 s13, s26;
	v31 =	vld [tilespmem:s28+$0x100F0]  }
0x17f: {  	v21 =	vsub.f32 v44, v46;
	v38 =	vmul.f32 v24, v24;
	v39 =	vmul.f32 v25, v25;
	s13 =	sor.u32 $0x4C40, s24;
	v22 =	vld [tilespmem:s28+$0x40F0]  }
0x180: {  	v30 =	vmul.f32 v30, v30;
	v32 =	vmul.f32 v32, v32;
	v24 =	vsub.f32 v45, v48;
	v15 =	vld [tilespmem:s13+$0xC080]  }
0x181: {  	v40 =	vmul.f32 v42, v42;
	v41 =	vmul.f32 v43, v43;
	v25 =	vsub.f32 v47, v49;
	v16 =	vld [tilespmem:s13+$0x80];
	s13 =	sor.u32 $0x4C50, s24  }
0x182: {  	v29 =	vmul.f32 v29, v29;
	v17 =	vld [tilespmem:s13+$0xC080];
	v0 =	vsub.f32 v0, v33;
	v33 =	vmul.f32 v18, v18  }
0x183: {  	v23 =	vsub.f32 v23, v26;
	v42 =	vmul.f32 v21, v21;
	v24 =	vmul.f32 v24, v24;
	v18 =	vld [tilespmem:s13+$0x80];
	s13 =	sor.u32 $0x4C60, s24  }
0x184: {  	v25 =	vmul.f32 v25, v25;
	v21 =	vld [tilespmem:s13+$0xC080];
	v0 =	vmul.f32 v0, v0;
	v26 =	vsub.f32 v31, v22  }
0x185: {  	v10 =	vadd.f32 v42, v10;
	v9 =	vadd.f32 v24, v9;
	v31 =	vmul.f32 v23, v23;
	v22 =	vld [tilespmem:s13+$0x80];
	s13 =	sor.u32 $0x4C70, s24  }
0x186: {  	v7 =	vadd.f32 v25, v7;
	v23 =	vld [tilespmem:s13+$0xC080];
	v0 =	vadd.f32 v0, v8;
	v8 =	vmul.f32 v26, v26  }
0x187: {  	s28 =	sor.u32 $0x4C00, s24;
	v10 =	vadd.f32 v29, v10;
	v9 =	vadd.f32 v33, v9;
	v26 =	vmul.f32 v27, v27;
	v24 =	vld [tilespmem:s13+$0x80]  }
0x188: {  	v1 =	vmul.f32 v1, v1;
	v7 =	vadd.f32 v31, v7;
	v25 =	vld [tilespmem:s28+$0xC080];
	v0 =	vadd.f32 v8, v0  }
0x189: {  	v9 =	vadd.f32 v41, v9;
	s13 =	sor.u32 $0x4C10, s24;
	v8 =	vadd.f32 v40, v10;
	v10 =	vmul.f32 v20, v20;
	v27 =	vld [tilespmem:s28+$0x80]  }
0x18a: {  	v7 =	vadd.f32 v26, v7;
	v20 =	vld [tilespmem:s13+$0xC080];
	v0 =	vadd.f32 v1, v0;
	v1 =	vmul.f32 v19, v19  }
0x18b: {  	v14 =	vmul.f32 v14, v14;
	v9 =	vadd.f32 v32, v9;
	v8 =	vadd.f32 v30, v8;
	v19 =	vld [tilespmem:s13+$0x80];
	s13 =	sor.u32 $0x4C20, s24  }
0x18c: {  	v7 =	vadd.f32 v10, v7;
	v26 =	vld [tilespmem:s13+$0xC080];
	v0 =	vadd.f32 v1, v0;
	v1 =	vmul.f32 v13, v13  }
0x18d: {  	v9 =	vadd.f32 v39, v9;
	v10 =	vmul.f32 v12, v12;
	v8 =	vadd.f32 v38, v8;
	v13 =	vld [tilespmem:s13+$0x80];
	s13 =	sor.u32 $0x4C30, s24  }
0x18e: {  	s28 =	sand.u32 $0x380, s26;
	v7 =	vadd.f32 v14, v7;
	s24 =	sand.u32 $0x3000, s29;
	v12 =	vld [tilespmem:s13+$0xC080];
	v0 =	vadd.f32 v1, v0;
	v1 =	vmul.f32 v11, v11  }
0x18f: {  	v6 =	vmul.f32 v6, v6;
	v9 =	vadd.f32 v37, v9;
	s28 =	sor.u32 s28, s24;
	v8 =	vadd.f32 v35, v8;
	v11 =	vld [tilespmem:s13+$0x80]  }
0x190: {  	v7 =	vadd.f32 v10, v7;
	v14 =	vld [tilespmem:s28+$0x108C0];
	v0 =	vadd.f32 v1, v0;
	v1 =	vmul.f32 v5, v5  }
0x191: {  	v4 =	vmul.f32 v4, v4;
	v9 =	vadd.f32 v36, v9;
	v8 =	vadd.f32 v34, v8;
	v5 =	vld [tilespmem:s28+$0x48C0]  }
0x192: {  	v6 =	vadd.f32 v6, v7;
	v30 =	vld [tilespmem:s28+$0x108D0];
	v0 =	vadd.f32 v1, v0;
	v1 =	vmul.f32 v3, v3  }
0x193: {  	v9 =	vadd.f32 v28, v9;
	v10 =	vadd.f32 v2, v8;
	v32 =	vld [tilespmem:s28+$0x48D0]  }
0x194: {  	v7 =	vadd.f32 v4, v6;
	v2 =	vld [tilespmem:s28+$0x108E0];
	v8 =	vadd.f32 v1, v0  }
0x195: {  	v0 =	vld [tilespmem:s28+$0x48E0]  }
0x196: {  	v1 =	vld [tilespmem:s28+$0x108F0]  }
0x197: {  	v36 =	vld [tilespmem:s28+$0x48F0]  }
0x198: {  	v37 =	vld [tilespmem:s28+$0x10880]  }
0x199: {  	v38 =	vld [tilespmem:s28+$0x4880]  }
0x19a: {  	v39 =	vld [tilespmem:s28+$0x10890]  }
0x19b: {  	v40 =	vld [tilespmem:s28+$0x4890]  }
0x19c: {  	v41 =	vld [tilespmem:s28+$0x108A0]  }
0x19d: {  	v42 =	vld [tilespmem:s28+$0x48A0]  }
0x19e: {  	v43 =	vld [tilespmem:s28+$0x108B0]  }
0x19f: {  	v47 =	vld [tilespmem:s28+$0x48B0]  }
0x1a0: {  	v48 =	vld [tilespmem:s28+$0x104C0]  }
0x1a1: {  	v49 =	vld [tilespmem:s28+$0x44C0]  }
0x1a2: {  	v50 =	vld [tilespmem:s28+$0x104D0]  }
0x1a3: {  	v51 =	vld [tilespmem:s28+$0x44D0]  }
0x1a4: {  	v52 =	vld [tilespmem:s28+$0x104E0]  }
0x1a5: {  	v53 =	vld [tilespmem:s28+$0x44E0]  }
0x1a6: {  	v54 =	vld [tilespmem:s28+$0x104F0]  }
0x1a7: {  	v55 =	vld [tilespmem:s28+$0x44F0]  }
0x1a8: {  	v56 =	vld [tilespmem:s28+$0x10480]  }
0x1a9: {  	v57 =	vld [tilespmem:s28+$0x4480]  }
0x1aa: {  	v58 =	vld [tilespmem:s28+$0x10490]  }
0x1ab: {  	v59 =	vld [tilespmem:s28+$0x4490]  }
0x1ac: {  	v60 =	vld [tilespmem:s28+$0x104A0]  }
0x1ad: {  	v61 =	vld [tilespmem:s28+$0x44A0]  }
0x1ae: {  	v28 =	vld [tilespmem:s28+$0x104B0]  }
0x1af: {  	v33 =	vld [tilespmem:s28+$0x44B0]  }
0x1b0: {  	v15 =	vsub.f32 v15, v16;
	v29 =	vld [tilespmem:s28+$0x100C0]  }
0x1b1: {  	v16 =	vsub.f32 v17, v18;
	v4 =	vsub.f32 v21, v22;
	v34 =	vld [tilespmem:s28+$0x40C0]  }
0x1b2: {  	v17 =	vsub.f32 v25, v27;
	v3 =	vsub.f32 v23, v24;
	v31 =	vld [tilespmem:s28+$0x100D0]  }
0x1b3: {  	v18 =	vsub.f32 v20, v19;
	v6 =	vsub.f32 v26, v13;
	v35 =	vld [tilespmem:s28+$0x40D0]  }
0x1b4: {  	v21 =	vsub.f32 v14, v5;
	v5 =	vsub.f32 v12, v11;
	v23 =	vld [tilespmem:s28+$0x100E0]  }
0x1b5: {  	v22 =	vsub.f32 v30, v32;
	v12 =	vsub.f32 v2, v0;
	v26 =	vld [tilespmem:s28+$0x40E0]  }
0x1b6: {  	v11 =	vsub.f32 v1, v36;
	v24 =	vsub.f32 v37, v38;
	v44 =	vld [tilespmem:s28+$0x10080]  }
.Ltmp1:
0x1b7: {  	v25 =	vsub.f32 v39, v40;
	v14 =	vsub.f32 v41, v42;
	v46 =	vld [tilespmem:s28+$0x4080];
	(pc) =	sbr.rel @p0 .LBB2_4-.Ltmp1, $4  }
0x1b8: {  	v13 =	vsub.f32 v43, v47;
	v30 =	vsub.f32 v48, v49;
	v45 =	vld [tilespmem:s28+$0x10090]  }
0x1b9: {  	v32 =	vsub.f32 v50, v51;
	v20 =	vsub.f32 v52, v53;
	v48 =	vld [tilespmem:s28+$0x4090]  }
0x1ba: {  	v19 =	vsub.f32 v54, v55;
	v42 =	vsub.f32 v56, v57;
	v47 =	vld [tilespmem:s28+$0x100A0]  }
0x1bb: {  	s29 =	sadd.s32 $0x200, s29;
	v43 =	vsub.f32 v58, v59;
	v27 =	vsub.f32 v60, v61;
	v49 =	vld [tilespmem:s28+$0x40A0]  }
0x1bc: {  	v0 =	vld [tilespmem:s28+$0x100B0]  }
0x1bd: {  	v1 =	vld [tilespmem:s28+$0x40B0]  }
0x1be: {  	v2 =	vld [tilespmem:s28+$0x100F0]  }
0x1bf: {  	v50 =	vld [tilespmem:s28+$0x40F0];
	_ =	swait.ge [sflag:s22], $0x4000  }
0x1c0: {  	[sflag:s22] =	ssyncset.done $0x0  }
0x1c1: {  	s26 =	simm.s32 $0x0;
	[sflag:s22] =	ssyncadd.s32 $0xFFFFC000  }
0x1c2: {  	s13 =	sand.u32 $0xFFFFF000, s26;
	_ =	swait.ge [sflag:s23], $0x4000  }
0x1c3: {  	s13 =	sadd.s32 $0x0, s13;
	[sflag:s23] =	ssyncset.done $0x0  }
0x1c4: {  	s24 =	sor.u32 $0x8C40, s13;
	[sflag:s23] =	ssyncadd.s32 $0xFFFFC000  }
0x1c5: {  	v36 =	vld [tilespmem:s24+$0xC080]  }
0x1c6: {  	s28 =	sor.u32 $0x8C00, s13;
	v55 =	vld [tilespmem:s24+$0x80]  }
0x1c7: {  	v62 =	vld [tilespmem:s28+$0xC080]  }
0x1c8: {  	s24 =	sor.u32 $0x8C50, s13;
	v63 =	vld [tilespmem:s28+$0x80]  }
0x1c9: {  	v56 =	vld [tilespmem:s24+$0xC080]  }
0x1ca: {  	v57 =	vld [tilespmem:s24+$0x80];
	s24 =	sor.u32 $0x8C60, s13  }
0x1cb: {  	v58 =	vld [tilespmem:s24+$0xC080]  }
0x1cc: {  	v59 =	vld [tilespmem:s24+$0x80];
	s24 =	sor.u32 $0x8C70, s13  }
0x1cd: {  	v60 =	vld [tilespmem:s24+$0xC080]  }
0x1ce: {  	v61 =	vld [tilespmem:s24+$0x80];
	s24 =	sor.u32 $0x8C10, s13  }
0x1cf: {  	v40 =	vld [tilespmem:s24+$0xC080]  }
0x1d0: {  	v41 =	vld [tilespmem:s24+$0x80];
	s24 =	sor.u32 $0x8C20, s13  }
0x1d1: {  	[tilespmem:$0x1FE90] =	vst v57;
	v57 =	vld [tilespmem:s24+$0xC080]  }
0x1d2: {  	v28 =	vsub.f32 v28, v33;
	v44 =	vsub.f32 v44, v46;
	s13 =	sor.u32 $0x8C30, s13;
	[tilespmem:$0x1FEA0] =	vst v58;
	v58 =	vld [tilespmem:s24+$0x80]  }
0x1d3: {  	v29 =	vsub.f32 v29, v34;
	v31 =	vsub.f32 v31, v35;
	s28 =	sand.u32 $0x380, s26;
	[tilespmem:$0x1FEB0] =	vst v59;
	s24 =	sand.u32 $0x3000, s26;
	v59 =	vld [tilespmem:s13+$0xC080]  }
0x1d4: {  	v23 =	vsub.f32 v23, v26;
	v46 =	vsub.f32 v45, v48;
	[tilespmem:$0x1FEE0] =	vst v60;
	s28 =	sor.u32 s28, s24;
	v60 =	vld [tilespmem:s13+$0x80]  }
0x1d5: {  	v19 =	vmul.f32 v19, v19;
	v33 =	vmul.f32 v44, v44;
	v47 =	vsub.f32 v47, v49;
	[tilespmem:$0x1FEF0] =	vst v61;
	v61 =	vld [tilespmem:s28+$0x148C0]  }
0x1d6: {  	v29 =	vmul.f32 v29, v29;
	v0 =	vsub.f32 v0, v1;
	v1 =	vmul.f32 v46, v46;
	[tilespmem:$0x1FEC0] =	vst v62;
	v62 =	vld [tilespmem:s28+$0x88C0]  }
0x1d7: {  	v23 =	vmul.f32 v23, v23;
	v2 =	vsub.f32 v2, v50;
	v26 =	vmul.f32 v47, v47;
	[tilespmem:$0x1FED0] =	vst v63;
	v63 =	vld [tilespmem:s28+$0x148D0]  }
0x1d8: {  	v10 =	vadd.f32 v33, v10;
	v0 =	vmul.f32 v0, v0;
	v1 =	vadd.f32 v1, v9;
	v54 =	vld [tilespmem:s28+$0x88D0]  }
0x1d9: {  	v9 =	vmul.f32 v31, v31;
	v2 =	vmul.f32 v2, v2;
	v7 =	vadd.f32 v26, v7;
	[tilespmem:$0x1FE70] =	vst v55;
	v55 =	vld [tilespmem:s28+$0x148E0]  }
0x1da: {  	v26 =	vmul.f32 v30, v30;
	v0 =	vadd.f32 v0, v8;
	v8 =	vadd.f32 v29, v10;
	v38 =	vld [tilespmem:s28+$0x88E0]  }
0x1db: {  	v1 =	vadd.f32 v9, v1;
	v9 =	vmul.f32 v42, v42;
	v10 =	vmul.f32 v43, v43;
	[tilespmem:$0x1FE80] =	vst v56;
	v56 =	vld [tilespmem:s28+$0x148F0]  }
0x1dc: {  	v7 =	vadd.f32 v23, v7;
	v23 =	vmul.f32 v27, v27;
	v0 =	vadd.f32 v2, v0;
	v53 =	vld [tilespmem:s28+$0x88F0]  }
0x1dd: {  	v27 =	vmul.f32 v28, v28;
	v8 =	vadd.f32 v9, v8;
	v1 =	vadd.f32 v10, v1;
	v52 =	vld [tilespmem:s28+$0x14880]  }
0x1de: {  	v9 =	vmul.f32 v32, v32;
	v10 =	vmul.f32 v20, v20;
	v7 =	vadd.f32 v23, v7;
	[tilespmem:$0x1FF00] =	vst v40;
	v40 =	vld [tilespmem:s28+$0x8880]  }
0x1df: {  	v23 =	vmul.f32 v24, v24;
	v0 =	vadd.f32 v27, v0;
	v8 =	vadd.f32 v26, v8;
	v51 =	vld [tilespmem:s28+$0x14890]  }
0x1e0: {  	v1 =	vadd.f32 v9, v1;
	v9 =	vmul.f32 v25, v25;
	v7 =	vadd.f32 v10, v7;
	v39 =	vld [tilespmem:s28+$0x8890]  }
0x1e1: {  	v10 =	vmul.f32 v13, v13;
	v13 =	vmul.f32 v22, v22;
	v49 =	vld [tilespmem:s28+$0x148A0];
	v0 =	vadd.f32 v19, v0  }
0x1e2: {  	v50 =	vld [tilespmem:s28+$0x88A0];
	v8 =	vadd.f32 v23, v8;
	v1 =	vadd.f32 v9, v1;
	v9 =	vmul.f32 v21, v21  }
0x1e3: {  	v11 =	vmul.f32 v11, v11;
	v48 =	vld [tilespmem:s28+$0x148B0];
	v0 =	vadd.f32 v10, v0  }
0x1e4: {  	v47 =	vld [tilespmem:s28+$0x88B0];
	v8 =	vadd.f32 v9, v8;
	v1 =	vadd.f32 v13, v1;
	v9 =	vmul.f32 v18, v18  }
0x1e5: {  	v5 =	vmul.f32 v5, v5;
	v42 =	vld [tilespmem:s28+$0x144C0];
	v10 =	vmul.f32 v17, v17;
	v0 =	vadd.f32 v11, v0  }
0x1e6: {  	v3 =	vmul.f32 v3, v3;
	v30 =	vld [tilespmem:s28+$0x84C0];
	v1 =	vadd.f32 v9, v1;
	v9 =	vmul.f32 v16, v16  }
0x1e7: {  	v46 =	vld [tilespmem:s28+$0x144D0];
	v8 =	vadd.f32 v10, v8;
	v10 =	vmul.f32 v15, v15;
	v0 =	vadd.f32 v5, v0  }
0x1e8: {  	[tilespmem:$0x1FE60] =	vst v36;
	v9 =	vadd.f32 v9, v1;
	v1 =	vld [tilespmem:$0x1FE70]  }
0x1e9: {  	v10 =	vadd.f32 v10, v8;
	v8 =	vadd.f32 v3, v0;
	v0 =	vld [tilespmem:$0x1FE60]  }
0x1ea: {  	v32 =	vld [tilespmem:s28+$0x84D0]  }
0x1eb: {  	[tilespmem:$0x1FF10] =	vst v41;
	v41 =	vld [tilespmem:s28+$0x144E0]  }
0x1ec: {  	v20 =	vld [tilespmem:s28+$0x84E0]  }
0x1ed: {  	v45 =	vld [tilespmem:s28+$0x144F0]  }
0x1ee: {  	v15 =	vsub.f32 v0, v1;
	v0 =	vld [tilespmem:$0x1FE80]  }
0x1ef: {  	v1 =	vld [tilespmem:$0x1FE90]  }
0x1f0: {  	v43 =	vld [tilespmem:s28+$0x84F0]  }
0x1f1: {  	v36 =	vld [tilespmem:s28+$0x14480]  }
0x1f2: {  	v14 =	vmul.f32 v14, v14;
	v19 =	vld [tilespmem:s28+$0x8480]  }
0x1f3: {  	v44 =	vld [tilespmem:s28+$0x14490]  }
0x1f4: {  	v12 =	vmul.f32 v12, v12;
	v7 =	vadd.f32 v14, v7;
	v16 =	vsub.f32 v0, v1;
	v0 =	vld [tilespmem:$0x1FEA0]  }
0x1f5: {  	v1 =	vld [tilespmem:$0x1FEB0]  }
0x1f6: {  	v6 =	vmul.f32 v6, v6;
	v37 =	vld [tilespmem:s28+$0x8490];
	v7 =	vadd.f32 v12, v7  }
0x1f7: {  	v27 =	vld [tilespmem:s28+$0x144A0]  }
0x1f8: {  	v4 =	vmul.f32 v4, v4;
	v2 =	vld [tilespmem:s28+$0x84A0];
	v6 =	vadd.f32 v6, v7  }
0x1f9: {  	v28 =	vld [tilespmem:s28+$0x144B0]  }
0x1fa: {  	v7 =	vadd.f32 v4, v6;
	v4 =	vsub.f32 v0, v1;
	v0 =	vld [tilespmem:$0x1FEC0]  }
0x1fb: {  	v1 =	vld [tilespmem:$0x1FED0]  }
0x1fc: {  	v33 =	vld [tilespmem:s28+$0x84B0]  }
0x1fd: {  	v29 =	vld [tilespmem:s28+$0x140C0]  }
0x1fe: {  	v34 =	vld [tilespmem:s28+$0x80C0]  }
0x1ff: {  	v31 =	vld [tilespmem:s28+$0x140D0]  }
0x200: {  	v17 =	vsub.f32 v0, v1;
	v0 =	vld [tilespmem:$0x1FEE0]  }
0x201: {  	v1 =	vld [tilespmem:$0x1FEF0]  }
0x202: {  	v35 =	vld [tilespmem:s28+$0x80D0]  }
0x203: {  	v23 =	vld [tilespmem:s28+$0x140E0];
	v21 =	vsub.f32 v61, v62  }
0x204: {  	v26 =	vld [tilespmem:s28+$0x80E0];
	v22 =	vsub.f32 v63, v54;
	v12 =	vsub.f32 v55, v38  }
0x205: {  	v38 =	vld [tilespmem:s28+$0x14080];
	v24 =	vsub.f32 v52, v40;
	v11 =	vsub.f32 v56, v53  }
0x206: {  	v25 =	vsub.f32 v51, v39;
	v3 =	vsub.f32 v0, v1;
	v0 =	vld [tilespmem:$0x1FF00]  }
0x207: {  	v14 =	vsub.f32 v49, v50;
	v30 =	vsub.f32 v42, v30;
	v1 =	vld [tilespmem:$0x1FF10]  }
0x208: {  	v40 =	vld [tilespmem:s28+$0x8080];
	v13 =	vsub.f32 v48, v47;
	v32 =	vsub.f32 v46, v32  }
0x209: {  	v39 =	vld [tilespmem:s28+$0x14090];
	v20 =	vsub.f32 v41, v20;
	v36 =	vsub.f32 v36, v19  }
0x20a: {  	v42 =	vld [tilespmem:s28+$0x8090];
	v19 =	vsub.f32 v45, v43;
	v37 =	vsub.f32 v44, v37  }
0x20b: {  	v41 =	vld [tilespmem:s28+$0x140A0];
	v27 =	vsub.f32 v27, v2;
	v5 =	vsub.f32 v59, v60  }
0x20c: {  	s29 =	simm.s32 $0x200;
	v43 =	vld [tilespmem:s28+$0x80A0];
	v6 =	vsub.f32 v57, v58;
	v18 =	vsub.f32 v0, v1  }
.LBB2_6:
0x20d: {  	p0 =	sne.s32 s29, $0x3E00;
	v0 =	vld [tilespmem:s28+$0x140B0];
	v1 =	vsub.f32 v28, v33;
	v2 =	vmul.f32 v15, v15;
	v28 =	vmul.f32 v16, v16  }
0x20e: {  	s13 =	sand.u32 $0xFFFFF000, s29;
	v29 =	vsub.f32 v29, v34;
	v34 =	vmul.f32 v17, v17;
	v44 =	vmul.f32 v18, v18;
	s26 =	sadd.s32 $0x80, s26;
	v33 =	vld [tilespmem:s28+$0x80B0]  }
0x20f: {  	v18 =	vsub.f32 v31, v35;
	v35 =	vmul.f32 v21, v21;
	v45 =	vmul.f32 v22, v22;
	s24 =	sadd.s32 s13, s26;
	v31 =	vld [tilespmem:s28+$0x140F0]  }
0x210: {  	v21 =	vsub.f32 v38, v40;
	v38 =	vmul.f32 v24, v24;
	v40 =	vmul.f32 v25, v25;
	s13 =	sor.u32 $0x8C40, s24;
	v22 =	vld [tilespmem:s28+$0x80F0]  }
0x211: {  	v30 =	vmul.f32 v30, v30;
	v32 =	vmul.f32 v32, v32;
	v24 =	vsub.f32 v39, v42;
	v15 =	vld [tilespmem:s13+$0xC080]  }
0x212: {  	v36 =	vmul.f32 v36, v36;
	v37 =	vmul.f32 v37, v37;
	v25 =	vsub.f32 v41, v43;
	v16 =	vld [tilespmem:s13+$0x80];
	s13 =	sor.u32 $0x8C50, s24  }
0x213: {  	v29 =	vmul.f32 v29, v29;
	v17 =	vld [tilespmem:s13+$0xC080];
	v0 =	vsub.f32 v0, v33;
	v33 =	vmul.f32 v18, v18  }
0x214: {  	v23 =	vsub.f32 v23, v26;
	v39 =	vmul.f32 v21, v21;
	v24 =	vmul.f32 v24, v24;
	v18 =	vld [tilespmem:s13+$0x80];
	s13 =	sor.u32 $0x8C60, s24  }
0x215: {  	v25 =	vmul.f32 v25, v25;
	v21 =	vld [tilespmem:s13+$0xC080];
	v0 =	vmul.f32 v0, v0;
	v26 =	vsub.f32 v31, v22  }
0x216: {  	v10 =	vadd.f32 v39, v10;
	v9 =	vadd.f32 v24, v9;
	v31 =	vmul.f32 v23, v23;
	v22 =	vld [tilespmem:s13+$0x80];
	s13 =	sor.u32 $0x8C70, s24  }
0x217: {  	v7 =	vadd.f32 v25, v7;
	v23 =	vld [tilespmem:s13+$0xC080];
	v0 =	vadd.f32 v0, v8;
	v8 =	vmul.f32 v26, v26  }
0x218: {  	s28 =	sor.u32 $0x8C00, s24;
	v10 =	vadd.f32 v29, v10;
	v9 =	vadd.f32 v33, v9;
	v26 =	vmul.f32 v27, v27;
	v24 =	vld [tilespmem:s13+$0x80]  }
0x219: {  	v1 =	vmul.f32 v1, v1;
	v7 =	vadd.f32 v31, v7;
	v25 =	vld [tilespmem:s28+$0xC080];
	v0 =	vadd.f32 v8, v0  }
0x21a: {  	v9 =	vadd.f32 v37, v9;
	s13 =	sor.u32 $0x8C10, s24;
	v8 =	vadd.f32 v36, v10;
	v10 =	vmul.f32 v20, v20;
	v27 =	vld [tilespmem:s28+$0x80]  }
0x21b: {  	v7 =	vadd.f32 v26, v7;
	v20 =	vld [tilespmem:s13+$0xC080];
	v0 =	vadd.f32 v1, v0;
	v1 =	vmul.f32 v19, v19  }
0x21c: {  	v14 =	vmul.f32 v14, v14;
	v9 =	vadd.f32 v32, v9;
	v8 =	vadd.f32 v30, v8;
	v19 =	vld [tilespmem:s13+$0x80];
	s13 =	sor.u32 $0x8C20, s24  }
0x21d: {  	v7 =	vadd.f32 v10, v7;
	v26 =	vld [tilespmem:s13+$0xC080];
	v0 =	vadd.f32 v1, v0;
	v1 =	vmul.f32 v13, v13  }
0x21e: {  	v9 =	vadd.f32 v40, v9;
	v10 =	vmul.f32 v12, v12;
	v8 =	vadd.f32 v38, v8;
	v13 =	vld [tilespmem:s13+$0x80];
	s13 =	sor.u32 $0x8C30, s24  }
0x21f: {  	s28 =	sand.u32 $0x380, s26;
	v7 =	vadd.f32 v14, v7;
	s24 =	sand.u32 $0x3000, s29;
	v12 =	vld [tilespmem:s13+$0xC080];
	v0 =	vadd.f32 v1, v0;
	v1 =	vmul.f32 v11, v11  }
0x220: {  	v6 =	vmul.f32 v6, v6;
	v9 =	vadd.f32 v45, v9;
	s28 =	sor.u32 s28, s24;
	v8 =	vadd.f32 v35, v8;
	v11 =	vld [tilespmem:s13+$0x80]  }
0x221: {  	v7 =	vadd.f32 v10, v7;
	v14 =	vld [tilespmem:s28+$0x148C0];
	v0 =	vadd.f32 v1, v0;
	v1 =	vmul.f32 v5, v5  }
0x222: {  	v4 =	vmul.f32 v4, v4;
	v9 =	vadd.f32 v44, v9;
	v8 =	vadd.f32 v34, v8;
	v5 =	vld [tilespmem:s28+$0x88C0]  }
0x223: {  	v6 =	vadd.f32 v6, v7;
	v30 =	vld [tilespmem:s28+$0x148D0];
	v0 =	vadd.f32 v1, v0;
	v1 =	vmul.f32 v3, v3  }
0x224: {  	v9 =	vadd.f32 v28, v9;
	v10 =	vadd.f32 v2, v8;
	v32 =	vld [tilespmem:s28+$0x88D0]  }
0x225: {  	v7 =	vadd.f32 v4, v6;
	v2 =	vld [tilespmem:s28+$0x148E0];
	v8 =	vadd.f32 v1, v0  }
0x226: {  	v0 =	vld [tilespmem:s28+$0x88E0]  }
0x227: {  	v1 =	vld [tilespmem:s28+$0x148F0]  }
0x228: {  	v36 =	vld [tilespmem:s28+$0x88F0]  }
0x229: {  	v37 =	vld [tilespmem:s28+$0x14880]  }
0x22a: {  	v39 =	vld [tilespmem:s28+$0x8880]  }
0x22b: {  	v41 =	vld [tilespmem:s28+$0x14890]  }
0x22c: {  	v42 =	vld [tilespmem:s28+$0x8890]  }
0x22d: {  	v43 =	vld [tilespmem:s28+$0x148A0]  }
0x22e: {  	v44 =	vld [tilespmem:s28+$0x88A0]  }
0x22f: {  	v45 =	vld [tilespmem:s28+$0x148B0]  }
0x230: {  	v46 =	vld [tilespmem:s28+$0x88B0]  }
0x231: {  	v47 =	vld [tilespmem:s28+$0x144C0]  }
0x232: {  	v48 =	vld [tilespmem:s28+$0x84C0]  }
0x233: {  	v49 =	vld [tilespmem:s28+$0x144D0]  }
0x234: {  	v50 =	vld [tilespmem:s28+$0x84D0]  }
0x235: {  	v51 =	vld [tilespmem:s28+$0x144E0]  }
0x236: {  	v52 =	vld [tilespmem:s28+$0x84E0]  }
0x237: {  	v53 =	vld [tilespmem:s28+$0x144F0]  }
0x238: {  	v54 =	vld [tilespmem:s28+$0x84F0]  }
0x239: {  	v55 =	vld [tilespmem:s28+$0x14480]  }
0x23a: {  	v56 =	vld [tilespmem:s28+$0x8480]  }
0x23b: {  	v57 =	vld [tilespmem:s28+$0x14490]  }
0x23c: {  	v58 =	vld [tilespmem:s28+$0x8490]  }
0x23d: {  	v59 =	vld [tilespmem:s28+$0x144A0]  }
0x23e: {  	v60 =	vld [tilespmem:s28+$0x84A0]  }
0x23f: {  	v28 =	vld [tilespmem:s28+$0x144B0]  }
0x240: {  	v33 =	vld [tilespmem:s28+$0x84B0]  }
0x241: {  	v15 =	vsub.f32 v15, v16;
	v29 =	vld [tilespmem:s28+$0x140C0]  }
0x242: {  	v16 =	vsub.f32 v17, v18;
	v4 =	vsub.f32 v21, v22;
	v34 =	vld [tilespmem:s28+$0x80C0]  }
0x243: {  	v17 =	vsub.f32 v25, v27;
	v3 =	vsub.f32 v23, v24;
	v31 =	vld [tilespmem:s28+$0x140D0]  }
0x244: {  	v18 =	vsub.f32 v20, v19;
	v6 =	vsub.f32 v26, v13;
	v35 =	vld [tilespmem:s28+$0x80D0]  }
0x245: {  	v21 =	vsub.f32 v14, v5;
	v5 =	vsub.f32 v12, v11;
	v23 =	vld [tilespmem:s28+$0x140E0]  }
0x246: {  	v22 =	vsub.f32 v30, v32;
	v12 =	vsub.f32 v2, v0;
	v26 =	vld [tilespmem:s28+$0x80E0]  }
0x247: {  	v11 =	vsub.f32 v1, v36;
	v24 =	vsub.f32 v37, v39;
	v38 =	vld [tilespmem:s28+$0x14080]  }
.Ltmp2:
0x248: {  	v25 =	vsub.f32 v41, v42;
	v14 =	vsub.f32 v43, v44;
	v40 =	vld [tilespmem:s28+$0x8080];
	(pc) =	sbr.rel @p0 .LBB2_6-.Ltmp2, $4  }
0x249: {  	v13 =	vsub.f32 v45, v46;
	v30 =	vsub.f32 v47, v48;
	v39 =	vld [tilespmem:s28+$0x14090]  }
0x24a: {  	v32 =	vsub.f32 v49, v50;
	v20 =	vsub.f32 v51, v52;
	v42 =	vld [tilespmem:s28+$0x8090]  }
0x24b: {  	v19 =	vsub.f32 v53, v54;
	v36 =	vsub.f32 v55, v56;
	v41 =	vld [tilespmem:s28+$0x140A0]  }
0x24c: {  	s29 =	sadd.s32 $0x200, s29;
	v37 =	vsub.f32 v57, v58;
	v27 =	vsub.f32 v59, v60;
	v43 =	vld [tilespmem:s28+$0x80A0]  }
0x24d: {  	v0 =	vld [tilespmem:s28+$0x140B0]  }
0x24e: {  	v1 =	vld [tilespmem:s28+$0x80B0]  }
0x24f: {  	v2 =	vld [tilespmem:s28+$0x140F0]  }
0x250: {  	v44 =	vld [tilespmem:s28+$0x80F0];
	_ =	swait.ge [sflag:s30], $0x4000  }
0x251: {  	[sflag:s30] =	ssyncset.done $0x0  }
0x252: {  	[sflag:s30] =	ssyncadd.s32 $0xFFFFC000  }
0x253: {  	s28 =	simm.s32 $0x0;
	_ =	swait.ge [sflag:s31], $0x4000  }
0x254: {  	s13 =	sand.u32 $0x3000, s28;
	s24 =	sand.u32 $0x380, s28;
	[sflag:s31] =	ssyncset.done $0x0  }
0x255: {  	s26 =	sor.u32 s24, s13;
	[sflag:s31] =	ssyncadd.s32 $0xFFFFC000  }
0x256: {  	v45 =	vld [tilespmem:s26+$0xCCC0]  }
0x257: {  	v50 =	vld [tilespmem:s26+$0xCC0]  }
0x258: {  	v51 =	vld [tilespmem:s26+$0xCCD0]  }
0x259: {  	v52 =	vld [tilespmem:s26+$0xCD0]  }
0x25a: {  	v53 =	vld [tilespmem:s26+$0xCCE0]  }
0x25b: {  	v28 =	vsub.f32 v28, v33;
	v54 =	vld [tilespmem:s26+$0xCE0]  }
0x25c: {  	v29 =	vsub.f32 v29, v34;
	v31 =	vsub.f32 v31, v35;
	v55 =	vld [tilespmem:s26+$0xCCF0]  }
0x25d: {  	v23 =	vsub.f32 v23, v26;
	v19 =	vmul.f32 v19, v19;
	v14 =	vmul.f32 v14, v14;
	v56 =	vld [tilespmem:s26+$0xCF0]  }
0x25e: {  	v12 =	vmul.f32 v12, v12;
	v11 =	vmul.f32 v11, v11;
	v46 =	vsub.f32 v39, v42;
	v57 =	vld [tilespmem:s26+$0xCC80]  }
0x25f: {  	v6 =	vmul.f32 v6, v6;
	v29 =	vmul.f32 v29, v29;
	v47 =	vsub.f32 v41, v43;
	v59 =	vld [tilespmem:s26+$0xC80]  }
0x260: {  	v0 =	vsub.f32 v0, v1;
	v1 =	vmul.f32 v46, v46;
	v58 =	vld [tilespmem:s26+$0xCC90];
	[tilespmem:$0x1FD80] =	vst v45;
	v45 =	vsub.f32 v38, v40  }
0x261: {  	v23 =	vmul.f32 v23, v23;
	v2 =	vsub.f32 v2, v44;
	v60 =	vld [tilespmem:s26+$0xC90];
	v26 =	vmul.f32 v47, v47  }
0x262: {  	v61 =	vld [tilespmem:s26+$0xCCA0];
	v0 =	vmul.f32 v0, v0;
	v1 =	vadd.f32 v1, v9;
	v33 =	vmul.f32 v45, v45  }
0x263: {  	v62 =	vld [tilespmem:s26+$0xCCB0];
	v9 =	vmul.f32 v31, v31;
	v2 =	vmul.f32 v2, v2;
	v7 =	vadd.f32 v26, v7  }
0x264: {  	v63 =	vld [tilespmem:s26+$0xCB0];
	v26 =	vmul.f32 v30, v30;
	v0 =	vadd.f32 v0, v8;
	v10 =	vadd.f32 v33, v10  }
0x265: {  	v34 =	vld [tilespmem:s26+$0x890];
	v1 =	vadd.f32 v9, v1;
	v7 =	vadd.f32 v23, v7;
	v23 =	vmul.f32 v27, v27  }
0x266: {  	v35 =	vld [tilespmem:s26+$0x8A0];
	v9 =	vmul.f32 v36, v36;
	v8 =	vadd.f32 v29, v10;
	v10 =	vmul.f32 v37, v37  }
0x267: {  	v49 =	vld [tilespmem:s26+$0xC8B0];
	v27 =	vmul.f32 v28, v28;
	v0 =	vadd.f32 v2, v0;
	v7 =	vadd.f32 v23, v7  }
0x268: {  	v48 =	vld [tilespmem:s26+$0x8B0];
	v8 =	vadd.f32 v9, v8;
	v1 =	vadd.f32 v10, v1;
	v9 =	vmul.f32 v32, v32  }
0x269: {  	v41 =	vld [tilespmem:s26+$0xC4C0];
	v23 =	vmul.f32 v24, v24;
	v0 =	vadd.f32 v27, v0;
	v10 =	vmul.f32 v20, v20  }
0x26a: {  	v47 =	vld [tilespmem:s26+$0xC4D0];
	v8 =	vadd.f32 v26, v8;
	v1 =	vadd.f32 v9, v1;
	v9 =	vmul.f32 v25, v25  }
0x26b: {  	v46 =	vld [tilespmem:s26+$0xC4E0];
	v0 =	vadd.f32 v19, v0;
	v7 =	vadd.f32 v10, v7;
	v10 =	vmul.f32 v13, v13  }
0x26c: {  	v39 =	vld [tilespmem:s26+$0x4E0];
	v8 =	vadd.f32 v23, v8;
	v1 =	vadd.f32 v9, v1;
	v9 =	vmul.f32 v21, v21  }
0x26d: {  	v5 =	vmul.f32 v5, v5;
	v43 =	vld [tilespmem:s26+$0x4F0];
	v7 =	vadd.f32 v14, v7;
	v0 =	vadd.f32 v10, v0  }
0x26e: {  	v44 =	vld [tilespmem:s26+$0xC490];
	v13 =	vmul.f32 v22, v22;
	v10 =	vmul.f32 v17, v17;
	v8 =	vadd.f32 v9, v8  }
0x26f: {  	v4 =	vmul.f32 v4, v4;
	v42 =	vld [tilespmem:s26+$0x490];
	v7 =	vadd.f32 v12, v7;
	v0 =	vadd.f32 v11, v0  }
0x270: {  	v36 =	vld [tilespmem:s26+$0x4C0];
	v1 =	vadd.f32 v13, v1;
	v9 =	vmul.f32 v18, v18;
	v8 =	vadd.f32 v10, v8  }
0x271: {  	v3 =	vmul.f32 v3, v3;
	v28 =	vld [tilespmem:s26+$0x4B0];
	v7 =	vadd.f32 v6, v7;
	v0 =	vadd.f32 v5, v0  }
0x272: {  	[tilespmem:$0x1FE10] =	vst v58;
	v58 =	vld [tilespmem:s26+$0xCA0];
	v10 =	vmul.f32 v15, v15;
	v1 =	vadd.f32 v9, v1;
	v9 =	vmul.f32 v16, v16  }
0x273: {  	[tilespmem:$0x1FD90] =	vst v50;
	v5 =	vadd.f32 v4, v7;
	v7 =	vadd.f32 v3, v0;
	v0 =	vld [tilespmem:$0x1FD80]  }
0x274: {  	[tilespmem:$0x1FDA0] =	vst v51;
	v6 =	vadd.f32 v10, v8;
	v8 =	vadd.f32 v9, v1;
	v1 =	vld [tilespmem:$0x1FD90]  }
0x275: {  	[tilespmem:$0x1FE30] =	vst v61;
	v61 =	vld [tilespmem:s26+$0xC8C0]  }
0x276: {  	[tilespmem:$0x1FE40] =	vst v62;
	v62 =	vld [tilespmem:s26+$0x8C0]  }
0x277: {  	[tilespmem:$0x1FE50] =	vst v63;
	v63 =	vld [tilespmem:s26+$0xC8D0]  }
0x278: {  	[tilespmem:$0x1FDE0] =	vst v57;
	v57 =	vld [tilespmem:s26+$0x8D0]  }
0x279: {  	[tilespmem:$0x1FDB0] =	vst v52;
	v29 =	vsub.f32 v0, v1;
	v0 =	vld [tilespmem:$0x1FDA0]  }
0x27a: {  	[tilespmem:$0x1FDC0] =	vst v53;
	v1 =	vld [tilespmem:$0x1FDB0]  }
0x27b: {  	[tilespmem:$0x1FE00] =	vst v56;
	v56 =	vld [tilespmem:s26+$0xC8E0]  }
0x27c: {  	[tilespmem:$0x1FDF0] =	vst v55;
	v55 =	vld [tilespmem:s26+$0x8E0]  }
0x27d: {  	[tilespmem:$0x1FE20] =	vst v60;
	v60 =	vld [tilespmem:s26+$0xC8F0]  }
0x27e: {  	[tilespmem:$0x1FDD0] =	vst v54;
	v54 =	vld [tilespmem:s26+$0x8F0]  }
0x27f: {  	v18 =	vsub.f32 v0, v1;
	v0 =	vld [tilespmem:$0x1FDC0]  }
0x280: {  	v1 =	vld [tilespmem:$0x1FDD0]  }
0x281: {  	v53 =	vld [tilespmem:s26+$0xC880]  }
0x282: {  	v52 =	vld [tilespmem:s26+$0x880]  }
0x283: {  	v51 =	vld [tilespmem:s26+$0xC890]  }
0x284: {  	v50 =	vld [tilespmem:s26+$0xC8A0]  }
0x285: {  	v4 =	vsub.f32 v0, v1;
	v0 =	vld [tilespmem:$0x1FDE0]  }
0x286: {  	v38 =	vld [tilespmem:s26+$0x4D0]  }
0x287: {  	v40 =	vld [tilespmem:s26+$0xC480]  }
0x288: {  	v2 =	vld [tilespmem:s26+$0x4A0]  }
0x289: {  	v1 =	vld [tilespmem:$0x1FE00]  }
0x28a: {  	v30 =	vsub.f32 v0, v59;
	v0 =	vld [tilespmem:$0x1FDF0]  }
0x28b: {  	v45 =	vld [tilespmem:s26+$0xC4F0]  }
0x28c: {  	v27 =	vld [tilespmem:s26+$0xC0C0]  }
0x28d: {  	v36 =	vsub.f32 v41, v36;
	v41 =	vld [tilespmem:s26+$0x90]  }
0x28e: {  	v19 =	vld [tilespmem:s26+$0xC0E0]  }
0x28f: {  	v3 =	vsub.f32 v0, v1;
	v0 =	vld [tilespmem:$0x1FE10]  }
0x290: {  	v1 =	vld [tilespmem:$0x1FE20]  }
0x291: {  	v33 =	vld [tilespmem:s26+$0xC080]  }
0x292: {  	v37 =	vld [tilespmem:s26+$0x80]  }
0x293: {  	v20 =	vld [tilespmem:s26+$0x480]  }
0x294: {  	v25 =	vld [tilespmem:s26+$0xC4A0]  }
0x295: {  	v24 =	vsub.f32 v0, v1;
	v0 =	vld [tilespmem:$0x1FE30]  }
0x296: {  	v26 =	vld [tilespmem:s26+$0xC4B0]  }
0x297: {  	v22 =	vld [tilespmem:s26+$0xE0]  }
0x298: {  	v42 =	vsub.f32 v44, v42;
	v31 =	vsub.f32 v53, v52;
	v17 =	vld [tilespmem:s26+$0xD0]  }
0x299: {  	v34 =	vsub.f32 v51, v34;
	v38 =	vsub.f32 v47, v38;
	v1 =	vld [tilespmem:$0x1FE50]  }
0x29a: {  	v32 =	vsub.f32 v63, v57;
	v10 =	vsub.f32 v0, v58;
	v0 =	vld [tilespmem:$0x1FE40]  }
0x29b: {  	v23 =	vsub.f32 v61, v62;
	v14 =	vsub.f32 v50, v35;
	v35 =	vld [tilespmem:s26+$0xC090]  }
0x29c: {  	v21 =	vsub.f32 v46, v39;
	v40 =	vsub.f32 v40, v20;
	v16 =	vld [tilespmem:s26+$0xC0]  }
0x29d: {  	v20 =	vsub.f32 v45, v43;
	v12 =	vsub.f32 v56, v55;
	v15 =	vld [tilespmem:s26+$0xC0D0]  }
0x29e: {  	v39 =	vld [tilespmem:s26+$0xC0A0];
	v11 =	vsub.f32 v60, v54;
	v13 =	vsub.f32 v49, v48  }
0x29f: {  	s29 =	simm.s32 $0x200;
	v43 =	vld [tilespmem:s26+$0xA0];
	v25 =	vsub.f32 v25, v2;
	v9 =	vsub.f32 v0, v1  }
.LBB2_8:
0x2a0: {  	p0 =	sne.s32 s29, $0x3E00;
	v0 =	vld [tilespmem:s26+$0xC0B0];
	v1 =	vsub.f32 v26, v28;
	v2 =	vmul.f32 v29, v29;
	v26 =	vmul.f32 v18, v18  }
0x2a1: {  	v27 =	vsub.f32 v27, v16;
	v28 =	vmul.f32 v30, v30;
	v29 =	vmul.f32 v24, v24;
	s28 =	sadd.s32 $0x80, s28;
	v18 =	vld [tilespmem:s26+$0xB0]  }
0x2a2: {  	s13 =	sand.u32 $0x3000, s29;
	v24 =	vsub.f32 v15, v17;
	v44 =	vmul.f32 v23, v23;
	v32 =	vmul.f32 v32, v32;
	s24 =	sand.u32 $0x380, s28;
	v30 =	vld [tilespmem:s26+$0xC0F0]  }
0x2a3: {  	v23 =	vsub.f32 v33, v37;
	v31 =	vmul.f32 v31, v31;
	v34 =	vmul.f32 v34, v34;
	v33 =	vld [tilespmem:s26+$0xF0];
	s26 =	sor.u32 s24, s13  }
0x2a4: {  	v36 =	vmul.f32 v36, v36;
	v37 =	vmul.f32 v38, v38;
	v35 =	vsub.f32 v35, v41;
	v15 =	vld [tilespmem:s26+$0xCCC0]  }
0x2a5: {  	v38 =	vsub.f32 v39, v43;
	v39 =	vmul.f32 v40, v40;
	v40 =	vmul.f32 v42, v42;
	v16 =	vld [tilespmem:s26+$0xCC0]  }
0x2a6: {  	v27 =	vmul.f32 v27, v27;
	v41 =	vmul.f32 v24, v24;
	v17 =	vld [tilespmem:s26+$0xCCD0];
	v0 =	vsub.f32 v0, v18  }
0x2a7: {  	v23 =	vmul.f32 v23, v23;
	v24 =	vmul.f32 v35, v35;
	v35 =	vsub.f32 v19, v22;
	v18 =	vld [tilespmem:s26+$0xCD0]  }
0x2a8: {  	v38 =	vmul.f32 v38, v38;
	v19 =	vld [tilespmem:s26+$0xCCE0];
	v0 =	vmul.f32 v0, v0;
	v30 =	vsub.f32 v30, v33  }
0x2a9: {  	v6 =	vadd.f32 v23, v6;
	v8 =	vadd.f32 v24, v8;
	v33 =	vmul.f32 v35, v35;
	v22 =	vld [tilespmem:s26+$0xCE0]  }
0x2aa: {  	v5 =	vadd.f32 v38, v5;
	v23 =	vld [tilespmem:s26+$0xCCF0];
	v0 =	vadd.f32 v0, v7;
	v7 =	vmul.f32 v30, v30  }
0x2ab: {  	v25 =	vmul.f32 v25, v25;
	v6 =	vadd.f32 v27, v6;
	v8 =	vadd.f32 v41, v8;
	v24 =	vld [tilespmem:s26+$0xCF0]  }
0x2ac: {  	v1 =	vmul.f32 v1, v1;
	v5 =	vadd.f32 v33, v5;
	v30 =	vld [tilespmem:s26+$0xCC80];
	v0 =	vadd.f32 v7, v0  }
0x2ad: {  	v6 =	vadd.f32 v39, v6;
	v7 =	vadd.f32 v40, v8;
	v8 =	vmul.f32 v21, v21;
	v33 =	vld [tilespmem:s26+$0xC80]  }
0x2ae: {  	v5 =	vadd.f32 v25, v5;
	v21 =	vld [tilespmem:s26+$0xCC90];
	v0 =	vadd.f32 v1, v0;
	v1 =	vmul.f32 v20, v20  }
0x2af: {  	v14 =	vmul.f32 v14, v14;
	v6 =	vadd.f32 v36, v6;
	v7 =	vadd.f32 v37, v7;
	v20 =	vld [tilespmem:s26+$0xC90]  }
0x2b0: {  	v5 =	vadd.f32 v8, v5;
	v25 =	vld [tilespmem:s26+$0xCCA0];
	v0 =	vadd.f32 v1, v0;
	v1 =	vmul.f32 v13, v13  }
0x2b1: {  	v6 =	vadd.f32 v31, v6;
	v8 =	vmul.f32 v12, v12;
	v7 =	vadd.f32 v34, v7;
	v13 =	vld [tilespmem:s26+$0xCA0]  }
0x2b2: {  	v5 =	vadd.f32 v14, v5;
	v12 =	vld [tilespmem:s26+$0xCCB0];
	v0 =	vadd.f32 v1, v0;
	v1 =	vmul.f32 v11, v11  }
0x2b3: {  	v10 =	vmul.f32 v10, v10;
	v6 =	vadd.f32 v44, v6;
	v7 =	vadd.f32 v32, v7;
	v11 =	vld [tilespmem:s26+$0xCB0]  }
0x2b4: {  	v5 =	vadd.f32 v8, v5;
	v14 =	vld [tilespmem:s26+$0xC8C0];
	v0 =	vadd.f32 v1, v0;
	v1 =	vmul.f32 v9, v9  }
0x2b5: {  	v4 =	vmul.f32 v4, v4;
	v6 =	vadd.f32 v28, v6;
	v7 =	vadd.f32 v29, v7;
	v9 =	vld [tilespmem:s26+$0x8C0]  }
0x2b6: {  	v5 =	vadd.f32 v10, v5;
	v31 =	vld [tilespmem:s26+$0xC8D0];
	v0 =	vadd.f32 v1, v0;
	v1 =	vmul.f32 v3, v3  }
0x2b7: {  	v6 =	vadd.f32 v2, v6;
	v8 =	vadd.f32 v26, v7;
	v32 =	vld [tilespmem:s26+$0x8D0]  }
0x2b8: {  	v5 =	vadd.f32 v4, v5;
	v2 =	vld [tilespmem:s26+$0xC8E0];
	v7 =	vadd.f32 v1, v0  }
0x2b9: {  	v0 =	vld [tilespmem:s26+$0x8E0]  }
0x2ba: {  	v1 =	vld [tilespmem:s26+$0xC8F0]  }
0x2bb: {  	v34 =	vld [tilespmem:s26+$0x8F0]  }
0x2bc: {  	v35 =	vld [tilespmem:s26+$0xC880]  }
0x2bd: {  	v36 =	vld [tilespmem:s26+$0x880]  }
0x2be: {  	v38 =	vld [tilespmem:s26+$0xC890]  }
0x2bf: {  	v39 =	vld [tilespmem:s26+$0x890]  }
0x2c0: {  	v40 =	vld [tilespmem:s26+$0xC8A0]  }
0x2c1: {  	v41 =	vld [tilespmem:s26+$0x8A0]  }
0x2c2: {  	v42 =	vld [tilespmem:s26+$0xC8B0]  }
0x2c3: {  	v43 =	vld [tilespmem:s26+$0x8B0]  }
0x2c4: {  	v44 =	vld [tilespmem:s26+$0xC4C0]  }
0x2c5: {  	v45 =	vld [tilespmem:s26+$0x4C0]  }
0x2c6: {  	v46 =	vld [tilespmem:s26+$0xC4D0]  }
0x2c7: {  	v47 =	vld [tilespmem:s26+$0x4D0]  }
0x2c8: {  	v48 =	vld [tilespmem:s26+$0xC4E0]  }
0x2c9: {  	v49 =	vld [tilespmem:s26+$0x4E0]  }
0x2ca: {  	v50 =	vld [tilespmem:s26+$0xC4F0]  }
0x2cb: {  	v51 =	vld [tilespmem:s26+$0x4F0]  }
0x2cc: {  	v52 =	vld [tilespmem:s26+$0xC480]  }
0x2cd: {  	v53 =	vld [tilespmem:s26+$0x480]  }
0x2ce: {  	v54 =	vld [tilespmem:s26+$0xC490]  }
0x2cf: {  	v55 =	vld [tilespmem:s26+$0x490]  }
0x2d0: {  	v56 =	vld [tilespmem:s26+$0xC4A0]  }
0x2d1: {  	v57 =	vld [tilespmem:s26+$0x4A0]  }
0x2d2: {  	v26 =	vld [tilespmem:s26+$0xC4B0]  }
0x2d3: {  	v28 =	vld [tilespmem:s26+$0x4B0]  }
0x2d4: {  	v29 =	vsub.f32 v15, v16;
	v27 =	vld [tilespmem:s26+$0xC0C0]  }
0x2d5: {  	v18 =	vsub.f32 v17, v18;
	v4 =	vsub.f32 v19, v22;
	v16 =	vld [tilespmem:s26+$0xC0]  }
0x2d6: {  	v30 =	vsub.f32 v30, v33;
	v3 =	vsub.f32 v23, v24;
	v15 =	vld [tilespmem:s26+$0xC0D0]  }
0x2d7: {  	v24 =	vsub.f32 v21, v20;
	v10 =	vsub.f32 v25, v13;
	v17 =	vld [tilespmem:s26+$0xD0]  }
0x2d8: {  	v23 =	vsub.f32 v14, v9;
	v9 =	vsub.f32 v12, v11;
	v19 =	vld [tilespmem:s26+$0xC0E0]  }
0x2d9: {  	v32 =	vsub.f32 v31, v32;
	v12 =	vsub.f32 v2, v0;
	v22 =	vld [tilespmem:s26+$0xE0]  }
0x2da: {  	v11 =	vsub.f32 v1, v34;
	v31 =	vsub.f32 v35, v36;
	v33 =	vld [tilespmem:s26+$0xC080]  }
.Ltmp3:
0x2db: {  	v34 =	vsub.f32 v38, v39;
	v14 =	vsub.f32 v40, v41;
	v37 =	vld [tilespmem:s26+$0x80];
	(pc) =	sbr.rel @p0 .LBB2_8-.Ltmp3, $4  }
0x2dc: {  	v13 =	vsub.f32 v42, v43;
	v36 =	vsub.f32 v44, v45;
	v35 =	vld [tilespmem:s26+$0xC090]  }
0x2dd: {  	v38 =	vsub.f32 v46, v47;
	v21 =	vsub.f32 v48, v49;
	v41 =	vld [tilespmem:s26+$0x90]  }
0x2de: {  	v20 =	vsub.f32 v50, v51;
	v40 =	vsub.f32 v52, v53;
	v39 =	vld [tilespmem:s26+$0xC0A0]  }
0x2df: {  	s29 =	sadd.s32 $0x200, s29;
	v42 =	vsub.f32 v54, v55;
	v25 =	vsub.f32 v56, v57;
	v43 =	vld [tilespmem:s26+$0xA0]  }
0x2e0: {  	v2 =	vmul.f32 v29, v29  }
0x2e1: {  	v0 =	vld [tilespmem:s26+$0xC0B0];
	v18 =	vmul.f32 v18, v18;
	v44 =	vmul.f32 v30, v30  }
0x2e2: {  	v1 =	vsub.f32 v26, v28;
	v63 =	vld [tilespmem:s26+$0xB0];
	v24 =	vmul.f32 v24, v24;
	v23 =	vmul.f32 v23, v23  }
0x2e3: {  	v16 =	vsub.f32 v27, v16;
	v45 =	vld [tilespmem:s26+$0xC0F0];
	v46 =	vmul.f32 v32, v32;
	v31 =	vmul.f32 v31, v31  }
0x2e4: {  	v15 =	vsub.f32 v15, v17;
	v48 =	vld [tilespmem:s26+$0xF0];
	v49 =	vmul.f32 v34, v34;
	v51 =	vmul.f32 v36, v36  }
0x2e5: {  	v47 =	vsub.f32 v33, v37;
	v52 =	vmul.f32 v38, v38;
	v54 =	vmul.f32 v40, v40  }
0x2e6: {  	v55 =	vmul.f32 v42, v42;
	v50 =	vsub.f32 v35, v41;
	v16 =	vmul.f32 v16, v16  }
0x2e7: {  	v15 =	vmul.f32 v15, v15;
	v53 =	vsub.f32 v39, v43;
	v0 =	vsub.f32 v0, v63  }
0x2e8: {  	v19 =	vsub.f32 v19, v22;
	v56 =	vmul.f32 v47, v47;
	v57 =	vmul.f32 v50, v50  }
0x2e9: {  	v17 =	vsub.f32 v45, v48;
	v58 =	vmul.f32 v53, v53;
	v0 =	vmul.f32 v0, v0  }
0x2ea: {  	v19 =	vmul.f32 v19, v19;
	v6 =	vadd.f32 v56, v6;
	v8 =	vadd.f32 v57, v8  }
0x2eb: {  	v59 =	vmul.f32 v17, v17;
	v5 =	vadd.f32 v58, v5;
	v0 =	vadd.f32 v0, v7  }
0x2ec: {  	v60 =	vmul.f32 v25, v25;
	v6 =	vadd.f32 v16, v6;
	v8 =	vadd.f32 v15, v8  }
0x2ed: {  	v1 =	vmul.f32 v1, v1;
	v5 =	vadd.f32 v19, v5;
	v0 =	vadd.f32 v59, v0  }
0x2ee: {  	v62 =	vmul.f32 v21, v21;
	v6 =	vadd.f32 v54, v6;
	v61 =	vadd.f32 v55, v8  }
0x2ef: {  	v5 =	vadd.f32 v60, v5;
	v0 =	vadd.f32 v1, v0;
	v1 =	vmul.f32 v20, v20  }
0x2f0: {  	v14 =	vmul.f32 v14, v14;
	v6 =	vadd.f32 v51, v6;
	v7 =	vadd.f32 v52, v61  }
0x2f1: {  	v5 =	vadd.f32 v62, v5;
	v0 =	vadd.f32 v1, v0;
	v1 =	vmul.f32 v13, v13  }
0x2f2: {  	v63 =	vmul.f32 v12, v12;
	v6 =	vadd.f32 v31, v6;
	v7 =	vadd.f32 v49, v7  }
0x2f3: {  	v5 =	vadd.f32 v14, v5;
	v0 =	vadd.f32 v1, v0;
	v1 =	vmul.f32 v11, v11  }
0x2f4: {  	v10 =	vmul.f32 v10, v10;
	v6 =	vadd.f32 v23, v6;
	v7 =	vadd.f32 v46, v7  }
0x2f5: {  	v5 =	vadd.f32 v63, v5;
	v0 =	vadd.f32 v1, v0;
	v1 =	vmul.f32 v9, v9  }
0x2f6: {  	v4 =	vmul.f32 v4, v4;
	v6 =	vadd.f32 v44, v6;
	v7 =	vadd.f32 v24, v7  }
0x2f7: {  	v5 =	vadd.f32 v10, v5;
	v0 =	vadd.f32 v1, v0;
	v1 =	vmul.f32 v3, v3  }
0x2f8: {  	v2 =	vadd.f32 v2, v6;
	v3 =	vadd.f32 v18, v7  }
0x2f9: {  	v4 =	vadd.f32 v4, v5;
	v0 =	vadd.f32 v1, v0;
	_ =	sdelay $0x1  }
0x2fa: {  	v1 =	vadd.f32 v3, v2;
	v0 =	vadd.f32 v0, v4;
	_ =	sdelay $0x1  }
0x2fb: {  	v0 =	vadd.f32 v0, v1;
	_ =	sdelay $0x1  }
0x2fc: {  	v0 =	vmul.f32 $1.220703130e-04, v0  }
0x2fd: {  	s25 =	sadd.s32 $0x1, s25  }
0x2fe: {  	s13 =	simm.s32 $0x18080;
	p0 =	sne.s32 s25, s11;
	[tilespmem:$0x18080] =	vst v0  }
0x2ff: {  	[hbm4b:s10+s3] =	stream.linear.scatter [tilespmem:s13], [sflag:$0x7], $0x80, $0x38;
	[tilespmem:$0x18100] =	vst v63  }
.Ltmp4:
0x300: {  	_ = 	snop;
	(pc) =	sbr.rel @p0 .LBB2_1-.Ltmp4, $4  }
0x301: {  	_ =	swait.ge [sflag:s12], $0x80  }
0x302: {  	v0 =	vld [tilespmem:$0x1FFD0]  }
0x303: {  	[sflag:s12] =	ssyncset.done $0x0;
	v1 =	vld [tilespmem:$0x1FFE0]  }
0x304: {  	v2 =	vld [tilespmem:$0x1FFF0];
	[sflag:s12] =	ssyncadd.s32 $0xFFFFFF80  }
0x305: {  	_ =	sfence.sel $0x180000  }
0x306: {  	[bflag:$0x0] =	sbarrier.arrive $0xFFFF  }
0x307: {  	_ =	strace $0x90000047  }
0x308: {  	s0 =	stileid.u32;
	[bflag:$0x2] =	sbarrier.arrive $0xFFFF  }
0x309: {  	p0 =	sne.s32 s0, $0x0;
	s0 =	rddreg [dreg:$0x4]  }
0x30a: {  	s0 =	sadd.s32 @!p0 $0x100000, s0  }
0x30b: {  	[sflag:s0] =	ssyncadd.tile.s32 @!p0 $0x1;
	_ =	shalt  }
.Lfunc_end2:
_tile_overlayer_lowered:
.L_overlay_start_2:
0x30c: {  	(tag) =	ssettag $0x2  }
0x30d: {  	s0 =	rddreg [dreg:$0x0];
	s2 =	stileid.u32  }
0x30e: {  	s1 =	rddreg [dreg:$0x1];
	p0 =	sne.s32 s2, $0x0  }
0x30f: {  	s3 =	rddreg [dreg:$0x2];
	[bflag:$0x3] =	sbarrier.arrive $0xFFFF;
	s2 =	simm.s32 @!p0 $0x1C07  }
0x310: {  	[timem:s3], [sflag:s2] =	dma.local @!p0 [hbm:s0], s1  }
0x311: {  	s0 =	simm.s32 @!p0 $0x7  }
0x312: {  	_ =	swait.ge @!p0 [sflag:s0], s1  }
0x313: {  	s1 =	ssub.s32 @!p0 $0x0, s1;
	[sflag:s0] =	ssyncset.done @!p0 $0x0  }
0x314: {  	[sflag:s0] =	ssyncadd.s32 @!p0 s1  }
0x315: {  	[bflag:$0x3] =	sbarrier.arrive $0xFFFF  }
0x316: {  	_ =	shalt  }

</sc_bundles>
